<compile_context>
chip_gen: v7x
topology: tpu7x:2x2x1
jax: 0.10.2.dev20260603
libtpu: 0.0.44.dev20260713+nightly
codegen_flags: <defaults>
</compile_context>

<pallas_src>
import functools

import jax
import jax.numpy as jnp
from jax.experimental import pallas as pl
from jax.experimental.pallas import tpu as pltpu
from jax.experimental.pallas import tpu_sc as plsc

_N = 4096
_D_IN = 2048
_D_FEAT = 512
_K = 8
_RB = 256
_PB = 512
_NW = 32
_SC_N = 2048
_SC_ROWS = _SC_N // _NW
_CAPL = 16
_CAP = 16 * _CAPL


def _proj_kernel(x_ref, w_ref, o_ref):
    o_ref[...] = jax.lax.dot_general(
        x_ref[...], w_ref[...], (((1,), (0,)), ((), ())),
        preferred_element_type=jnp.float32)


def _project(images, w):
    return pl.pallas_call(
        _proj_kernel,
        grid=(_N // _PB,),
        in_specs=[
            pl.BlockSpec((_PB, _D_IN), lambda i: (i, 0)),
            pl.BlockSpec((_D_IN, _D_FEAT), lambda i: (0, 0)),
        ],
        out_specs=pl.BlockSpec((_PB, _D_FEAT), lambda i: (i, 0)),
        out_shape=jax.ShapeDtypeStruct((_N, _D_FEAT), jnp.float32),
    )(images, w)


def _d2_block(pts_ref, sq_ref, i, *, first=None):
    pts = pts_ref[...]
    if first is None:
        first = i == 0

    @pl.when(first)
    def _():
        s = jnp.sum(pts * pts, axis=1, keepdims=True)
        sq_ref[...] = jax.lax.transpose(s, (1, 0))

    sq = sq_ref[...]
    q = pts_ref[pl.ds(i * _RB, _RB), :]
    qsq = jnp.sum(q * q, axis=1, keepdims=True)
    mm = jax.lax.dot_general(
        q, pts, (((1,), (1,)), ((), ())),
        preferred_element_type=jnp.float32)
    return qsq + sq - 2.0 * mm


def _knn_kernel(pts_ref, nbr_ref, sq_ref, *, block_offset=0):
    i = pl.program_id(0) + block_offset
    d2 = _d2_block(pts_ref, sq_ref, i, first=pl.program_id(0) == 0)

    cols = jax.lax.broadcasted_iota(
        jnp.int32, (_RB, _N), 1).astype(jnp.float32)
    kcols = jax.lax.broadcasted_iota(jnp.int32, (_RB, _K), 1)
    nbr = jnp.zeros((_RB, _K), jnp.int32)
    big = jnp.float32(_N)
    for t in range(_K + 1):
        mv = jnp.min(d2, axis=1, keepdims=True)
        idx = jnp.min(jnp.where(d2 == mv, cols, big), axis=1,
                      keepdims=True)
        if t > 0:
            nbr = jnp.where(kcols == (t - 1), idx.astype(jnp.int32), nbr)
        d2 = jnp.where(cols == idx, jnp.inf, d2)
    nbr_ref[...] = nbr


def _knn_neighbors(pts, block_offset=0):
    d = pts.shape[1]
    nblk = _N // _RB - block_offset
    return pl.pallas_call(
        functools.partial(_knn_kernel, block_offset=block_offset),
        grid=(nblk,),
        in_specs=[pl.BlockSpec((_N, d), lambda i: (0, 0))],
        out_specs=pl.BlockSpec((_RB, _K), lambda i: (i, 0)),
        out_shape=jax.ShapeDtypeStruct((nblk * _RB, _K), jnp.int32),
        scratch_shapes=[pltpu.VMEM((1, _N), jnp.float32)],
    )(pts)


def _d2_kernel(pts_ref, d2_ref, sq_ref):
    i = pl.program_id(0)
    d2_ref[...] = _d2_block(pts_ref, sq_ref, i)


def _d2_matrix(pts, nrows):
    d = pts.shape[1]
    return pl.pallas_call(
        _d2_kernel,
        grid=(nrows // _RB,),
        in_specs=[pl.BlockSpec((_N, d), lambda i: (0, 0))],
        out_specs=pl.BlockSpec((_RB, _N), lambda i: (i, 0)),
        out_shape=jax.ShapeDtypeStruct((nrows, _N), jnp.float32),
        scratch_shapes=[pltpu.VMEM((1, _N), jnp.float32)],
    )(pts)


def _sc_topk_body(d2_hbm, out_hbm, row_v, cand_v, candi_v, res_v):
    c = jax.lax.axis_index("c")
    s = jax.lax.axis_index("s")
    wid = s * 2 + c
    base = wid * _SC_ROWS
    lane = jax.lax.iota(jnp.int32, 16)
    inf = jnp.full((16,), jnp.inf, jnp.float32)
    bigi = jnp.full((16,), jnp.int32(1 << 30), jnp.int32)

    def row_body(r, carry):
        pltpu.sync_copy(d2_hbm.at[base + r], row_v)

        def amin(j, m):
            for u in range(8):
                m = jnp.minimum(m, row_v[pl.ds((j * 8 + u) * 16, 16)])
            return m
        m = jax.lax.fori_loop(0, _N // 128, amin, inf)
        skey, _ = plsc.sort_key_val(m, m)
        tval = jnp.min(jnp.where(lane == 8, skey, jnp.inf))

        for k in range(_CAP // 16):
            cand_v[pl.ds(k * 16, 16)] = inf
            candi_v[pl.ds(k * 16, 16)] = bigi
        lane_base = lane * _CAPL

        def bcol(j, cnt):
            for u in range(4):
                jj = j * 4 + u
                v = row_v[pl.ds(jj * 16, 16)]
                vi = lane + jj * 16
                msk = v <= tval
                st = jnp.logical_and(msk, cnt < _CAPL)
                pos = lane_base + cnt
                plsc.store_scatter(cand_v, [pos], v, mask=st)
                plsc.store_scatter(candi_v, [pos], vi, mask=st)
                cnt = cnt + msk.astype(jnp.int32)
            return cnt
        jax.lax.fori_loop(0, _N // 64, bcol, jnp.zeros((16,), jnp.int32))

        cvs = [cand_v[pl.ds(k * 16, 16)] for k in range(_CAP // 16)]
        cis = [candi_v[pl.ds(k * 16, 16)] for k in range(_CAP // 16)]
        out_vec = jnp.zeros((16,), jnp.int32)
        for t in range(_K + 1):
            mv = cvs[0]
            for k in range(1, len(cvs)):
                mv = jnp.minimum(mv, cvs[k])
            mval = jnp.min(mv)
            mi = bigi
            for k in range(len(cvs)):
                mi = jnp.minimum(mi, jnp.where(cvs[k] == mval, cis[k], bigi))
            midx = jnp.min(mi)
            out_vec = jnp.where(lane == t, midx, out_vec)
            for k in range(len(cvs)):
                cvs[k] = jnp.where(cis[k] == midx, jnp.inf, cvs[k])
        res_v[pl.ds(r * 16, 16)] = out_vec
        return carry

    jax.lax.fori_loop(0, _SC_ROWS, row_body, jnp.int32(0))
    pltpu.sync_copy(res_v, out_hbm.at[pl.ds(base * 16, _SC_ROWS * 16)])


def _sc_topk(d2):
    mesh = plsc.VectorSubcoreMesh(core_axis_name="c", subcore_axis_name="s")
    fn = functools.partial(
        pl.kernel,
        mesh=mesh,
        out_type=jax.ShapeDtypeStruct((_SC_N * 16,), jnp.int32),
        scratch_types=[
            pltpu.VMEM((_N,), jnp.float32),
            pltpu.VMEM((_CAP,), jnp.float32),
            pltpu.VMEM((_CAP,), jnp.int32),
            pltpu.VMEM((_SC_ROWS * 16,), jnp.int32),
        ],
        compiler_params=pltpu.CompilerParams(needs_layout_passes=False),
    )(_sc_topk_body)
    return fn(d2)


def kernel(images, img_coords, W):
    features = _project(images, W)
    d2_spatial = _d2_matrix(img_coords, _SC_N)
    nbr_sc16 = _sc_topk(d2_spatial).reshape(_SC_N, 16)
    nbr_latent = _knn_neighbors(features)
    nbr_sp_tail = _knn_neighbors(img_coords, block_offset=_SC_N // _RB)
    nbr_spatial = jnp.concatenate(
        [nbr_sc16[:, 1:_K + 1], nbr_sp_tail], axis=0)
    src = jnp.repeat(jnp.arange(_N, dtype=jnp.int32), _K)
    edge_spatial = jnp.stack([src, nbr_spatial.reshape(-1)], axis=0)
    edge_latent = jnp.stack([src, nbr_latent.reshape(-1)], axis=0)
    return features, edge_spatial, edge_latent, img_coords

# --- scband reference (transcript-rebuilt; emitter-appended) ---
"""Pipeline reference for scband-imgs2graph-72181220376628 (READ-ONLY COPY).

The authoritative reference and input builder live on the scoring server;
editing this copy changes nothing except your own understanding.
"""

import jax, jax.numpy as jnp
import numpy as np

KNN = 8
N_PATCH = 4096
D_IN = 2048
D_FEAT = 512


def knn_graph(points, k):
    # exact brute-force kNN in L2 (stand-in for HNSW approximate search)
    sq = jnp.sum(points * points, axis=1)
    d2 = sq[:, None] + sq[None, :] - 2.0 * (points @ points.T)
    # k+1 nearest (radius = knn + 1), then drop self (nearest, dist 0)
    _, idx = jax.lax.top_k(-d2, k + 1)
    nbrs = idx[:, 1:]
    n = points.shape[0]
    src = jnp.repeat(jnp.arange(n, dtype=jnp.int32), k)
    dst = nbrs.reshape(-1).astype(jnp.int32)
    return jnp.stack([src, dst], axis=0)


def setup_inputs(seed: int = 0) -> dict:
    key = jax.random.key(seed)
    k1, k2, k3 = jax.random.split(key, 3)
    images = jax.random.normal(k1, (N_PATCH, D_IN), dtype=jnp.float32)
    img_coords = jax.random.uniform(k2, (N_PATCH, 2), dtype=jnp.float32) * 100.0
    # encoder surrogate: learned projection (CNN backbone + adaptive avg pool -> D_FEAT)
    W = jax.random.normal(k3, (D_IN, D_FEAT), dtype=jnp.float32) * 0.02
    return {"images": images, "img_coords": img_coords, "W": W}


def reference(images, img_coords, W):
    # Encoder: feature extraction (backbone -> global avg pool), modeled as projection
    features = images @ W  # [N, D_FEAT]
    assert img_coords.shape[0] == features.shape[0]
    num_patches = img_coords.shape[0]
    radius = KNN + 1
    if num_patches <= radius:
        radius = num_patches
    k = radius - 1
    # spatial kNN graph over coordinates
    edge_spatial = knn_graph(img_coords, k)
    # latent kNN graph over features (original code queried with coords -- a bug; we
    # query the feature index with features, the intended semantics)
    edge_latent = knn_graph(features, k)
    # G = Data(x=features, edge_index=edge_spatial, edge_latent=edge_latent, centroid=coords)
    return features, edge_spatial, edge_latent, img_coords

if __name__ == "__main__":
    import jax
    _d = setup_inputs()
    print(jax.jit(kernel)(*tuple(_d.values())))

</pallas_src>

<mosaic_0001>
#map = affine_map<(d0, d1) -> (0, 0)>
#map1 = affine_map<(d0, d1) -> (0)>
module attributes {stable_mosaic.version = 14 : i64} {
  func.func @_sc_topk_body(%arg0: i32, %arg1: i32, %arg2: memref<2048x4096xf32, #tpu.memory_space<hbm>>, %arg3: memref<32768xi32, #tpu.memory_space<hbm>>, %arg4: memref<4096xf32, #tpu.memory_space<vmem>>, %arg5: memref<256xf32, #tpu.memory_space<vmem>>, %arg6: memref<256xi32, #tpu.memory_space<vmem>>, %arg7: memref<1024xi32, #tpu.memory_space<vmem>>) attributes {dimension_semantics = [#tpu.dimension_semantics<core_parallel>, #tpu.dimension_semantics<subcore_parallel>], iteration_bounds = array<i64: 2, 16>, scalar_prefetch = 0 : i64, scratch_operands = 4 : i64, tpu.core_type = #tpu.core_type<sc_vector_subcore>, window_params = [{transform_indices = #map}, {transform_indices = #map1}]} {
    %mul3A = arith.constant 2 : i32
    %mul3A_0 = arith.muli %arg1, %mul3A : i32
    %add3A = arith.addi %mul3A_0, %arg0 : i32
    %mul3A_1 = arith.constant 64 : i32
    %mul3A_2 = arith.muli %add3A, %mul3A_1 : i32
    %iota3A = tpu.iota {dimensions = array<i32: 0>} : vector<16xi32>
    %broadcast_in_dim3A = arith.constant 0x7F800000 : f32
    %broadcast_in_dim3A_3 = vector.broadcast %broadcast_in_dim3A : f32 to vector<16xf32>
    %broadcast_in_dim3A_4 = arith.constant 1073741824 : i32
    %broadcast_in_dim3A_5 = vector.broadcast %broadcast_in_dim3A_4 : i32 to vector<16xi32>
    %scan3A = arith.constant 0 : i32
    %scan3A_6 = arith.constant 0 : i32
    %scan3A_7 = arith.constant 64 : i32
    %scan3A_8 = arith.addi %scan3A_6, %scan3A_7 : i32
    %scan3A_9 = arith.constant 1 : i32
    scf.for %scan3A_13 = %scan3A_6 to %scan3A_8 step %scan3A_9  : i32 {
      %add3A_14 = arith.addi %mul3A_2, %scan3A_13 : i32
      "tpu.region"() ({
        %run_scoped3A = tpu.sem_alloc : memref<!tpu.dma_semaphore, #tpu.memory_space<semaphore_mem>>
        %dma_start3A = arith.constant 0 : i32
        %dma_start3A_1756 = tpu.memref_slice %arg2[%add3A_14, %dma_start3A] : memref<2048x4096xf32, #tpu.memory_space<hbm>> -> memref<1x4096xf32, #tpu.memory_space<hbm>>
        %dma_start3A_1757 = tpu.memref_squeeze %dma_start3A_1756 : memref<1x4096xf32, #tpu.memory_space<hbm>> -> memref<4096xf32, #tpu.memory_space<hbm>>
        %dma_start3A_1758 = arith.constant 0 : i32
        %dma_start3A_1759 = tpu.memref_slice %arg2[%add3A_14, %dma_start3A_1758] : memref<2048x4096xf32, #tpu.memory_space<hbm>> -> memref<1x4096xf32, #tpu.memory_space<hbm>>
        %dma_start3A_1760 = tpu.memref_squeeze %dma_start3A_1759 : memref<1x4096xf32, #tpu.memory_space<hbm>> -> memref<4096xf32, #tpu.memory_space<hbm>>
        tpu.enqueue_dma source(%dma_start3A_1760 : memref<4096xf32, #tpu.memory_space<hbm>>) target(%arg4 : memref<4096xf32, #tpu.memory_space<vmem>>) target_semaphore(%run_scoped3A : memref<!tpu.dma_semaphore, #tpu.memory_space<semaphore_mem>>)
        %dma_wait3A = arith.constant 0 : i32
        %dma_wait3A_1761 = tpu.memref_slice %arg2[%add3A_14, %dma_wait3A] : memref<2048x4096xf32, #tpu.memory_space<hbm>> -> memref<1x4096xf32, #tpu.memory_space<hbm>>
        %dma_wait3A_1762 = tpu.memref_squeeze %dma_wait3A_1761 : memref<1x4096xf32, #tpu.memory_space<hbm>> -> memref<4096xf32, #tpu.memory_space<hbm>>
        %dma_wait3A_1763 = arith.constant 0 : i32
        %dma_wait3A_1764 = tpu.memref_slice %arg2[%add3A_14, %dma_wait3A_1763] : memref<2048x4096xf32, #tpu.memory_space<hbm>> -> memref<1x4096xf32, #tpu.memory_space<hbm>>
        %dma_wait3A_1765 = tpu.memref_squeeze %dma_wait3A_1764 : memref<1x4096xf32, #tpu.memory_space<hbm>> -> memref<4096xf32, #tpu.memory_space<hbm>>
        tpu.wait_dma2 semaphore(%run_scoped3A : memref<!tpu.dma_semaphore, #tpu.memory_space<semaphore_mem>>) src(%dma_wait3A_1765 : memref<4096xf32, #tpu.memory_space<hbm>>) dst(%arg4 : memref<4096xf32, #tpu.memory_space<vmem>>)
        tpu.yield
      }) : () -> ()
      %scan3A_15 = arith.constant 0 : i32
      %scan3A_16 = arith.constant 32 : i32
      %scan3A_17 = arith.addi %scan3A_15, %scan3A_16 : i32
      %scan3A_18 = arith.constant 1 : i32
      %scan3A_19 = scf.for %scan3A_1756 = %scan3A_15 to %scan3A_17 step %scan3A_18 iter_args(%scan3A_1757 = %broadcast_in_dim3A_3) -> (vector<16xf32>)  : i32 {
        %mul3A_1758 = arith.constant 8 : i32
        %mul3A_1759 = arith.muli %scan3A_1756, %mul3A_1758 : i32
        %add3A_1760 = arith.constant 0 : i32
        %add3A_1761 = arith.addi %mul3A_1759, %add3A_1760 : i32
        %mul3A_1762 = arith.constant 16 : i32
        %mul3A_1763 = arith.muli %add3A_1761, %mul3A_1762 : i32
        %get3A_1764 = arith.index_cast %mul3A_1763 : i32 to index
        %get3A_1765 = tpu.vector_load %arg4[%get3A_1764] {strides = array<i32>} : memref<4096xf32, #tpu.memory_space<vmem>>, vector<16xf32>,
        %min3A_1766 = arith.minimumf %scan3A_1757, %get3A_1765 : vector<16xf32>
        %mul3A_1767 = arith.constant 8 : i32
        %mul3A_1768 = arith.muli %scan3A_1756, %mul3A_1767 : i32
        %add3A_1769 = arith.constant 1 : i32
        %add3A_1770 = arith.addi %mul3A_1768, %add3A_1769 : i32
        %mul3A_1771 = arith.constant 16 : i32
        %mul3A_1772 = arith.muli %add3A_1770, %mul3A_1771 : i32
        %get3A_1773 = arith.index_cast %mul3A_1772 : i32 to index
        %get3A_1774 = tpu.vector_load %arg4[%get3A_1773] {strides = array<i32>} : memref<4096xf32, #tpu.memory_space<vmem>>, vector<16xf32>,
        %min3A_1775 = arith.minimumf %min3A_1766, %get3A_1774 : vector<16xf32>
        %mul3A_1776 = arith.constant 8 : i32
        %mul3A_1777 = arith.muli %scan3A_1756, %mul3A_1776 : i32
        %add3A_1778 = arith.constant 2 : i32
        %add3A_1779 = arith.addi %mul3A_1777, %add3A_1778 : i32
        %mul3A_1780 = arith.constant 16 : i32
        %mul3A_1781 = arith.muli %add3A_1779, %mul3A_1780 : i32
        %get3A_1782 = arith.index_cast %mul3A_1781 : i32 to index
        %get3A_1783 = tpu.vector_load %arg4[%get3A_1782] {strides = array<i32>} : memref<4096xf32, #tpu.memory_space<vmem>>, vector<16xf32>,
        %min3A_1784 = arith.minimumf %min3A_1775, %get3A_1783 : vector<16xf32>
        %mul3A_1785 = arith.constant 8 : i32
        %mul3A_1786 = arith.muli %scan3A_1756, %mul3A_1785 : i32
        %add3A_1787 = arith.constant 3 : i32
        %add3A_1788 = arith.addi %mul3A_1786, %add3A_1787 : i32
        %mul3A_1789 = arith.constant 16 : i32
        %mul3A_1790 = arith.muli %add3A_1788, %mul3A_1789 : i32
        %get3A_1791 = arith.index_cast %mul3A_1790 : i32 to index
        %get3A_1792 = tpu.vector_load %arg4[%get3A_1791] {strides = array<i32>} : memref<4096xf32, #tpu.memory_space<vmem>>, vector<16xf32>,
        %min3A_1793 = arith.minimumf %min3A_1784, %get3A_1792 : vector<16xf32>
        %mul3A_1794 = arith.constant 8 : i32
        %mul3A_1795 = arith.muli %scan3A_1756, %mul3A_1794 : i32
        %add3A_1796 = arith.constant 4 : i32
        %add3A_1797 = arith.addi %mul3A_1795, %add3A_1796 : i32
        %mul3A_1798 = arith.constant 16 : i32
        %mul3A_1799 = arith.muli %add3A_1797, %mul3A_1798 : i32
        %get3A_1800 = arith.index_cast %mul3A_1799 : i32 to index
        %get3A_1801 = tpu.vector_load %arg4[%get3A_1800] {strides = array<i32>} : memref<4096xf32, #tpu.memory_space<vmem>>, vector<16xf32>,
        %min3A_1802 = arith.minimumf %min3A_1793, %get3A_1801 : vector<16xf32>
        %mul3A_1803 = arith.constant 8 : i32
        %mul3A_1804 = arith.muli %scan3A_1756, %mul3A_1803 : i32
        %add3A_1805 = arith.constant 5 : i32
        %add3A_1806 = arith.addi %mul3A_1804, %add3A_1805 : i32
        %mul3A_1807 = arith.constant 16 : i32
        %mul3A_1808 = arith.muli %add3A_1806, %mul3A_1807 : i32
        %get3A_1809 = arith.index_cast %mul3A_1808 : i32 to index
        %get3A_1810 = tpu.vector_load %arg4[%get3A_1809] {strides = array<i32>} : memref<4096xf32, #tpu.memory_space<vmem>>, vector<16xf32>,
        %min3A_1811 = arith.minimumf %min3A_1802, %get3A_1810 : vector<16xf32>
        %mul3A_1812 = arith.constant 8 : i32
        %mul3A_1813 = arith.muli %scan3A_1756, %mul3A_1812 : i32
        %add3A_1814 = arith.constant 6 : i32
        %add3A_1815 = arith.addi %mul3A_1813, %add3A_1814 : i32
        %mul3A_1816 = arith.constant 16 : i32
        %mul3A_1817 = arith.muli %add3A_1815, %mul3A_1816 : i32
        %get3A_1818 = arith.index_cast %mul3A_1817 : i32 to index
        %get3A_1819 = tpu.vector_load %arg4[%get3A_1818] {strides = array<i32>} : memref<4096xf32, #tpu.memory_space<vmem>>, vector<16xf32>,
        %min3A_1820 = arith.minimumf %min3A_1811, %get3A_1819 : vector<16xf32>
        %mul3A_1821 = arith.constant 8 : i32
        %mul3A_1822 = arith.muli %scan3A_1756, %mul3A_1821 : i32
        %add3A_1823 = arith.constant 7 : i32
        %add3A_1824 = arith.addi %mul3A_1822, %add3A_1823 : i32
        %mul3A_1825 = arith.constant 16 : i32
        %mul3A_1826 = arith.muli %add3A_1824, %mul3A_1825 : i32
        %get3A_1827 = arith.index_cast %mul3A_1826 : i32 to index
        %get3A_1828 = tpu.vector_load %arg4[%get3A_1827] {strides = array<i32>} : memref<4096xf32, #tpu.memory_space<vmem>>, vector<16xf32>,
        %min3A_1829 = arith.minimumf %min3A_1820, %get3A_1828 : vector<16xf32>
        scf.yield %min3A_1829 : vector<16xf32>
      }
      %scan3A_20 = arith.constant 32 : i32
      %masked_sort3A = arith.constant dense<true> : vector<16xi1>
      %masked_sort3A_21, %masked_sort3A_22, %masked_sort3A_23 = tpu.sort %scan3A_19, %scan3A_19 masked %masked_sort3A : (vector<16xf32>, vector<16xf32>, vector<16xi1>) -> (vector<16xi1>, vector<16xf32>, vector<16xf32>)
      %eq3A = arith.constant 8 : i32
      %eq3A_24 = vector.broadcast %eq3A : i32 to vector<16xi32>
      %eq3A_25 = arith.cmpi eq, %iota3A, %eq3A_24 : vector<16xi32>
      %jit3A = arith.constant 0x7F800000 : f32
      %broadcast_in_dim3A_26 = vector.broadcast %jit3A : f32 to vector<16xf32>
      %select_n3A = arith.select %eq3A_25, %masked_sort3A_22, %broadcast_in_dim3A_26 : vector<16xi1>, vector<16xf32>
      %reduce_min3A = arith.constant true
      %reduce_min3A_27 = vector.broadcast %reduce_min3A : i1 to vector<16xi1>
      %reduce_min3A_28 = tpu.scan <min>, %select_n3A masked %reduce_min3A_27 : vector<16xf32>, vector<16xi1> -> vector<16xf32>
      %reduce_min3A_29 = vector.extract %reduce_min3A_28[15] : f32 from vector<16xf32>
      %swap3A = arith.constant 0 : index
      %swap3A_30 = tpu.vector_load %arg5[%swap3A] {strides = array<i32>} : memref<256xf32, #tpu.memory_space<vmem>>, vector<16xf32>,
      tpu.vector_store %arg5[%swap3A], %broadcast_in_dim3A_3 {strides = array<i32>} : memref<256xf32, #tpu.memory_space<vmem>>, vector<16xf32>,
      %swap3A_31 = arith.constant 0 : index
      %swap3A_32 = tpu.vector_load %arg6[%swap3A_31] {strides = array<i32>} : memref<256xi32, #tpu.memory_space<vmem>>, vector<16xi32>,
      tpu.vector_store %arg6[%swap3A_31], %broadcast_in_dim3A_5 {strides = array<i32>} : memref<256xi32, #tpu.memory_space<vmem>>, vector<16xi32>,
      %swap3A_33 = arith.constant 16 : index
      %swap3A_34 = tpu.vector_load %arg5[%swap3A_33] {strides = array<i32>} : memref<256xf32, #tpu.memory_space<vmem>>, vector<16xf32>,
      tpu.vector_store %arg5[%swap3A_33], %broadcast_in_dim3A_3 {strides = array<i32>} : memref<256xf32, #tpu.memory_space<vmem>>, vector<16xf32>,
      %swap3A_35 = arith.constant 16 : index
      %swap3A_36 = tpu.vector_load %arg6[%swap3A_35] {strides = array<i32>} : memref<256xi32, #tpu.memory_space<vmem>>, vector<16xi32>,
      tpu.vector_store %arg6[%swap3A_35], %broadcast_in_dim3A_5 {strides = array<i32>} : memref<256xi32, #tpu.memory_space<vmem>>, vector<16xi32>,
      %swap3A_37 = arith.constant 32 : index
      %swap3A_38 = tpu.vector_load %arg5[%swap3A_37] {strides = array<i32>} : memref<256xf32, #tpu.memory_space<vmem>>, vector<16xf32>,
      tpu.vector_store %arg5[%swap3A_37], %broadcast_in_dim3A_3 {strides = array<i32>} : memref<256xf32, #tpu.memory_space<vmem>>, vector<16xf32>,
      %swap3A_39 = arith.constant 32 : index
      %swap3A_40 = tpu.vector_load %arg6[%swap3A_39] {strides = array<i32>} : memref<256xi32, #tpu.memory_space<vmem>>, vector<16xi32>,
      tpu.vector_store %arg6[%swap3A_39], %broadcast_in_dim3A_5 {strides = array<i32>} : memref<256xi32, #tpu.memory_space<vmem>>, vector<16xi32>,
      %swap3A_41 = arith.constant 48 : index
      %swap3A_42 = tpu.vector_load %arg5[%swap3A_41] {strides = array<i32>} : memref<256xf32, #tpu.memory_space<vmem>>, vector<16xf32>,
      tpu.vector_store %arg5[%swap3A_41], %broadcast_in_dim3A_3 {strides = array<i32>} : memref<256xf32, #tpu.memory_space<vmem>>, vector<16xf32>,
      %swap3A_43 = arith.constant 48 : index
      %swap3A_44 = tpu.vector_load %arg6[%swap3A_43] {strides = array<i32>} : memref<256xi32, #tpu.memory_space<vmem>>, vector<16xi32>,
      tpu.vector_store %arg6[%swap3A_43], %broadcast_in_dim3A_5 {strides = array<i32>} : memref<256xi32, #tpu.memory_space<vmem>>, vector<16xi32>,
      %swap3A_45 = arith.constant 64 : index
      %swap3A_46 = tpu.vector_load %arg5[%swap3A_45] {strides = array<i32>} : memref<256xf32, #tpu.memory_space<vmem>>, vector<16xf32>,
      tpu.vector_store %arg5[%swap3A_45], %broadcast_in_dim3A_3 {strides = array<i32>} : memref<256xf32, #tpu.memory_space<vmem>>, vector<16xf32>,
      %swap3A_47 = arith.constant 64 : index
      %swap3A_48 = tpu.vector_load %arg6[%swap3A_47] {strides = array<i32>} : memref<256xi32, #tpu.memory_space<vmem>>, vector<16xi32>,
      tpu.vector_store %arg6[%swap3A_47], %broadcast_in_dim3A_5 {strides = array<i32>} : memref<256xi32, #tpu.memory_space<vmem>>, vector<16xi32>,
      %swap3A_49 = arith.constant 80 : index
      %swap3A_50 = tpu.vector_load %arg5[%swap3A_49] {strides = array<i32>} : memref<256xf32, #tpu.memory_space<vmem>>, vector<16xf32>,
      tpu.vector_store %arg5[%swap3A_49], %broadcast_in_dim3A_3 {strides = array<i32>} : memref<256xf32, #tpu.memory_space<vmem>>, vector<16xf32>,
      %swap3A_51 = arith.constant 80 : index
      %swap3A_52 = tpu.vector_load %arg6[%swap3A_51] {strides = array<i32>} : memref<256xi32, #tpu.memory_space<vmem>>, vector<16xi32>,
      tpu.vector_store %arg6[%swap3A_51], %broadcast_in_dim3A_5 {strides = array<i32>} : memref<256xi32, #tpu.memory_space<vmem>>, vector<16xi32>,
      %swap3A_53 = arith.constant 96 : index
      %swap3A_54 = tpu.vector_load %arg5[%swap3A_53] {strides = array<i32>} : memref<256xf32, #tpu.memory_space<vmem>>, vector<16xf32>,
      tpu.vector_store %arg5[%swap3A_53], %broadcast_in_dim3A_3 {strides = array<i32>} : memref<256xf32, #tpu.memory_space<vmem>>, vector<16xf32>,
      %swap3A_55 = arith.constant 96 : index
      %swap3A_56 = tpu.vector_load %arg6[%swap3A_55] {strides = array<i32>} : memref<256xi32, #tpu.memory_space<vmem>>, vector<16xi32>,
      tpu.vector_store %arg6[%swap3A_55], %broadcast_in_dim3A_5 {strides = array<i32>} : memref<256xi32, #tpu.memory_space<vmem>>, vector<16xi32>,
      %swap3A_57 = arith.constant 112 : index
      %swap3A_58 = tpu.vector_load %arg5[%swap3A_57] {strides = array<i32>} : memref<256xf32, #tpu.memory_space<vmem>>, vector<16xf32>,
      tpu.vector_store %arg5[%swap3A_57], %broadcast_in_dim3A_3 {strides = array<i32>} : memref<256xf32, #tpu.memory_space<vmem>>, vector<16xf32>,
      %swap3A_59 = arith.constant 112 : index
      %swap3A_60 = tpu.vector_load %arg6[%swap3A_59] {strides = array<i32>} : memref<256xi32, #tpu.memory_space<vmem>>, vector<16xi32>,
      tpu.vector_store %arg6[%swap3A_59], %broadcast_in_dim3A_5 {strides = array<i32>} : memref<256xi32, #tpu.memory_space<vmem>>, vector<16xi32>,
      %swap3A_61 = arith.constant 128 : index
      %swap3A_62 = tpu.vector_load %arg5[%swap3A_61] {strides = array<i32>} : memref<256xf32, #tpu.memory_space<vmem>>, vector<16xf32>,
      tpu.vector_store %arg5[%swap3A_61], %broadcast_in_dim3A_3 {strides = array<i32>} : memref<256xf32, #tpu.memory_space<vmem>>, vector<16xf32>,
      %swap3A_63 = arith.constant 128 : index
      %swap3A_64 = tpu.vector_load %arg6[%swap3A_63] {strides = array<i32>} : memref<256xi32, #tpu.memory_space<vmem>>, vector<16xi32>,
      tpu.vector_store %arg6[%swap3A_63], %broadcast_in_dim3A_5 {strides = array<i32>} : memref<256xi32, #tpu.memory_space<vmem>>, vector<16xi32>,
      %swap3A_65 = arith.constant 144 : index
      %swap3A_66 = tpu.vector_load %arg5[%swap3A_65] {strides = array<i32>} : memref<256xf32, #tpu.memory_space<vmem>>, vector<16xf32>,
      tpu.vector_store %arg5[%swap3A_65], %broadcast_in_dim3A_3 {strides = array<i32>} : memref<256xf32, #tpu.memory_space<vmem>>, vector<16xf32>,
      %swap3A_67 = arith.constant 144 : index
      %swap3A_68 = tpu.vector_load %arg6[%swap3A_67] {strides = array<i32>} : memref<256xi32, #tpu.memory_space<vmem>>, vector<16xi32>,
      tpu.vector_store %arg6[%swap3A_67], %broadcast_in_dim3A_5 {strides = array<i32>} : memref<256xi32, #tpu.memory_space<vmem>>, vector<16xi32>,
      %swap3A_69 = arith.constant 160 : index
      %swap3A_70 = tpu.vector_load %arg5[%swap3A_69] {strides = array<i32>} : memref<256xf32, #tpu.memory_space<vmem>>, vector<16xf32>,
      tpu.vector_store %arg5[%swap3A_69], %broadcast_in_dim3A_3 {strides = array<i32>} : memref<256xf32, #tpu.memory_space<vmem>>, vector<16xf32>,
      %swap3A_71 = arith.constant 160 : index
      %swap3A_72 = tpu.vector_load %arg6[%swap3A_71] {strides = array<i32>} : memref<256xi32, #tpu.memory_space<vmem>>, vector<16xi32>,
      tpu.vector_store %arg6[%swap3A_71], %broadcast_in_dim3A_5 {strides = array<i32>} : memref<256xi32, #tpu.memory_space<vmem>>, vector<16xi32>,
      %swap3A_73 = arith.constant 176 : index
      %swap3A_74 = tpu.vector_load %arg5[%swap3A_73] {strides = array<i32>} : memref<256xf32, #tpu.memory_space<vmem>>, vector<16xf32>,
      tpu.vector_store %arg5[%swap3A_73], %broadcast_in_dim3A_3 {strides = array<i32>} : memref<256xf32, #tpu.memory_space<vmem>>, vector<16xf32>,
      %swap3A_75 = arith.constant 176 : index
      %swap3A_76 = tpu.vector_load %arg6[%swap3A_75] {strides = array<i32>} : memref<256xi32, #tpu.memory_space<vmem>>, vector<16xi32>,
      tpu.vector_store %arg6[%swap3A_75], %broadcast_in_dim3A_5 {strides = array<i32>} : memref<256xi32, #tpu.memory_space<vmem>>, vector<16xi32>,
      %swap3A_77 = arith.constant 192 : index
      %swap3A_78 = tpu.vector_load %arg5[%swap3A_77] {strides = array<i32>} : memref<256xf32, #tpu.memory_space<vmem>>, vector<16xf32>,
      tpu.vector_store %arg5[%swap3A_77], %broadcast_in_dim3A_3 {strides = array<i32>} : memref<256xf32, #tpu.memory_space<vmem>>, vector<16xf32>,
      %swap3A_79 = arith.constant 192 : index
      %swap3A_80 = tpu.vector_load %arg6[%swap3A_79] {strides = array<i32>} : memref<256xi32, #tpu.memory_space<vmem>>, vector<16xi32>,
      tpu.vector_store %arg6[%swap3A_79], %broadcast_in_dim3A_5 {strides = array<i32>} : memref<256xi32, #tpu.memory_space<vmem>>, vector<16xi32>,
      %swap3A_81 = arith.constant 208 : index
      %swap3A_82 = tpu.vector_load %arg5[%swap3A_81] {strides = array<i32>} : memref<256xf32, #tpu.memory_space<vmem>>, vector<16xf32>,
      tpu.vector_store %arg5[%swap3A_81], %broadcast_in_dim3A_3 {strides = array<i32>} : memref<256xf32, #tpu.memory_space<vmem>>, vector<16xf32>,
      %swap3A_83 = arith.constant 208 : index
      %swap3A_84 = tpu.vector_load %arg6[%swap3A_83] {strides = array<i32>} : memref<256xi32, #tpu.memory_space<vmem>>, vector<16xi32>,
      tpu.vector_store %arg6[%swap3A_83], %broadcast_in_dim3A_5 {strides = array<i32>} : memref<256xi32, #tpu.memory_space<vmem>>, vector<16xi32>,
      %swap3A_85 = arith.constant 224 : index
      %swap3A_86 = tpu.vector_load %arg5[%swap3A_85] {strides = array<i32>} : memref<256xf32, #tpu.memory_space<vmem>>, vector<16xf32>,
      tpu.vector_store %arg5[%swap3A_85], %broadcast_in_dim3A_3 {strides = array<i32>} : memref<256xf32, #tpu.memory_space<vmem>>, vector<16xf32>,
      %swap3A_87 = arith.constant 224 : index
      %swap3A_88 = tpu.vector_load %arg6[%swap3A_87] {strides = array<i32>} : memref<256xi32, #tpu.memory_space<vmem>>, vector<16xi32>,
      tpu.vector_store %arg6[%swap3A_87], %broadcast_in_dim3A_5 {strides = array<i32>} : memref<256xi32, #tpu.memory_space<vmem>>, vector<16xi32>,
      %swap3A_89 = arith.constant 240 : index
      %swap3A_90 = tpu.vector_load %arg5[%swap3A_89] {strides = array<i32>} : memref<256xf32, #tpu.memory_space<vmem>>, vector<16xf32>,
      tpu.vector_store %arg5[%swap3A_89], %broadcast_in_dim3A_3 {strides = array<i32>} : memref<256xf32, #tpu.memory_space<vmem>>, vector<16xf32>,
      %swap3A_91 = arith.constant 240 : index
      %swap3A_92 = tpu.vector_load %arg6[%swap3A_91] {strides = array<i32>} : memref<256xi32, #tpu.memory_space<vmem>>, vector<16xi32>,
      tpu.vector_store %arg6[%swap3A_91], %broadcast_in_dim3A_5 {strides = array<i32>} : memref<256xi32, #tpu.memory_space<vmem>>, vector<16xi32>,
      %mul3A_93 = arith.constant 16 : i32
      %mul3A_94 = vector.broadcast %mul3A_93 : i32 to vector<16xi32>
      %mul3A_95 = arith.muli %iota3A, %mul3A_94 : vector<16xi32>
      %broadcast_in_dim3A_96 = arith.constant 0 : i32
      %broadcast_in_dim3A_97 = vector.broadcast %broadcast_in_dim3A_96 : i32 to vector<16xi32>
      %scan3A_98 = arith.constant 0 : i32
      %scan3A_99 = arith.constant 64 : i32
      %scan3A_100 = arith.addi %scan3A_98, %scan3A_99 : i32
      %scan3A_101 = arith.constant 1 : i32
      %scan3A_102 = scf.for %scan3A_1756 = %scan3A_98 to %scan3A_100 step %scan3A_101 iter_args(%scan3A_1757 = %broadcast_in_dim3A_97) -> (vector<16xi32>)  : i32 {
        %mul3A_1758 = arith.constant 4 : i32
        %mul3A_1759 = arith.muli %scan3A_1756, %mul3A_1758 : i32
        %add3A_1760 = arith.constant 0 : i32
        %add3A_1761 = arith.addi %mul3A_1759, %add3A_1760 : i32
        %mul3A_1762 = arith.constant 16 : i32
        %mul3A_1763 = arith.muli %add3A_1761, %mul3A_1762 : i32
        %get3A_1764 = arith.index_cast %mul3A_1763 : i32 to index
        %get3A_1765 = tpu.vector_load %arg4[%get3A_1764] {strides = array<i32>} : memref<4096xf32, #tpu.memory_space<vmem>>, vector<16xf32>,
        %mul3A_1766 = arith.constant 16 : i32
        %mul3A_1767 = arith.muli %add3A_1761, %mul3A_1766 : i32
        %add3A_1768 = vector.broadcast %mul3A_1767 : i32 to vector<16xi32>
        %add3A_1769 = arith.addi %iota3A, %add3A_1768 : vector<16xi32>
        %le3A = vector.broadcast %reduce_min3A_29 : f32 to vector<16xf32>
        %le3A_1770 = arith.cmpf ole, %get3A_1765, %le3A : vector<16xf32>
        %lt3A = arith.constant 16 : i32
        %lt3A_1771 = vector.broadcast %lt3A : i32 to vector<16xi32>
        %lt3A_1772 = arith.cmpi slt, %scan3A_1757, %lt3A_1771 : vector<16xi32>
        %and3A = arith.andi %le3A_1770, %lt3A_1772 : vector<16xi1>
        %add3A_1773 = arith.addi %mul3A_95, %scan3A_1757 : vector<16xi32>
        tpu.vector_store_idx %arg5[%add3A_1773], %get3A_1765 masked %and3A : memref<256xf32, #tpu.memory_space<vmem>>[vector<16xi32>], vector<16xf32>, vector<16xi1>
        tpu.vector_store_idx %arg6[%add3A_1773], %add3A_1769 masked %and3A : memref<256xi32, #tpu.memory_space<vmem>>[vector<16xi32>], vector<16xi32>, vector<16xi1>
        %convert_element_type3A = arith.extui %le3A_1770 : vector<16xi1> to vector<16xi32>
        %add3A_1774 = arith.addi %scan3A_1757, %convert_element_type3A : vector<16xi32>
        %mul3A_1775 = arith.constant 4 : i32
        %mul3A_1776 = arith.muli %scan3A_1756, %mul3A_1775 : i32
        %add3A_1777 = arith.constant 1 : i32
        %add3A_1778 = arith.addi %mul3A_1776, %add3A_1777 : i32
        %mul3A_1779 = arith.constant 16 : i32
        %mul3A_1780 = arith.muli %add3A_1778, %mul3A_1779 : i32
        %get3A_1781 = arith.index_cast %mul3A_1780 : i32 to index
        %get3A_1782 = tpu.vector_load %arg4[%get3A_1781] {strides = array<i32>} : memref<4096xf32, #tpu.memory_space<vmem>>, vector<16xf32>,
        %mul3A_1783 = arith.constant 16 : i32
        %mul3A_1784 = arith.muli %add3A_1778, %mul3A_1783 : i32
        %add3A_1785 = vector.broadcast %mul3A_1784 : i32 to vector<16xi32>
        %add3A_1786 = arith.addi %iota3A, %add3A_1785 : vector<16xi32>
        %le3A_1787 = vector.broadcast %reduce_min3A_29 : f32 to vector<16xf32>
        %le3A_1788 = arith.cmpf ole, %get3A_1782, %le3A_1787 : vector<16xf32>
        %lt3A_1789 = arith.constant 16 : i32
        %lt3A_1790 = vector.broadcast %lt3A_1789 : i32 to vector<16xi32>
        %lt3A_1791 = arith.cmpi slt, %add3A_1774, %lt3A_1790 : vector<16xi32>
        %and3A_1792 = arith.andi %le3A_1788, %lt3A_1791 : vector<16xi1>
        %add3A_1793 = arith.addi %mul3A_95, %add3A_1774 : vector<16xi32>
        tpu.vector_store_idx %arg5[%add3A_1793], %get3A_1782 masked %and3A_1792 : memref<256xf32, #tpu.memory_space<vmem>>[vector<16xi32>], vector<16xf32>, vector<16xi1>
        tpu.vector_store_idx %arg6[%add3A_1793], %add3A_1786 masked %and3A_1792 : memref<256xi32, #tpu.memory_space<vmem>>[vector<16xi32>], vector<16xi32>, vector<16xi1>
        %convert_element_type3A_1794 = arith.extui %le3A_1788 : vector<16xi1> to vector<16xi32>
        %add3A_1795 = arith.addi %add3A_1774, %convert_element_type3A_1794 : vector<16xi32>
        %mul3A_1796 = arith.constant 4 : i32
        %mul3A_1797 = arith.muli %scan3A_1756, %mul3A_1796 : i32
        %add3A_1798 = arith.constant 2 : i32
        %add3A_1799 = arith.addi %mul3A_1797, %add3A_1798 : i32
        %mul3A_1800 = arith.constant 16 : i32
        %mul3A_1801 = arith.muli %add3A_1799, %mul3A_1800 : i32
        %get3A_1802 = arith.index_cast %mul3A_1801 : i32 to index
        %get3A_1803 = tpu.vector_load %arg4[%get3A_1802] {strides = array<i32>} : memref<4096xf32, #tpu.memory_space<vmem>>, vector<16xf32>,
        %mul3A_1804 = arith.constant 16 : i32
        %mul3A_1805 = arith.muli %add3A_1799, %mul3A_1804 : i32
        %add3A_1806 = vector.broadcast %mul3A_1805 : i32 to vector<16xi32>
        %add3A_1807 = arith.addi %iota3A, %add3A_1806 : vector<16xi32>
        %le3A_1808 = vector.broadcast %reduce_min3A_29 : f32 to vector<16xf32>
        %le3A_1809 = arith.cmpf ole, %get3A_1803, %le3A_1808 : vector<16xf32>
        %lt3A_1810 = arith.constant 16 : i32
        %lt3A_1811 = vector.broadcast %lt3A_1810 : i32 to vector<16xi32>
        %lt3A_1812 = arith.cmpi slt, %add3A_1795, %lt3A_1811 : vector<16xi32>
        %and3A_1813 = arith.andi %le3A_1809, %lt3A_1812 : vector<16xi1>
        %add3A_1814 = arith.addi %mul3A_95, %add3A_1795 : vector<16xi32>
        tpu.vector_store_idx %arg5[%add3A_1814], %get3A_1803 masked %and3A_1813 : memref<256xf32, #tpu.memory_space<vmem>>[vector<16xi32>], vector<16xf32>, vector<16xi1>
        tpu.vector_store_idx %arg6[%add3A_1814], %add3A_1807 masked %and3A_1813 : memref<256xi32, #tpu.memory_space<vmem>>[vector<16xi32>], vector<16xi32>, vector<16xi1>
        %convert_element_type3A_1815 = arith.extui %le3A_1809 : vector<16xi1> to vector<16xi32>
        %add3A_1816 = arith.addi %add3A_1795, %convert_element_type3A_1815 : vector<16xi32>
        %mul3A_1817 = arith.constant 4 : i32
        %mul3A_1818 = arith.muli %scan3A_1756, %mul3A_1817 : i32
        %add3A_1819 = arith.constant 3 : i32
        %add3A_1820 = arith.addi %mul3A_1818, %add3A_1819 : i32
        %mul3A_1821 = arith.constant 16 : i32
        %mul3A_1822 = arith.muli %add3A_1820, %mul3A_1821 : i32
        %get3A_1823 = arith.index_cast %mul3A_1822 : i32 to index
        %get3A_1824 = tpu.vector_load %arg4[%get3A_1823] {strides = array<i32>} : memref<4096xf32, #tpu.memory_space<vmem>>, vector<16xf32>,
        %mul3A_1825 = arith.constant 16 : i32
        %mul3A_1826 = arith.muli %add3A_1820, %mul3A_1825 : i32
        %add3A_1827 = vector.broadcast %mul3A_1826 : i32 to vector<16xi32>
        %add3A_1828 = arith.addi %iota3A, %add3A_1827 : vector<16xi32>
        %le3A_1829 = vector.broadcast %reduce_min3A_29 : f32 to vector<16xf32>
        %le3A_1830 = arith.cmpf ole, %get3A_1824, %le3A_1829 : vector<16xf32>
        %lt3A_1831 = arith.constant 16 : i32
        %lt3A_1832 = vector.broadcast %lt3A_1831 : i32 to vector<16xi32>
        %lt3A_1833 = arith.cmpi slt, %add3A_1816, %lt3A_1832 : vector<16xi32>
        %and3A_1834 = arith.andi %le3A_1830, %lt3A_1833 : vector<16xi1>
        %add3A_1835 = arith.addi %mul3A_95, %add3A_1816 : vector<16xi32>
        tpu.vector_store_idx %arg5[%add3A_1835], %get3A_1824 masked %and3A_1834 : memref<256xf32, #tpu.memory_space<vmem>>[vector<16xi32>], vector<16xf32>, vector<16xi1>
        tpu.vector_store_idx %arg6[%add3A_1835], %add3A_1828 masked %and3A_1834 : memref<256xi32, #tpu.memory_space<vmem>>[vector<16xi32>], vector<16xi32>, vector<16xi1>
        %convert_element_type3A_1836 = arith.extui %le3A_1830 : vector<16xi1> to vector<16xi32>
        %add3A_1837 = arith.addi %add3A_1816, %convert_element_type3A_1836 : vector<16xi32>
        scf.yield %add3A_1837 : vector<16xi32>
      }
      %scan3A_103 = arith.constant 64 : i32
      %get3A = arith.constant 0 : index
      %get3A_104 = tpu.vector_load %arg5[%get3A] {strides = array<i32>} : memref<256xf32, #tpu.memory_space<vmem>>, vector<16xf32>,
      %get3A_105 = arith.constant 16 : index
      %get3A_106 = tpu.vector_load %arg5[%get3A_105] {strides = array<i32>} : memref<256xf32, #tpu.memory_space<vmem>>, vector<16xf32>,
      %get3A_107 = arith.constant 32 : index
      %get3A_108 = tpu.vector_load %arg5[%get3A_107] {strides = array<i32>} : memref<256xf32, #tpu.memory_space<vmem>>, vector<16xf32>,
      %get3A_109 = arith.constant 48 : index
      %get3A_110 = tpu.vector_load %arg5[%get3A_109] {strides = array<i32>} : memref<256xf32, #tpu.memory_space<vmem>>, vector<16xf32>,
      %get3A_111 = arith.constant 64 : index
      %get3A_112 = tpu.vector_load %arg5[%get3A_111] {strides = array<i32>} : memref<256xf32, #tpu.memory_space<vmem>>, vector<16xf32>,
      %get3A_113 = arith.constant 80 : index
      %get3A_114 = tpu.vector_load %arg5[%get3A_113] {strides = array<i32>} : memref<256xf32, #tpu.memory_space<vmem>>, vector<16xf32>,
      %get3A_115 = arith.constant 96 : index
      %get3A_116 = tpu.vector_load %arg5[%get3A_115] {strides = array<i32>} : memref<256xf32, #tpu.memory_space<vmem>>, vector<16xf32>,
      %get3A_117 = arith.constant 112 : index
      %get3A_118 = tpu.vector_load %arg5[%get3A_117] {strides = array<i32>} : memref<256xf32, #tpu.memory_space<vmem>>, vector<16xf32>,
      %get3A_119 = arith.constant 128 : index
      %get3A_120 = tpu.vector_load %arg5[%get3A_119] {strides = array<i32>} : memref<256xf32, #tpu.memory_space<vmem>>, vector<16xf32>,
      %get3A_121 = arith.constant 144 : index
      %get3A_122 = tpu.vector_load %arg5[%get3A_121] {strides = array<i32>} : memref<256xf32, #tpu.memory_space<vmem>>, vector<16xf32>,
      %get3A_123 = arith.constant 160 : index
      %get3A_124 = tpu.vector_load %arg5[%get3A_123] {strides = array<i32>} : memref<256xf32, #tpu.memory_space<vmem>>, vector<16xf32>,
      %get3A_125 = arith.constant 176 : index
      %get3A_126 = tpu.vector_load %arg5[%get3A_125] {strides = array<i32>} : memref<256xf32, #tpu.memory_space<vmem>>, vector<16xf32>,
      %get3A_127 = arith.constant 192 : index
      %get3A_128 = tpu.vector_load %arg5[%get3A_127] {strides = array<i32>} : memref<256xf32, #tpu.memory_space<vmem>>, vector<16xf32>,
      %get3A_129 = arith.constant 208 : index
      %get3A_130 = tpu.vector_load %arg5[%get3A_129] {strides = array<i32>} : memref<256xf32, #tpu.memory_space<vmem>>, vector<16xf32>,
      %get3A_131 = arith.constant 224 : index
      %get3A_132 = tpu.vector_load %arg5[%get3A_131] {strides = array<i32>} : memref<256xf32, #tpu.memory_space<vmem>>, vector<16xf32>,
      %get3A_133 = arith.constant 240 : index
      %get3A_134 = tpu.vector_load %arg5[%get3A_133] {strides = array<i32>} : memref<256xf32, #tpu.memory_space<vmem>>, vector<16xf32>,
      %get3A_135 = arith.constant 0 : index
      %get3A_136 = tpu.vector_load %arg6[%get3A_135] {strides = array<i32>} : memref<256xi32, #tpu.memory_space<vmem>>, vector<16xi32>,
      %get3A_137 = arith.constant 16 : index
      %get3A_138 = tpu.vector_load %arg6[%get3A_137] {strides = array<i32>} : memref<256xi32, #tpu.memory_space<vmem>>, vector<16xi32>,
      %get3A_139 = arith.constant 32 : index
      %get3A_140 = tpu.vector_load %arg6[%get3A_139] {strides = array<i32>} : memref<256xi32, #tpu.memory_space<vmem>>, vector<16xi32>,
      %get3A_141 = arith.constant 48 : index
      %get3A_142 = tpu.vector_load %arg6[%get3A_141] {strides = array<i32>} : memref<256xi32, #tpu.memory_space<vmem>>, vector<16xi32>,
      %get3A_143 = arith.constant 64 : index
      %get3A_144 = tpu.vector_load %arg6[%get3A_143] {strides = array<i32>} : memref<256xi32, #tpu.memory_space<vmem>>, vector<16xi32>,
      %get3A_145 = arith.constant 80 : index
      %get3A_146 = tpu.vector_load %arg6[%get3A_145] {strides = array<i32>} : memref<256xi32, #tpu.memory_space<vmem>>, vector<16xi32>,
      %get3A_147 = arith.constant 96 : index
      %get3A_148 = tpu.vector_load %arg6[%get3A_147] {strides = array<i32>} : memref<256xi32, #tpu.memory_space<vmem>>, vector<16xi32>,
      %get3A_149 = arith.constant 112 : index
      %get3A_150 = tpu.vector_load %arg6[%get3A_149] {strides = array<i32>} : memref<256xi32, #tpu.memory_space<vmem>>, vector<16xi32>,
      %get3A_151 = arith.constant 128 : index
      %get3A_152 = tpu.vector_load %arg6[%get3A_151] {strides = array<i32>} : memref<256xi32, #tpu.memory_space<vmem>>, vector<16xi32>,
      %get3A_153 = arith.constant 144 : index
      %get3A_154 = tpu.vector_load %arg6[%get3A_153] {strides = array<i32>} : memref<256xi32, #tpu.memory_space<vmem>>, vector<16xi32>,
      %get3A_155 = arith.constant 160 : index
      %get3A_156 = tpu.vector_load %arg6[%get3A_155] {strides = array<i32>} : memref<256xi32, #tpu.memory_space<vmem>>, vector<16xi32>,
      %get3A_157 = arith.constant 176 : index
      %get3A_158 = tpu.vector_load %arg6[%get3A_157] {strides = array<i32>} : memref<256xi32, #tpu.memory_space<vmem>>, vector<16xi32>,
      %get3A_159 = arith.constant 192 : index
      %get3A_160 = tpu.vector_load %arg6[%get3A_159] {strides = array<i32>} : memref<256xi32, #tpu.memory_space<vmem>>, vector<16xi32>,
      %get3A_161 = arith.constant 208 : index
      %get3A_162 = tpu.vector_load %arg6[%get3A_161] {strides = array<i32>} : memref<256xi32, #tpu.memory_space<vmem>>, vector<16xi32>,
      %get3A_163 = arith.constant 224 : index
      %get3A_164 = tpu.vector_load %arg6[%get3A_163] {strides = array<i32>} : memref<256xi32, #tpu.memory_space<vmem>>, vector<16xi32>,
      %get3A_165 = arith.constant 240 : index
      %get3A_166 = tpu.vector_load %arg6[%get3A_165] {strides = array<i32>} : memref<256xi32, #tpu.memory_space<vmem>>, vector<16xi32>,
      %broadcast_in_dim3A_167 = arith.constant 0 : i32
      %broadcast_in_dim3A_168 = vector.broadcast %broadcast_in_dim3A_167 : i32 to vector<16xi32>
      %min3A = arith.minimumf %get3A_104, %get3A_106 : vector<16xf32>
      %min3A_169 = arith.minimumf %min3A, %get3A_108 : vector<16xf32>
      %min3A_170 = arith.minimumf %min3A_169, %get3A_110 : vector<16xf32>
      %min3A_171 = arith.minimumf %min3A_170, %get3A_112 : vector<16xf32>
      %min3A_172 = arith.minimumf %min3A_171, %get3A_114 : vector<16xf32>
      %min3A_173 = arith.minimumf %min3A_172, %get3A_116 : vector<16xf32>
      %min3A_174 = arith.minimumf %min3A_173, %get3A_118 : vector<16xf32>
      %min3A_175 = arith.minimumf %min3A_174, %get3A_120 : vector<16xf32>
      %min3A_176 = arith.minimumf %min3A_175, %get3A_122 : vector<16xf32>
      %min3A_177 = arith.minimumf %min3A_176, %get3A_124 : vector<16xf32>
      %min3A_178 = arith.minimumf %min3A_177, %get3A_126 : vector<16xf32>
      %min3A_179 = arith.minimumf %min3A_178, %get3A_128 : vector<16xf32>
      %min3A_180 = arith.minimumf %min3A_179, %get3A_130 : vector<16xf32>
      %min3A_181 = arith.minimumf %min3A_180, %get3A_132 : vector<16xf32>
      %min3A_182 = arith.minimumf %min3A_181, %get3A_134 : vector<16xf32>
      %reduce_min3A_183 = arith.constant true
      %reduce_min3A_184 = vector.broadcast %reduce_min3A_183 : i1 to vector<16xi1>
      %reduce_min3A_185 = tpu.scan <min>, %min3A_182 masked %reduce_min3A_184 : vector<16xf32>, vector<16xi1> -> vector<16xf32>
      %reduce_min3A_186 = vector.extract %reduce_min3A_185[15] : f32 from vector<16xf32>
      %eq3A_187 = vector.broadcast %reduce_min3A_186 : f32 to vector<16xf32>
      %eq3A_188 = arith.cmpf oeq, %get3A_104, %eq3A_187 : vector<16xf32>
      %select_n3A_189 = arith.select %eq3A_188, %get3A_136, %broadcast_in_dim3A_5 : vector<16xi1>, vector<16xi32>
      %min3A_190 = arith.minsi %broadcast_in_dim3A_5, %select_n3A_189 : vector<16xi32>
      %eq3A_191 = vector.broadcast %reduce_min3A_186 : f32 to vector<16xf32>
      %eq3A_192 = arith.cmpf oeq, %get3A_106, %eq3A_191 : vector<16xf32>
      %select_n3A_193 = arith.select %eq3A_192, %get3A_138, %broadcast_in_dim3A_5 : vector<16xi1>, vector<16xi32>
      %min3A_194 = arith.minsi %min3A_190, %select_n3A_193 : vector<16xi32>
      %eq3A_195 = vector.broadcast %reduce_min3A_186 : f32 to vector<16xf32>
      %eq3A_196 = arith.cmpf oeq, %get3A_108, %eq3A_195 : vector<16xf32>
      %select_n3A_197 = arith.select %eq3A_196, %get3A_140, %broadcast_in_dim3A_5 : vector<16xi1>, vector<16xi32>
      %min3A_198 = arith.minsi %min3A_194, %select_n3A_197 : vector<16xi32>
      %eq3A_199 = vector.broadcast %reduce_min3A_186 : f32 to vector<16xf32>
      %eq3A_200 = arith.cmpf oeq, %get3A_110, %eq3A_199 : vector<16xf32>
      %select_n3A_201 = arith.select %eq3A_200, %get3A_142, %broadcast_in_dim3A_5 : vector<16xi1>, vector<16xi32>
      %min3A_202 = arith.minsi %min3A_198, %select_n3A_201 : vector<16xi32>
      %eq3A_203 = vector.broadcast %reduce_min3A_186 : f32 to vector<16xf32>
      %eq3A_204 = arith.cmpf oeq, %get3A_112, %eq3A_203 : vector<16xf32>
      %select_n3A_205 = arith.select %eq3A_204, %get3A_144, %broadcast_in_dim3A_5 : vector<16xi1>, vector<16xi32>
      %min3A_206 = arith.minsi %min3A_202, %select_n3A_205 : vector<16xi32>
      %eq3A_207 = vector.broadcast %reduce_min3A_186 : f32 to vector<16xf32>
      %eq3A_208 = arith.cmpf oeq, %get3A_114, %eq3A_207 : vector<16xf32>
      %select_n3A_209 = arith.select %eq3A_208, %get3A_146, %broadcast_in_dim3A_5 : vector<16xi1>, vector<16xi32>
      %min3A_210 = arith.minsi %min3A_206, %select_n3A_209 : vector<16xi32>
      %eq3A_211 = vector.broadcast %reduce_min3A_186 : f32 to vector<16xf32>
      %eq3A_212 = arith.cmpf oeq, %get3A_116, %eq3A_211 : vector<16xf32>
      %select_n3A_213 = arith.select %eq3A_212, %get3A_148, %broadcast_in_dim3A_5 : vector<16xi1>, vector<16xi32>
      %min3A_214 = arith.minsi %min3A_210, %select_n3A_213 : vector<16xi32>
      %eq3A_215 = vector.broadcast %reduce_min3A_186 : f32 to vector<16xf32>
      %eq3A_216 = arith.cmpf oeq, %get3A_118, %eq3A_215 : vector<16xf32>
      %select_n3A_217 = arith.select %eq3A_216, %get3A_150, %broadcast_in_dim3A_5 : vector<16xi1>, vector<16xi32>
      %min3A_218 = arith.minsi %min3A_214, %select_n3A_217 : vector<16xi32>
      %eq3A_219 = vector.broadcast %reduce_min3A_186 : f32 to vector<16xf32>
      %eq3A_220 = arith.cmpf oeq, %get3A_120, %eq3A_219 : vector<16xf32>
      %select_n3A_221 = arith.select %eq3A_220, %get3A_152, %broadcast_in_dim3A_5 : vector<16xi1>, vector<16xi32>
      %min3A_222 = arith.minsi %min3A_218, %select_n3A_221 : vector<16xi32>
      %eq3A_223 = vector.broadcast %reduce_min3A_186 : f32 to vector<16xf32>
      %eq3A_224 = arith.cmpf oeq, %get3A_122, %eq3A_223 : vector<16xf32>
      %select_n3A_225 = arith.select %eq3A_224, %get3A_154, %broadcast_in_dim3A_5 : vector<16xi1>, vector<16xi32>
      %min3A_226 = arith.minsi %min3A_222, %select_n3A_225 : vector<16xi32>
      %eq3A_227 = vector.broadcast %reduce_min3A_186 : f32 to vector<16xf32>
      %eq3A_228 = arith.cmpf oeq, %get3A_124, %eq3A_227 : vector<16xf32>
      %select_n3A_229 = arith.select %eq3A_228, %get3A_156, %broadcast_in_dim3A_5 : vector<16xi1>, vector<16xi32>
      %min3A_230 = arith.minsi %min3A_226, %select_n3A_229 : vector<16xi32>
      %eq3A_231 = vector.broadcast %reduce_min3A_186 : f32 to vector<16xf32>
      %eq3A_232 = arith.cmpf oeq, %get3A_126, %eq3A_231 : vector<16xf32>
      %select_n3A_233 = arith.select %eq3A_232, %get3A_158, %broadcast_in_dim3A_5 : vector<16xi1>, vector<16xi32>
      %min3A_234 = arith.minsi %min3A_230, %select_n3A_233 : vector<16xi32>
      %eq3A_235 = vector.broadcast %reduce_min3A_186 : f32 to vector<16xf32>
      %eq3A_236 = arith.cmpf oeq, %get3A_128, %eq3A_235 : vector<16xf32>
      %select_n3A_237 = arith.select %eq3A_236, %get3A_160, %broadcast_in_dim3A_5 : vector<16xi1>, vector<16xi32>
      %min3A_238 = arith.minsi %min3A_234, %select_n3A_237 : vector<16xi32>
      %eq3A_239 = vector.broadcast %reduce_min3A_186 : f32 to vector<16xf32>
      %eq3A_240 = arith.cmpf oeq, %get3A_130, %eq3A_239 : vector<16xf32>
      %select_n3A_241 = arith.select %eq3A_240, %get3A_162, %broadcast_in_dim3A_5 : vector<16xi1>, vector<16xi32>
      %min3A_242 = arith.minsi %min3A_238, %select_n3A_241 : vector<16xi32>
      %eq3A_243 = vector.broadcast %reduce_min3A_186 : f32 to vector<16xf32>
      %eq3A_244 = arith.cmpf oeq, %get3A_132, %eq3A_243 : vector<16xf32>
      %select_n3A_245 = arith.select %eq3A_244, %get3A_164, %broadcast_in_dim3A_5 : vector<16xi1>, vector<16xi32>
      %min3A_246 = arith.minsi %min3A_242, %select_n3A_245 : vector<16xi32>
      %eq3A_247 = vector.broadcast %reduce_min3A_186 : f32 to vector<16xf32>
      %eq3A_248 = arith.cmpf oeq, %get3A_134, %eq3A_247 : vector<16xf32>
      %select_n3A_249 = arith.select %eq3A_248, %get3A_166, %broadcast_in_dim3A_5 : vector<16xi1>, vector<16xi32>
      %min3A_250 = arith.minsi %min3A_246, %select_n3A_249 : vector<16xi32>
      %reduce_min3A_251 = arith.constant true
      %reduce_min3A_252 = vector.broadcast %reduce_min3A_251 : i1 to vector<16xi1>
      %reduce_min3A_253 = arith.constant -2147483648 : i32
      %reduce_min3A_254 = vector.broadcast %reduce_min3A_253 : i32 to vector<16xi32>
      %reduce_min3A_255 = arith.xori %min3A_250, %reduce_min3A_254 : vector<16xi32>
      %reduce_min3A_256 = tpu.scan <min>, %reduce_min3A_255 masked %reduce_min3A_252 : vector<16xi32>, vector<16xi1> -> vector<16xi32>
      %reduce_min3A_257 = arith.xori %reduce_min3A_256, %reduce_min3A_254 : vector<16xi32>
      %reduce_min3A_258 = vector.extract %reduce_min3A_257[15] : i32 from vector<16xi32>
      %eq3A_259 = arith.constant 0 : i32
      %eq3A_260 = vector.broadcast %eq3A_259 : i32 to vector<16xi32>
      %eq3A_261 = arith.cmpi eq, %iota3A, %eq3A_260 : vector<16xi32>
      %broadcast_in_dim3A_262 = vector.broadcast %reduce_min3A_258 : i32 to vector<16xi32>
      %select_n3A_263 = arith.select %eq3A_261, %broadcast_in_dim3A_262, %broadcast_in_dim3A_168 : vector<16xi1>, vector<16xi32>
      %eq3A_264 = vector.broadcast %reduce_min3A_258 : i32 to vector<16xi32>
      %eq3A_265 = arith.cmpi eq, %get3A_136, %eq3A_264 : vector<16xi32>
      %jit3A_266 = arith.constant 0x7F800000 : f32
      %broadcast_in_dim3A_267 = vector.broadcast %jit3A_266 : f32 to vector<16xf32>
      %select_n3A_268 = arith.select %eq3A_265, %broadcast_in_dim3A_267, %get3A_104 : vector<16xi1>, vector<16xf32>
      %eq3A_269 = vector.broadcast %reduce_min3A_258 : i32 to vector<16xi32>
      %eq3A_270 = arith.cmpi eq, %get3A_138, %eq3A_269 : vector<16xi32>
      %jit3A_271 = arith.constant 0x7F800000 : f32
      %broadcast_in_dim3A_272 = vector.broadcast %jit3A_271 : f32 to vector<16xf32>
      %select_n3A_273 = arith.select %eq3A_270, %broadcast_in_dim3A_272, %get3A_106 : vector<16xi1>, vector<16xf32>
      %eq3A_274 = vector.broadcast %reduce_min3A_258 : i32 to vector<16xi32>
      %eq3A_275 = arith.cmpi eq, %get3A_140, %eq3A_274 : vector<16xi32>
      %jit3A_276 = arith.constant 0x7F800000 : f32
      %broadcast_in_dim3A_277 = vector.broadcast %jit3A_276 : f32 to vector<16xf32>
      %select_n3A_278 = arith.select %eq3A_275, %broadcast_in_dim3A_277, %get3A_108 : vector<16xi1>, vector<16xf32>
      %eq3A_279 = vector.broadcast %reduce_min3A_258 : i32 to vector<16xi32>
      %eq3A_280 = arith.cmpi eq, %get3A_142, %eq3A_279 : vector<16xi32>
      %jit3A_281 = arith.constant 0x7F800000 : f32
      %broadcast_in_dim3A_282 = vector.broadcast %jit3A_281 : f32 to vector<16xf32>
      %select_n3A_283 = arith.select %eq3A_280, %broadcast_in_dim3A_282, %get3A_110 : vector<16xi1>, vector<16xf32>
      %eq3A_284 = vector.broadcast %reduce_min3A_258 : i32 to vector<16xi32>
      %eq3A_285 = arith.cmpi eq, %get3A_144, %eq3A_284 : vector<16xi32>
      %jit3A_286 = arith.constant 0x7F800000 : f32
      %broadcast_in_dim3A_287 = vector.broadcast %jit3A_286 : f32 to vector<16xf32>
      %select_n3A_288 = arith.select %eq3A_285, %broadcast_in_dim3A_287, %get3A_112 : vector<16xi1>, vector<16xf32>
      %eq3A_289 = vector.broadcast %reduce_min3A_258 : i32 to vector<16xi32>
      %eq3A_290 = arith.cmpi eq, %get3A_146, %eq3A_289 : vector<16xi32>
      %jit3A_291 = arith.constant 0x7F800000 : f32
      %broadcast_in_dim3A_292 = vector.broadcast %jit3A_291 : f32 to vector<16xf32>
      %select_n3A_293 = arith.select %eq3A_290, %broadcast_in_dim3A_292, %get3A_114 : vector<16xi1>, vector<16xf32>
      %eq3A_294 = vector.broadcast %reduce_min3A_258 : i32 to vector<16xi32>
      %eq3A_295 = arith.cmpi eq, %get3A_148, %eq3A_294 : vector<16xi32>
      %jit3A_296 = arith.constant 0x7F800000 : f32
      %broadcast_in_dim3A_297 = vector.broadcast %jit3A_296 : f32 to vector<16xf32>
      %select_n3A_298 = arith.select %eq3A_295, %broadcast_in_dim3A_297, %get3A_116 : vector<16xi1>, vector<16xf32>
      %eq3A_299 = vector.broadcast %reduce_min3A_258 : i32 to vector<16xi32>
      %eq3A_300 = arith.cmpi eq, %get3A_150, %eq3A_299 : vector<16xi32>
      %jit3A_301 = arith.constant 0x7F800000 : f32
      %broadcast_in_dim3A_302 = vector.broadcast %jit3A_301 : f32 to vector<16xf32>
      %select_n3A_303 = arith.select %eq3A_300, %broadcast_in_dim3A_302, %get3A_118 : vector<16xi1>, vector<16xf32>
      %eq3A_304 = vector.broadcast %reduce_min3A_258 : i32 to vector<16xi32>
      %eq3A_305 = arith.cmpi eq, %get3A_152, %eq3A_304 : vector<16xi32>
      %jit3A_306 = arith.constant 0x7F800000 : f32
      %broadcast_in_dim3A_307 = vector.broadcast %jit3A_306 : f32 to vector<16xf32>
      %select_n3A_308 = arith.select %eq3A_305, %broadcast_in_dim3A_307, %get3A_120 : vector<16xi1>, vector<16xf32>
      %eq3A_309 = vector.broadcast %reduce_min3A_258 : i32 to vector<16xi32>
      %eq3A_310 = arith.cmpi eq, %get3A_154, %eq3A_309 : vector<16xi32>
      %jit3A_311 = arith.constant 0x7F800000 : f32
      %broadcast_in_dim3A_312 = vector.broadcast %jit3A_311 : f32 to vector<16xf32>
      %select_n3A_313 = arith.select %eq3A_310, %broadcast_in_dim3A_312, %get3A_122 : vector<16xi1>, vector<16xf32>
      %eq3A_314 = vector.broadcast %reduce_min3A_258 : i32 to vector<16xi32>
      %eq3A_315 = arith.cmpi eq, %get3A_156, %eq3A_314 : vector<16xi32>
      %jit3A_316 = arith.constant 0x7F800000 : f32
      %broadcast_in_dim3A_317 = vector.broadcast %jit3A_316 : f32 to vector<16xf32>
      %select_n3A_318 = arith.select %eq3A_315, %broadcast_in_dim3A_317, %get3A_124 : vector<16xi1>, vector<16xf32>
      %eq3A_319 = vector.broadcast %reduce_min3A_258 : i32 to vector<16xi32>
      %eq3A_320 = arith.cmpi eq, %get3A_158, %eq3A_319 : vector<16xi32>
      %jit3A_321 = arith.constant 0x7F800000 : f32
      %broadcast_in_dim3A_322 = vector.broadcast %jit3A_321 : f32 to vector<16xf32>
      %select_n3A_323 = arith.select %eq3A_320, %broadcast_in_dim3A_322, %get3A_126 : vector<16xi1>, vector<16xf32>
      %eq3A_324 = vector.broadcast %reduce_min3A_258 : i32 to vector<16xi32>
      %eq3A_325 = arith.cmpi eq, %get3A_160, %eq3A_324 : vector<16xi32>
      %jit3A_326 = arith.constant 0x7F800000 : f32
      %broadcast_in_dim3A_327 = vector.broadcast %jit3A_326 : f32 to vector<16xf32>
      %select_n3A_328 = arith.select %eq3A_325, %broadcast_in_dim3A_327, %get3A_128 : vector<16xi1>, vector<16xf32>
      %eq3A_329 = vector.broadcast %reduce_min3A_258 : i32 to vector<16xi32>
      %eq3A_330 = arith.cmpi eq, %get3A_162, %eq3A_329 : vector<16xi32>
      %jit3A_331 = arith.constant 0x7F800000 : f32
      %broadcast_in_dim3A_332 = vector.broadcast %jit3A_331 : f32 to vector<16xf32>
      %select_n3A_333 = arith.select %eq3A_330, %broadcast_in_dim3A_332, %get3A_130 : vector<16xi1>, vector<16xf32>
      %eq3A_334 = vector.broadcast %reduce_min3A_258 : i32 to vector<16xi32>
      %eq3A_335 = arith.cmpi eq, %get3A_164, %eq3A_334 : vector<16xi32>
      %jit3A_336 = arith.constant 0x7F800000 : f32
      %broadcast_in_dim3A_337 = vector.broadcast %jit3A_336 : f32 to vector<16xf32>
      %select_n3A_338 = arith.select %eq3A_335, %broadcast_in_dim3A_337, %get3A_132 : vector<16xi1>, vector<16xf32>
      %eq3A_339 = vector.broadcast %reduce_min3A_258 : i32 to vector<16xi32>
      %eq3A_340 = arith.cmpi eq, %get3A_166, %eq3A_339 : vector<16xi32>
      %jit3A_341 = arith.constant 0x7F800000 : f32
      %broadcast_in_dim3A_342 = vector.broadcast %jit3A_341 : f32 to vector<16xf32>
      %select_n3A_343 = arith.select %eq3A_340, %broadcast_in_dim3A_342, %get3A_134 : vector<16xi1>, vector<16xf32>
      %min3A_344 = arith.minimumf %select_n3A_268, %select_n3A_273 : vector<16xf32>
      %min3A_345 = arith.minimumf %min3A_344, %select_n3A_278 : vector<16xf32>
      %min3A_346 = arith.minimumf %min3A_345, %select_n3A_283 : vector<16xf32>
      %min3A_347 = arith.minimumf %min3A_346, %select_n3A_288 : vector<16xf32>
      %min3A_348 = arith.minimumf %min3A_347, %select_n3A_293 : vector<16xf32>
      %min3A_349 = arith.minimumf %min3A_348, %select_n3A_298 : vector<16xf32>
      %min3A_350 = arith.minimumf %min3A_349, %select_n3A_303 : vector<16xf32>
      %min3A_351 = arith.minimumf %min3A_350, %select_n3A_308 : vector<16xf32>
      %min3A_352 = arith.minimumf %min3A_351, %select_n3A_313 : vector<16xf32>
      %min3A_353 = arith.minimumf %min3A_352, %select_n3A_318 : vector<16xf32>
      %min3A_354 = arith.minimumf %min3A_353, %select_n3A_323 : vector<16xf32>
      %min3A_355 = arith.minimumf %min3A_354, %select_n3A_328 : vector<16xf32>
      %min3A_356 = arith.minimumf %min3A_355, %select_n3A_333 : vector<16xf32>
      %min3A_357 = arith.minimumf %min3A_356, %select_n3A_338 : vector<16xf32>
      %min3A_358 = arith.minimumf %min3A_357, %select_n3A_343 : vector<16xf32>
      %reduce_min3A_359 = arith.constant true
      %reduce_min3A_360 = vector.broadcast %reduce_min3A_359 : i1 to vector<16xi1>
      %reduce_min3A_361 = tpu.scan <min>, %min3A_358 masked %reduce_min3A_360 : vector<16xf32>, vector<16xi1> -> vector<16xf32>
      %reduce_min3A_362 = vector.extract %reduce_min3A_361[15] : f32 from vector<16xf32>
      %eq3A_363 = vector.broadcast %reduce_min3A_362 : f32 to vector<16xf32>
      %eq3A_364 = arith.cmpf oeq, %select_n3A_268, %eq3A_363 : vector<16xf32>
      %select_n3A_365 = arith.select %eq3A_364, %get3A_136, %broadcast_in_dim3A_5 : vector<16xi1>, vector<16xi32>
      %min3A_366 = arith.minsi %broadcast_in_dim3A_5, %select_n3A_365 : vector<16xi32>
      %eq3A_367 = vector.broadcast %reduce_min3A_362 : f32 to vector<16xf32>
      %eq3A_368 = arith.cmpf oeq, %select_n3A_273, %eq3A_367 : vector<16xf32>
      %select_n3A_369 = arith.select %eq3A_368, %get3A_138, %broadcast_in_dim3A_5 : vector<16xi1>, vector<16xi32>
      %min3A_370 = arith.minsi %min3A_366, %select_n3A_369 : vector<16xi32>
      %eq3A_371 = vector.broadcast %reduce_min3A_362 : f32 to vector<16xf32>
      %eq3A_372 = arith.cmpf oeq, %select_n3A_278, %eq3A_371 : vector<16xf32>
      %select_n3A_373 = arith.select %eq3A_372, %get3A_140, %broadcast_in_dim3A_5 : vector<16xi1>, vector<16xi32>
      %min3A_374 = arith.minsi %min3A_370, %select_n3A_373 : vector<16xi32>
      %eq3A_375 = vector.broadcast %reduce_min3A_362 : f32 to vector<16xf32>
      %eq3A_376 = arith.cmpf oeq, %select_n3A_283, %eq3A_375 : vector<16xf32>
      %select_n3A_377 = arith.select %eq3A_376, %get3A_142, %broadcast_in_dim3A_5 : vector<16xi1>, vector<16xi32>
      %min3A_378 = arith.minsi %min3A_374, %select_n3A_377 : vector<16xi32>
      %eq3A_379 = vector.broadcast %reduce_min3A_362 : f32 to vector<16xf32>
      %eq3A_380 = arith.cmpf oeq, %select_n3A_288, %eq3A_379 : vector<16xf32>
      %select_n3A_381 = arith.select %eq3A_380, %get3A_144, %broadcast_in_dim3A_5 : vector<16xi1>, vector<16xi32>
      %min3A_382 = arith.minsi %min3A_378, %select_n3A_381 : vector<16xi32>
      %eq3A_383 = vector.broadcast %reduce_min3A_362 : f32 to vector<16xf32>
      %eq3A_384 = arith.cmpf oeq, %select_n3A_293, %eq3A_383 : vector<16xf32>
      %select_n3A_385 = arith.select %eq3A_384, %get3A_146, %broadcast_in_dim3A_5 : vector<16xi1>, vector<16xi32>
      %min3A_386 = arith.minsi %min3A_382, %select_n3A_385 : vector<16xi32>
      %eq3A_387 = vector.broadcast %reduce_min3A_362 : f32 to vector<16xf32>
      %eq3A_388 = arith.cmpf oeq, %select_n3A_298, %eq3A_387 : vector<16xf32>
      %select_n3A_389 = arith.select %eq3A_388, %get3A_148, %broadcast_in_dim3A_5 : vector<16xi1>, vector<16xi32>
      %min3A_390 = arith.minsi %min3A_386, %select_n3A_389 : vector<16xi32>
      %eq3A_391 = vector.broadcast %reduce_min3A_362 : f32 to vector<16xf32>
      %eq3A_392 = arith.cmpf oeq, %select_n3A_303, %eq3A_391 : vector<16xf32>
      %select_n3A_393 = arith.select %eq3A_392, %get3A_150, %broadcast_in_dim3A_5 : vector<16xi1>, vector<16xi32>
      %min3A_394 = arith.minsi %min3A_390, %select_n3A_393 : vector<16xi32>
      %eq3A_395 = vector.broadcast %reduce_min3A_362 : f32 to vector<16xf32>
      %eq3A_396 = arith.cmpf oeq, %select_n3A_308, %eq3A_395 : vector<16xf32>
      %select_n3A_397 = arith.select %eq3A_396, %get3A_152, %broadcast_in_dim3A_5 : vector<16xi1>, vector<16xi32>
      %min3A_398 = arith.minsi %min3A_394, %select_n3A_397 : vector<16xi32>
      %eq3A_399 = vector.broadcast %reduce_min3A_362 : f32 to vector<16xf32>
      %eq3A_400 = arith.cmpf oeq, %select_n3A_313, %eq3A_399 : vector<16xf32>
      %select_n3A_401 = arith.select %eq3A_400, %get3A_154, %broadcast_in_dim3A_5 : vector<16xi1>, vector<16xi32>
      %min3A_402 = arith.minsi %min3A_398, %select_n3A_401 : vector<16xi32>
      %eq3A_403 = vector.broadcast %reduce_min3A_362 : f32 to vector<16xf32>
      %eq3A_404 = arith.cmpf oeq, %select_n3A_318, %eq3A_403 : vector<16xf32>
      %select_n3A_405 = arith.select %eq3A_404, %get3A_156, %broadcast_in_dim3A_5 : vector<16xi1>, vector<16xi32>
      %min3A_406 = arith.minsi %min3A_402, %select_n3A_405 : vector<16xi32>
      %eq3A_407 = vector.broadcast %reduce_min3A_362 : f32 to vector<16xf32>
      %eq3A_408 = arith.cmpf oeq, %select_n3A_323, %eq3A_407 : vector<16xf32>
      %select_n3A_409 = arith.select %eq3A_408, %get3A_158, %broadcast_in_dim3A_5 : vector<16xi1>, vector<16xi32>
      %min3A_410 = arith.minsi %min3A_406, %select_n3A_409 : vector<16xi32>
      %eq3A_411 = vector.broadcast %reduce_min3A_362 : f32 to vector<16xf32>
      %eq3A_412 = arith.cmpf oeq, %select_n3A_328, %eq3A_411 : vector<16xf32>
      %select_n3A_413 = arith.select %eq3A_412, %get3A_160, %broadcast_in_dim3A_5 : vector<16xi1>, vector<16xi32>
      %min3A_414 = arith.minsi %min3A_410, %select_n3A_413 : vector<16xi32>
      %eq3A_415 = vector.broadcast %reduce_min3A_362 : f32 to vector<16xf32>
      %eq3A_416 = arith.cmpf oeq, %select_n3A_333, %eq3A_415 : vector<16xf32>
      %select_n3A_417 = arith.select %eq3A_416, %get3A_162, %broadcast_in_dim3A_5 : vector<16xi1>, vector<16xi32>
      %min3A_418 = arith.minsi %min3A_414, %select_n3A_417 : vector<16xi32>
      %eq3A_419 = vector.broadcast %reduce_min3A_362 : f32 to vector<16xf32>
      %eq3A_420 = arith.cmpf oeq, %select_n3A_338, %eq3A_419 : vector<16xf32>
      %select_n3A_421 = arith.select %eq3A_420, %get3A_164, %broadcast_in_dim3A_5 : vector<16xi1>, vector<16xi32>
      %min3A_422 = arith.minsi %min3A_418, %select_n3A_421 : vector<16xi32>
      %eq3A_423 = vector.broadcast %reduce_min3A_362 : f32 to vector<16xf32>
      %eq3A_424 = arith.cmpf oeq, %select_n3A_343, %eq3A_423 : vector<16xf32>
      %select_n3A_425 = arith.select %eq3A_424, %get3A_166, %broadcast_in_dim3A_5 : vector<16xi1>, vector<16xi32>
      %min3A_426 = arith.minsi %min3A_422, %select_n3A_425 : vector<16xi32>
      %reduce_min3A_427 = arith.constant true
      %reduce_min3A_428 = vector.broadcast %reduce_min3A_427 : i1 to vector<16xi1>
      %reduce_min3A_429 = arith.constant -2147483648 : i32
      %reduce_min3A_430 = vector.broadcast %reduce_min3A_429 : i32 to vector<16xi32>
      %reduce_min3A_431 = arith.xori %min3A_426, %reduce_min3A_430 : vector<16xi32>
      %reduce_min3A_432 = tpu.scan <min>, %reduce_min3A_431 masked %reduce_min3A_428 : vector<16xi32>, vector<16xi1> -> vector<16xi32>
      %reduce_min3A_433 = arith.xori %reduce_min3A_432, %reduce_min3A_430 : vector<16xi32>
      %reduce_min3A_434 = vector.extract %reduce_min3A_433[15] : i32 from vector<16xi32>
      %eq3A_435 = arith.constant 1 : i32
      %eq3A_436 = vector.broadcast %eq3A_435 : i32 to vector<16xi32>
      %eq3A_437 = arith.cmpi eq, %iota3A, %eq3A_436 : vector<16xi32>
      %broadcast_in_dim3A_438 = vector.broadcast %reduce_min3A_434 : i32 to vector<16xi32>
      %select_n3A_439 = arith.select %eq3A_437, %broadcast_in_dim3A_438, %select_n3A_263 : vector<16xi1>, vector<16xi32>
      %eq3A_440 = vector.broadcast %reduce_min3A_434 : i32 to vector<16xi32>
      %eq3A_441 = arith.cmpi eq, %get3A_136, %eq3A_440 : vector<16xi32>
      %jit3A_442 = arith.constant 0x7F800000 : f32
      %broadcast_in_dim3A_443 = vector.broadcast %jit3A_442 : f32 to vector<16xf32>
      %select_n3A_444 = arith.select %eq3A_441, %broadcast_in_dim3A_443, %select_n3A_268 : vector<16xi1>, vector<16xf32>
      %eq3A_445 = vector.broadcast %reduce_min3A_434 : i32 to vector<16xi32>
      %eq3A_446 = arith.cmpi eq, %get3A_138, %eq3A_445 : vector<16xi32>
      %jit3A_447 = arith.constant 0x7F800000 : f32
      %broadcast_in_dim3A_448 = vector.broadcast %jit3A_447 : f32 to vector<16xf32>
      %select_n3A_449 = arith.select %eq3A_446, %broadcast_in_dim3A_448, %select_n3A_273 : vector<16xi1>, vector<16xf32>
      %eq3A_450 = vector.broadcast %reduce_min3A_434 : i32 to vector<16xi32>
      %eq3A_451 = arith.cmpi eq, %get3A_140, %eq3A_450 : vector<16xi32>
      %jit3A_452 = arith.constant 0x7F800000 : f32
      %broadcast_in_dim3A_453 = vector.broadcast %jit3A_452 : f32 to vector<16xf32>
      %select_n3A_454 = arith.select %eq3A_451, %broadcast_in_dim3A_453, %select_n3A_278 : vector<16xi1>, vector<16xf32>
      %eq3A_455 = vector.broadcast %reduce_min3A_434 : i32 to vector<16xi32>
      %eq3A_456 = arith.cmpi eq, %get3A_142, %eq3A_455 : vector<16xi32>
      %jit3A_457 = arith.constant 0x7F800000 : f32
      %broadcast_in_dim3A_458 = vector.broadcast %jit3A_457 : f32 to vector<16xf32>
      %select_n3A_459 = arith.select %eq3A_456, %broadcast_in_dim3A_458, %select_n3A_283 : vector<16xi1>, vector<16xf32>
      %eq3A_460 = vector.broadcast %reduce_min3A_434 : i32 to vector<16xi32>
      %eq3A_461 = arith.cmpi eq, %get3A_144, %eq3A_460 : vector<16xi32>
      %jit3A_462 = arith.constant 0x7F800000 : f32
      %broadcast_in_dim3A_463 = vector.broadcast %jit3A_462 : f32 to vector<16xf32>
      %select_n3A_464 = arith.select %eq3A_461, %broadcast_in_dim3A_463, %select_n3A_288 : vector<16xi1>, vector<16xf32>
      %eq3A_465 = vector.broadcast %reduce_min3A_434 : i32 to vector<16xi32>
      %eq3A_466 = arith.cmpi eq, %get3A_146, %eq3A_465 : vector<16xi32>
      %jit3A_467 = arith.constant 0x7F800000 : f32
      %broadcast_in_dim3A_468 = vector.broadcast %jit3A_467 : f32 to vector<16xf32>
      %select_n3A_469 = arith.select %eq3A_466, %broadcast_in_dim3A_468, %select_n3A_293 : vector<16xi1>, vector<16xf32>
      %eq3A_470 = vector.broadcast %reduce_min3A_434 : i32 to vector<16xi32>
      %eq3A_471 = arith.cmpi eq, %get3A_148, %eq3A_470 : vector<16xi32>
      %jit3A_472 = arith.constant 0x7F800000 : f32
      %broadcast_in_dim3A_473 = vector.broadcast %jit3A_472 : f32 to vector<16xf32>
      %select_n3A_474 = arith.select %eq3A_471, %broadcast_in_dim3A_473, %select_n3A_298 : vector<16xi1>, vector<16xf32>
      %eq3A_475 = vector.broadcast %reduce_min3A_434 : i32 to vector<16xi32>
      %eq3A_476 = arith.cmpi eq, %get3A_150, %eq3A_475 : vector<16xi32>
      %jit3A_477 = arith.constant 0x7F800000 : f32
      %broadcast_in_dim3A_478 = vector.broadcast %jit3A_477 : f32 to vector<16xf32>
      %select_n3A_479 = arith.select %eq3A_476, %broadcast_in_dim3A_478, %select_n3A_303 : vector<16xi1>, vector<16xf32>
      %eq3A_480 = vector.broadcast %reduce_min3A_434 : i32 to vector<16xi32>
      %eq3A_481 = arith.cmpi eq, %get3A_152, %eq3A_480 : vector<16xi32>
      %jit3A_482 = arith.constant 0x7F800000 : f32
      %broadcast_in_dim3A_483 = vector.broadcast %jit3A_482 : f32 to vector<16xf32>
      %select_n3A_484 = arith.select %eq3A_481, %broadcast_in_dim3A_483, %select_n3A_308 : vector<16xi1>, vector<16xf32>
      %eq3A_485 = vector.broadcast %reduce_min3A_434 : i32 to vector<16xi32>
      %eq3A_486 = arith.cmpi eq, %get3A_154, %eq3A_485 : vector<16xi32>
      %jit3A_487 = arith.constant 0x7F800000 : f32
      %broadcast_in_dim3A_488 = vector.broadcast %jit3A_487 : f32 to vector<16xf32>
      %select_n3A_489 = arith.select %eq3A_486, %broadcast_in_dim3A_488, %select_n3A_313 : vector<16xi1>, vector<16xf32>
      %eq3A_490 = vector.broadcast %reduce_min3A_434 : i32 to vector<16xi32>
      %eq3A_491 = arith.cmpi eq, %get3A_156, %eq3A_490 : vector<16xi32>
      %jit3A_492 = arith.constant 0x7F800000 : f32
      %broadcast_in_dim3A_493 = vector.broadcast %jit3A_492 : f32 to vector<16xf32>
      %select_n3A_494 = arith.select %eq3A_491, %broadcast_in_dim3A_493, %select_n3A_318 : vector<16xi1>, vector<16xf32>
      %eq3A_495 = vector.broadcast %reduce_min3A_434 : i32 to vector<16xi32>
      %eq3A_496 = arith.cmpi eq, %get3A_158, %eq3A_495 : vector<16xi32>
      %jit3A_497 = arith.constant 0x7F800000 : f32
      %broadcast_in_dim3A_498 = vector.broadcast %jit3A_497 : f32 to vector<16xf32>
      %select_n3A_499 = arith.select %eq3A_496, %broadcast_in_dim3A_498, %select_n3A_323 : vector<16xi1>, vector<16xf32>
      %eq3A_500 = vector.broadcast %reduce_min3A_434 : i32 to vector<16xi32>
      %eq3A_501 = arith.cmpi eq, %get3A_160, %eq3A_500 : vector<16xi32>
      %jit3A_502 = arith.constant 0x7F800000 : f32
      %broadcast_in_dim3A_503 = vector.broadcast %jit3A_502 : f32 to vector<16xf32>
      %select_n3A_504 = arith.select %eq3A_501, %broadcast_in_dim3A_503, %select_n3A_328 : vector<16xi1>, vector<16xf32>
      %eq3A_505 = vector.broadcast %reduce_min3A_434 : i32 to vector<16xi32>
      %eq3A_506 = arith.cmpi eq, %get3A_162, %eq3A_505 : vector<16xi32>
      %jit3A_507 = arith.constant 0x7F800000 : f32
      %broadcast_in_dim3A_508 = vector.broadcast %jit3A_507 : f32 to vector<16xf32>
      %select_n3A_509 = arith.select %eq3A_506, %broadcast_in_dim3A_508, %select_n3A_333 : vector<16xi1>, vector<16xf32>
      %eq3A_510 = vector.broadcast %reduce_min3A_434 : i32 to vector<16xi32>
      %eq3A_511 = arith.cmpi eq, %get3A_164, %eq3A_510 : vector<16xi32>
      %jit3A_512 = arith.constant 0x7F800000 : f32
      %broadcast_in_dim3A_513 = vector.broadcast %jit3A_512 : f32 to vector<16xf32>
      %select_n3A_514 = arith.select %eq3A_511, %broadcast_in_dim3A_513, %select_n3A_338 : vector<16xi1>, vector<16xf32>
      %eq3A_515 = vector.broadcast %reduce_min3A_434 : i32 to vector<16xi32>
      %eq3A_516 = arith.cmpi eq, %get3A_166, %eq3A_515 : vector<16xi32>
      %jit3A_517 = arith.constant 0x7F800000 : f32
      %broadcast_in_dim3A_518 = vector.broadcast %jit3A_517 : f32 to vector<16xf32>
      %select_n3A_519 = arith.select %eq3A_516, %broadcast_in_dim3A_518, %select_n3A_343 : vector<16xi1>, vector<16xf32>
      %min3A_520 = arith.minimumf %select_n3A_444, %select_n3A_449 : vector<16xf32>
      %min3A_521 = arith.minimumf %min3A_520, %select_n3A_454 : vector<16xf32>
      %min3A_522 = arith.minimumf %min3A_521, %select_n3A_459 : vector<16xf32>
      %min3A_523 = arith.minimumf %min3A_522, %select_n3A_464 : vector<16xf32>
      %min3A_524 = arith.minimumf %min3A_523, %select_n3A_469 : vector<16xf32>
      %min3A_525 = arith.minimumf %min3A_524, %select_n3A_474 : vector<16xf32>
      %min3A_526 = arith.minimumf %min3A_525, %select_n3A_479 : vector<16xf32>
      %min3A_527 = arith.minimumf %min3A_526, %select_n3A_484 : vector<16xf32>
      %min3A_528 = arith.minimumf %min3A_527, %select_n3A_489 : vector<16xf32>
      %min3A_529 = arith.minimumf %min3A_528, %select_n3A_494 : vector<16xf32>
      %min3A_530 = arith.minimumf %min3A_529, %select_n3A_499 : vector<16xf32>
      %min3A_531 = arith.minimumf %min3A_530, %select_n3A_504 : vector<16xf32>
      %min3A_532 = arith.minimumf %min3A_531, %select_n3A_509 : vector<16xf32>
      %min3A_533 = arith.minimumf %min3A_532, %select_n3A_514 : vector<16xf32>
      %min3A_534 = arith.minimumf %min3A_533, %select_n3A_519 : vector<16xf32>
      %reduce_min3A_535 = arith.constant true
      %reduce_min3A_536 = vector.broadcast %reduce_min3A_535 : i1 to vector<16xi1>
      %reduce_min3A_537 = tpu.scan <min>, %min3A_534 masked %reduce_min3A_536 : vector<16xf32>, vector<16xi1> -> vector<16xf32>
      %reduce_min3A_538 = vector.extract %reduce_min3A_537[15] : f32 from vector<16xf32>
      %eq3A_539 = vector.broadcast %reduce_min3A_538 : f32 to vector<16xf32>
      %eq3A_540 = arith.cmpf oeq, %select_n3A_444, %eq3A_539 : vector<16xf32>
      %select_n3A_541 = arith.select %eq3A_540, %get3A_136, %broadcast_in_dim3A_5 : vector<16xi1>, vector<16xi32>
      %min3A_542 = arith.minsi %broadcast_in_dim3A_5, %select_n3A_541 : vector<16xi32>
      %eq3A_543 = vector.broadcast %reduce_min3A_538 : f32 to vector<16xf32>
      %eq3A_544 = arith.cmpf oeq, %select_n3A_449, %eq3A_543 : vector<16xf32>
      %select_n3A_545 = arith.select %eq3A_544, %get3A_138, %broadcast_in_dim3A_5 : vector<16xi1>, vector<16xi32>
      %min3A_546 = arith.minsi %min3A_542, %select_n3A_545 : vector<16xi32>
      %eq3A_547 = vector.broadcast %reduce_min3A_538 : f32 to vector<16xf32>
      %eq3A_548 = arith.cmpf oeq, %select_n3A_454, %eq3A_547 : vector<16xf32>
      %select_n3A_549 = arith.select %eq3A_548, %get3A_140, %broadcast_in_dim3A_5 : vector<16xi1>, vector<16xi32>
      %min3A_550 = arith.minsi %min3A_546, %select_n3A_549 : vector<16xi32>
      %eq3A_551 = vector.broadcast %reduce_min3A_538 : f32 to vector<16xf32>
      %eq3A_552 = arith.cmpf oeq, %select_n3A_459, %eq3A_551 : vector<16xf32>
      %select_n3A_553 = arith.select %eq3A_552, %get3A_142, %broadcast_in_dim3A_5 : vector<16xi1>, vector<16xi32>
      %min3A_554 = arith.minsi %min3A_550, %select_n3A_553 : vector<16xi32>
      %eq3A_555 = vector.broadcast %reduce_min3A_538 : f32 to vector<16xf32>
      %eq3A_556 = arith.cmpf oeq, %select_n3A_464, %eq3A_555 : vector<16xf32>
      %select_n3A_557 = arith.select %eq3A_556, %get3A_144, %broadcast_in_dim3A_5 : vector<16xi1>, vector<16xi32>
      %min3A_558 = arith.minsi %min3A_554, %select_n3A_557 : vector<16xi32>
      %eq3A_559 = vector.broadcast %reduce_min3A_538 : f32 to vector<16xf32>
      %eq3A_560 = arith.cmpf oeq, %select_n3A_469, %eq3A_559 : vector<16xf32>
      %select_n3A_561 = arith.select %eq3A_560, %get3A_146, %broadcast_in_dim3A_5 : vector<16xi1>, vector<16xi32>
      %min3A_562 = arith.minsi %min3A_558, %select_n3A_561 : vector<16xi32>
      %eq3A_563 = vector.broadcast %reduce_min3A_538 : f32 to vector<16xf32>
      %eq3A_564 = arith.cmpf oeq, %select_n3A_474, %eq3A_563 : vector<16xf32>
      %select_n3A_565 = arith.select %eq3A_564, %get3A_148, %broadcast_in_dim3A_5 : vector<16xi1>, vector<16xi32>
      %min3A_566 = arith.minsi %min3A_562, %select_n3A_565 : vector<16xi32>
      %eq3A_567 = vector.broadcast %reduce_min3A_538 : f32 to vector<16xf32>
      %eq3A_568 = arith.cmpf oeq, %select_n3A_479, %eq3A_567 : vector<16xf32>
      %select_n3A_569 = arith.select %eq3A_568, %get3A_150, %broadcast_in_dim3A_5 : vector<16xi1>, vector<16xi32>
      %min3A_570 = arith.minsi %min3A_566, %select_n3A_569 : vector<16xi32>
      %eq3A_571 = vector.broadcast %reduce_min3A_538 : f32 to vector<16xf32>
      %eq3A_572 = arith.cmpf oeq, %select_n3A_484, %eq3A_571 : vector<16xf32>
      %select_n3A_573 = arith.select %eq3A_572, %get3A_152, %broadcast_in_dim3A_5 : vector<16xi1>, vector<16xi32>
      %min3A_574 = arith.minsi %min3A_570, %select_n3A_573 : vector<16xi32>
      %eq3A_575 = vector.broadcast %reduce_min3A_538 : f32 to vector<16xf32>
      %eq3A_576 = arith.cmpf oeq, %select_n3A_489, %eq3A_575 : vector<16xf32>
      %select_n3A_577 = arith.select %eq3A_576, %get3A_154, %broadcast_in_dim3A_5 : vector<16xi1>, vector<16xi32>
      %min3A_578 = arith.minsi %min3A_574, %select_n3A_577 : vector<16xi32>
      %eq3A_579 = vector.broadcast %reduce_min3A_538 : f32 to vector<16xf32>
      %eq3A_580 = arith.cmpf oeq, %select_n3A_494, %eq3A_579 : vector<16xf32>
      %select_n3A_581 = arith.select %eq3A_580, %get3A_156, %broadcast_in_dim3A_5 : vector<16xi1>, vector<16xi32>
      %min3A_582 = arith.minsi %min3A_578, %select_n3A_581 : vector<16xi32>
      %eq3A_583 = vector.broadcast %reduce_min3A_538 : f32 to vector<16xf32>
      %eq3A_584 = arith.cmpf oeq, %select_n3A_499, %eq3A_583 : vector<16xf32>
      %select_n3A_585 = arith.select %eq3A_584, %get3A_158, %broadcast_in_dim3A_5 : vector<16xi1>, vector<16xi32>
      %min3A_586 = arith.minsi %min3A_582, %select_n3A_585 : vector<16xi32>
      %eq3A_587 = vector.broadcast %reduce_min3A_538 : f32 to vector<16xf32>
      %eq3A_588 = arith.cmpf oeq, %select_n3A_504, %eq3A_587 : vector<16xf32>
      %select_n3A_589 = arith.select %eq3A_588, %get3A_160, %broadcast_in_dim3A_5 : vector<16xi1>, vector<16xi32>
      %min3A_590 = arith.minsi %min3A_586, %select_n3A_589 : vector<16xi32>
      %eq3A_591 = vector.broadcast %reduce_min3A_538 : f32 to vector<16xf32>
      %eq3A_592 = arith.cmpf oeq, %select_n3A_509, %eq3A_591 : vector<16xf32>
      %select_n3A_593 = arith.select %eq3A_592, %get3A_162, %broadcast_in_dim3A_5 : vector<16xi1>, vector<16xi32>
      %min3A_594 = arith.minsi %min3A_590, %select_n3A_593 : vector<16xi32>
      %eq3A_595 = vector.broadcast %reduce_min3A_538 : f32 to vector<16xf32>
      %eq3A_596 = arith.cmpf oeq, %select_n3A_514, %eq3A_595 : vector<16xf32>
      %select_n3A_597 = arith.select %eq3A_596, %get3A_164, %broadcast_in_dim3A_5 : vector<16xi1>, vector<16xi32>
      %min3A_598 = arith.minsi %min3A_594, %select_n3A_597 : vector<16xi32>
      %eq3A_599 = vector.broadcast %reduce_min3A_538 : f32 to vector<16xf32>
      %eq3A_600 = arith.cmpf oeq, %select_n3A_519, %eq3A_599 : vector<16xf32>
      %select_n3A_601 = arith.select %eq3A_600, %get3A_166, %broadcast_in_dim3A_5 : vector<16xi1>, vector<16xi32>
      %min3A_602 = arith.minsi %min3A_598, %select_n3A_601 : vector<16xi32>
      %reduce_min3A_603 = arith.constant true
      %reduce_min3A_604 = vector.broadcast %reduce_min3A_603 : i1 to vector<16xi1>
      %reduce_min3A_605 = arith.constant -2147483648 : i32
      %reduce_min3A_606 = vector.broadcast %reduce_min3A_605 : i32 to vector<16xi32>
      %reduce_min3A_607 = arith.xori %min3A_602, %reduce_min3A_606 : vector<16xi32>
      %reduce_min3A_608 = tpu.scan <min>, %reduce_min3A_607 masked %reduce_min3A_604 : vector<16xi32>, vector<16xi1> -> vector<16xi32>
      %reduce_min3A_609 = arith.xori %reduce_min3A_608, %reduce_min3A_606 : vector<16xi32>
      %reduce_min3A_610 = vector.extract %reduce_min3A_609[15] : i32 from vector<16xi32>
      %eq3A_611 = arith.constant 2 : i32
      %eq3A_612 = vector.broadcast %eq3A_611 : i32 to vector<16xi32>
      %eq3A_613 = arith.cmpi eq, %iota3A, %eq3A_612 : vector<16xi32>
      %broadcast_in_dim3A_614 = vector.broadcast %reduce_min3A_610 : i32 to vector<16xi32>
      %select_n3A_615 = arith.select %eq3A_613, %broadcast_in_dim3A_614, %select_n3A_439 : vector<16xi1>, vector<16xi32>
      %eq3A_616 = vector.broadcast %reduce_min3A_610 : i32 to vector<16xi32>
      %eq3A_617 = arith.cmpi eq, %get3A_136, %eq3A_616 : vector<16xi32>
      %jit3A_618 = arith.constant 0x7F800000 : f32
      %broadcast_in_dim3A_619 = vector.broadcast %jit3A_618 : f32 to vector<16xf32>
      %select_n3A_620 = arith.select %eq3A_617, %broadcast_in_dim3A_619, %select_n3A_444 : vector<16xi1>, vector<16xf32>
      %eq3A_621 = vector.broadcast %reduce_min3A_610 : i32 to vector<16xi32>
      %eq3A_622 = arith.cmpi eq, %get3A_138, %eq3A_621 : vector<16xi32>
      %jit3A_623 = arith.constant 0x7F800000 : f32
      %broadcast_in_dim3A_624 = vector.broadcast %jit3A_623 : f32 to vector<16xf32>
      %select_n3A_625 = arith.select %eq3A_622, %broadcast_in_dim3A_624, %select_n3A_449 : vector<16xi1>, vector<16xf32>
      %eq3A_626 = vector.broadcast %reduce_min3A_610 : i32 to vector<16xi32>
      %eq3A_627 = arith.cmpi eq, %get3A_140, %eq3A_626 : vector<16xi32>
      %jit3A_628 = arith.constant 0x7F800000 : f32
      %broadcast_in_dim3A_629 = vector.broadcast %jit3A_628 : f32 to vector<16xf32>
      %select_n3A_630 = arith.select %eq3A_627, %broadcast_in_dim3A_629, %select_n3A_454 : vector<16xi1>, vector<16xf32>
      %eq3A_631 = vector.broadcast %reduce_min3A_610 : i32 to vector<16xi32>
      %eq3A_632 = arith.cmpi eq, %get3A_142, %eq3A_631 : vector<16xi32>
      %jit3A_633 = arith.constant 0x7F800000 : f32
      %broadcast_in_dim3A_634 = vector.broadcast %jit3A_633 : f32 to vector<16xf32>
      %select_n3A_635 = arith.select %eq3A_632, %broadcast_in_dim3A_634, %select_n3A_459 : vector<16xi1>, vector<16xf32>
      %eq3A_636 = vector.broadcast %reduce_min3A_610 : i32 to vector<16xi32>
      %eq3A_637 = arith.cmpi eq, %get3A_144, %eq3A_636 : vector<16xi32>
      %jit3A_638 = arith.constant 0x7F800000 : f32
      %broadcast_in_dim3A_639 = vector.broadcast %jit3A_638 : f32 to vector<16xf32>
      %select_n3A_640 = arith.select %eq3A_637, %broadcast_in_dim3A_639, %select_n3A_464 : vector<16xi1>, vector<16xf32>
      %eq3A_641 = vector.broadcast %reduce_min3A_610 : i32 to vector<16xi32>
      %eq3A_642 = arith.cmpi eq, %get3A_146, %eq3A_641 : vector<16xi32>
      %jit3A_643 = arith.constant 0x7F800000 : f32
      %broadcast_in_dim3A_644 = vector.broadcast %jit3A_643 : f32 to vector<16xf32>
      %select_n3A_645 = arith.select %eq3A_642, %broadcast_in_dim3A_644, %select_n3A_469 : vector<16xi1>, vector<16xf32>
      %eq3A_646 = vector.broadcast %reduce_min3A_610 : i32 to vector<16xi32>
      %eq3A_647 = arith.cmpi eq, %get3A_148, %eq3A_646 : vector<16xi32>
      %jit3A_648 = arith.constant 0x7F800000 : f32
      %broadcast_in_dim3A_649 = vector.broadcast %jit3A_648 : f32 to vector<16xf32>
      %select_n3A_650 = arith.select %eq3A_647, %broadcast_in_dim3A_649, %select_n3A_474 : vector<16xi1>, vector<16xf32>
      %eq3A_651 = vector.broadcast %reduce_min3A_610 : i32 to vector<16xi32>
      %eq3A_652 = arith.cmpi eq, %get3A_150, %eq3A_651 : vector<16xi32>
      %jit3A_653 = arith.constant 0x7F800000 : f32
      %broadcast_in_dim3A_654 = vector.broadcast %jit3A_653 : f32 to vector<16xf32>
      %select_n3A_655 = arith.select %eq3A_652, %broadcast_in_dim3A_654, %select_n3A_479 : vector<16xi1>, vector<16xf32>
      %eq3A_656 = vector.broadcast %reduce_min3A_610 : i32 to vector<16xi32>
      %eq3A_657 = arith.cmpi eq, %get3A_152, %eq3A_656 : vector<16xi32>
      %jit3A_658 = arith.constant 0x7F800000 : f32
      %broadcast_in_dim3A_659 = vector.broadcast %jit3A_658 : f32 to vector<16xf32>
      %select_n3A_660 = arith.select %eq3A_657, %broadcast_in_dim3A_659, %select_n3A_484 : vector<16xi1>, vector<16xf32>
      %eq3A_661 = vector.broadcast %reduce_min3A_610 : i32 to vector<16xi32>
      %eq3A_662 = arith.cmpi eq, %get3A_154, %eq3A_661 : vector<16xi32>
      %jit3A_663 = arith.constant 0x7F800000 : f32
      %broadcast_in_dim3A_664 = vector.broadcast %jit3A_663 : f32 to vector<16xf32>
      %select_n3A_665 = arith.select %eq3A_662, %broadcast_in_dim3A_664, %select_n3A_489 : vector<16xi1>, vector<16xf32>
      %eq3A_666 = vector.broadcast %reduce_min3A_610 : i32 to vector<16xi32>
      %eq3A_667 = arith.cmpi eq, %get3A_156, %eq3A_666 : vector<16xi32>
      %jit3A_668 = arith.constant 0x7F800000 : f32
      %broadcast_in_dim3A_669 = vector.broadcast %jit3A_668 : f32 to vector<16xf32>
      %select_n3A_670 = arith.select %eq3A_667, %broadcast_in_dim3A_669, %select_n3A_494 : vector<16xi1>, vector<16xf32>
      %eq3A_671 = vector.broadcast %reduce_min3A_610 : i32 to vector<16xi32>
      %eq3A_672 = arith.cmpi eq, %get3A_158, %eq3A_671 : vector<16xi32>
      %jit3A_673 = arith.constant 0x7F800000 : f32
      %broadcast_in_dim3A_674 = vector.broadcast %jit3A_673 : f32 to vector<16xf32>
      %select_n3A_675 = arith.select %eq3A_672, %broadcast_in_dim3A_674, %select_n3A_499 : vector<16xi1>, vector<16xf32>
      %eq3A_676 = vector.broadcast %reduce_min3A_610 : i32 to vector<16xi32>
      %eq3A_677 = arith.cmpi eq, %get3A_160, %eq3A_676 : vector<16xi32>
      %jit3A_678 = arith.constant 0x7F800000 : f32
      %broadcast_in_dim3A_679 = vector.broadcast %jit3A_678 : f32 to vector<16xf32>
      %select_n3A_680 = arith.select %eq3A_677, %broadcast_in_dim3A_679, %select_n3A_504 : vector<16xi1>, vector<16xf32>
      %eq3A_681 = vector.broadcast %reduce_min3A_610 : i32 to vector<16xi32>
      %eq3A_682 = arith.cmpi eq, %get3A_162, %eq3A_681 : vector<16xi32>
      %jit3A_683 = arith.constant 0x7F800000 : f32
      %broadcast_in_dim3A_684 = vector.broadcast %jit3A_683 : f32 to vector<16xf32>
      %select_n3A_685 = arith.select %eq3A_682, %broadcast_in_dim3A_684, %select_n3A_509 : vector<16xi1>, vector<16xf32>
      %eq3A_686 = vector.broadcast %reduce_min3A_610 : i32 to vector<16xi32>
      %eq3A_687 = arith.cmpi eq, %get3A_164, %eq3A_686 : vector<16xi32>
      %jit3A_688 = arith.constant 0x7F800000 : f32
      %broadcast_in_dim3A_689 = vector.broadcast %jit3A_688 : f32 to vector<16xf32>
      %select_n3A_690 = arith.select %eq3A_687, %broadcast_in_dim3A_689, %select_n3A_514 : vector<16xi1>, vector<16xf32>
      %eq3A_691 = vector.broadcast %reduce_min3A_610 : i32 to vector<16xi32>
      %eq3A_692 = arith.cmpi eq, %get3A_166, %eq3A_691 : vector<16xi32>
      %jit3A_693 = arith.constant 0x7F800000 : f32
      %broadcast_in_dim3A_694 = vector.broadcast %jit3A_693 : f32 to vector<16xf32>
      %select_n3A_695 = arith.select %eq3A_692, %broadcast_in_dim3A_694, %select_n3A_519 : vector<16xi1>, vector<16xf32>
      %min3A_696 = arith.minimumf %select_n3A_620, %select_n3A_625 : vector<16xf32>
      %min3A_697 = arith.minimumf %min3A_696, %select_n3A_630 : vector<16xf32>
      %min3A_698 = arith.minimumf %min3A_697, %select_n3A_635 : vector<16xf32>
      %min3A_699 = arith.minimumf %min3A_698, %select_n3A_640 : vector<16xf32>
      %min3A_700 = arith.minimumf %min3A_699, %select_n3A_645 : vector<16xf32>
      %min3A_701 = arith.minimumf %min3A_700, %select_n3A_650 : vector<16xf32>
      %min3A_702 = arith.minimumf %min3A_701, %select_n3A_655 : vector<16xf32>
      %min3A_703 = arith.minimumf %min3A_702, %select_n3A_660 : vector<16xf32>
      %min3A_704 = arith.minimumf %min3A_703, %select_n3A_665 : vector<16xf32>
      %min3A_705 = arith.minimumf %min3A_704, %select_n3A_670 : vector<16xf32>
      %min3A_706 = arith.minimumf %min3A_705, %select_n3A_675 : vector<16xf32>
      %min3A_707 = arith.minimumf %min3A_706, %select_n3A_680 : vector<16xf32>
      %min3A_708 = arith.minimumf %min3A_707, %select_n3A_685 : vector<16xf32>
      %min3A_709 = arith.minimumf %min3A_708, %select_n3A_690 : vector<16xf32>
      %min3A_710 = arith.minimumf %min3A_709, %select_n3A_695 : vector<16xf32>
      %reduce_min3A_711 = arith.constant true
      %reduce_min3A_712 = vector.broadcast %reduce_min3A_711 : i1 to vector<16xi1>
      %reduce_min3A_713 = tpu.scan <min>, %min3A_710 masked %reduce_min3A_712 : vector<16xf32>, vector<16xi1> -> vector<16xf32>
      %reduce_min3A_714 = vector.extract %reduce_min3A_713[15] : f32 from vector<16xf32>
      %eq3A_715 = vector.broadcast %reduce_min3A_714 : f32 to vector<16xf32>
      %eq3A_716 = arith.cmpf oeq, %select_n3A_620, %eq3A_715 : vector<16xf32>
      %select_n3A_717 = arith.select %eq3A_716, %get3A_136, %broadcast_in_dim3A_5 : vector<16xi1>, vector<16xi32>
      %min3A_718 = arith.minsi %broadcast_in_dim3A_5, %select_n3A_717 : vector<16xi32>
      %eq3A_719 = vector.broadcast %reduce_min3A_714 : f32 to vector<16xf32>
      %eq3A_720 = arith.cmpf oeq, %select_n3A_625, %eq3A_719 : vector<16xf32>
      %select_n3A_721 = arith.select %eq3A_720, %get3A_138, %broadcast_in_dim3A_5 : vector<16xi1>, vector<16xi32>
      %min3A_722 = arith.minsi %min3A_718, %select_n3A_721 : vector<16xi32>
      %eq3A_723 = vector.broadcast %reduce_min3A_714 : f32 to vector<16xf32>
      %eq3A_724 = arith.cmpf oeq, %select_n3A_630, %eq3A_723 : vector<16xf32>
      %select_n3A_725 = arith.select %eq3A_724, %get3A_140, %broadcast_in_dim3A_5 : vector<16xi1>, vector<16xi32>
      %min3A_726 = arith.minsi %min3A_722, %select_n3A_725 : vector<16xi32>
      %eq3A_727 = vector.broadcast %reduce_min3A_714 : f32 to vector<16xf32>
      %eq3A_728 = arith.cmpf oeq, %select_n3A_635, %eq3A_727 : vector<16xf32>
      %select_n3A_729 = arith.select %eq3A_728, %get3A_142, %broadcast_in_dim3A_5 : vector<16xi1>, vector<16xi32>
      %min3A_730 = arith.minsi %min3A_726, %select_n3A_729 : vector<16xi32>
      %eq3A_731 = vector.broadcast %reduce_min3A_714 : f32 to vector<16xf32>
      %eq3A_732 = arith.cmpf oeq, %select_n3A_640, %eq3A_731 : vector<16xf32>
      %select_n3A_733 = arith.select %eq3A_732, %get3A_144, %broadcast_in_dim3A_5 : vector<16xi1>, vector<16xi32>
      %min3A_734 = arith.minsi %min3A_730, %select_n3A_733 : vector<16xi32>
      %eq3A_735 = vector.broadcast %reduce_min3A_714 : f32 to vector<16xf32>
      %eq3A_736 = arith.cmpf oeq, %select_n3A_645, %eq3A_735 : vector<16xf32>
      %select_n3A_737 = arith.select %eq3A_736, %get3A_146, %broadcast_in_dim3A_5 : vector<16xi1>, vector<16xi32>
      %min3A_738 = arith.minsi %min3A_734, %select_n3A_737 : vector<16xi32>
      %eq3A_739 = vector.broadcast %reduce_min3A_714 : f32 to vector<16xf32>
      %eq3A_740 = arith.cmpf oeq, %select_n3A_650, %eq3A_739 : vector<16xf32>
      %select_n3A_741 = arith.select %eq3A_740, %get3A_148, %broadcast_in_dim3A_5 : vector<16xi1>, vector<16xi32>
      %min3A_742 = arith.minsi %min3A_738, %select_n3A_741 : vector<16xi32>
      %eq3A_743 = vector.broadcast %reduce_min3A_714 : f32 to vector<16xf32>
      %eq3A_744 = arith.cmpf oeq, %select_n3A_655, %eq3A_743 : vector<16xf32>
      %select_n3A_745 = arith.select %eq3A_744, %get3A_150, %broadcast_in_dim3A_5 : vector<16xi1>, vector<16xi32>
      %min3A_746 = arith.minsi %min3A_742, %select_n3A_745 : vector<16xi32>
      %eq3A_747 = vector.broadcast %reduce_min3A_714 : f32 to vector<16xf32>
      %eq3A_748 = arith.cmpf oeq, %select_n3A_660, %eq3A_747 : vector<16xf32>
      %select_n3A_749 = arith.select %eq3A_748, %get3A_152, %broadcast_in_dim3A_5 : vector<16xi1>, vector<16xi32>
      %min3A_750 = arith.minsi %min3A_746, %select_n3A_749 : vector<16xi32>
      %eq3A_751 = vector.broadcast %reduce_min3A_714 : f32 to vector<16xf32>
      %eq3A_752 = arith.cmpf oeq, %select_n3A_665, %eq3A_751 : vector<16xf32>
      %select_n3A_753 = arith.select %eq3A_752, %get3A_154, %broadcast_in_dim3A_5 : vector<16xi1>, vector<16xi32>
      %min3A_754 = arith.minsi %min3A_750, %select_n3A_753 : vector<16xi32>
      %eq3A_755 = vector.broadcast %reduce_min3A_714 : f32 to vector<16xf32>
      %eq3A_756 = arith.cmpf oeq, %select_n3A_670, %eq3A_755 : vector<16xf32>
      %select_n3A_757 = arith.select %eq3A_756, %get3A_156, %broadcast_in_dim3A_5 : vector<16xi1>, vector<16xi32>
      %min3A_758 = arith.minsi %min3A_754, %select_n3A_757 : vector<16xi32>
      %eq3A_759 = vector.broadcast %reduce_min3A_714 : f32 to vector<16xf32>
      %eq3A_760 = arith.cmpf oeq, %select_n3A_675, %eq3A_759 : vector<16xf32>
      %select_n3A_761 = arith.select %eq3A_760, %get3A_158, %broadcast_in_dim3A_5 : vector<16xi1>, vector<16xi32>
      %min3A_762 = arith.minsi %min3A_758, %select_n3A_761 : vector<16xi32>
      %eq3A_763 = vector.broadcast %reduce_min3A_714 : f32 to vector<16xf32>
      %eq3A_764 = arith.cmpf oeq, %select_n3A_680, %eq3A_763 : vector<16xf32>
      %select_n3A_765 = arith.select %eq3A_764, %get3A_160, %broadcast_in_dim3A_5 : vector<16xi1>, vector<16xi32>
      %min3A_766 = arith.minsi %min3A_762, %select_n3A_765 : vector<16xi32>
      %eq3A_767 = vector.broadcast %reduce_min3A_714 : f32 to vector<16xf32>
      %eq3A_768 = arith.cmpf oeq, %select_n3A_685, %eq3A_767 : vector<16xf32>
      %select_n3A_769 = arith.select %eq3A_768, %get3A_162, %broadcast_in_dim3A_5 : vector<16xi1>, vector<16xi32>
      %min3A_770 = arith.minsi %min3A_766, %select_n3A_769 : vector<16xi32>
      %eq3A_771 = vector.broadcast %reduce_min3A_714 : f32 to vector<16xf32>
      %eq3A_772 = arith.cmpf oeq, %select_n3A_690, %eq3A_771 : vector<16xf32>
      %select_n3A_773 = arith.select %eq3A_772, %get3A_164, %broadcast_in_dim3A_5 : vector<16xi1>, vector<16xi32>
      %min3A_774 = arith.minsi %min3A_770, %select_n3A_773 : vector<16xi32>
      %eq3A_775 = vector.broadcast %reduce_min3A_714 : f32 to vector<16xf32>
      %eq3A_776 = arith.cmpf oeq, %select_n3A_695, %eq3A_775 : vector<16xf32>
      %select_n3A_777 = arith.select %eq3A_776, %get3A_166, %broadcast_in_dim3A_5 : vector<16xi1>, vector<16xi32>
      %min3A_778 = arith.minsi %min3A_774, %select_n3A_777 : vector<16xi32>
      %reduce_min3A_779 = arith.constant true
      %reduce_min3A_780 = vector.broadcast %reduce_min3A_779 : i1 to vector<16xi1>
      %reduce_min3A_781 = arith.constant -2147483648 : i32
      %reduce_min3A_782 = vector.broadcast %reduce_min3A_781 : i32 to vector<16xi32>
      %reduce_min3A_783 = arith.xori %min3A_778, %reduce_min3A_782 : vector<16xi32>
      %reduce_min3A_784 = tpu.scan <min>, %reduce_min3A_783 masked %reduce_min3A_780 : vector<16xi32>, vector<16xi1> -> vector<16xi32>
      %reduce_min3A_785 = arith.xori %reduce_min3A_784, %reduce_min3A_782 : vector<16xi32>
      %reduce_min3A_786 = vector.extract %reduce_min3A_785[15] : i32 from vector<16xi32>
      %eq3A_787 = arith.constant 3 : i32
      %eq3A_788 = vector.broadcast %eq3A_787 : i32 to vector<16xi32>
      %eq3A_789 = arith.cmpi eq, %iota3A, %eq3A_788 : vector<16xi32>
      %broadcast_in_dim3A_790 = vector.broadcast %reduce_min3A_786 : i32 to vector<16xi32>
      %select_n3A_791 = arith.select %eq3A_789, %broadcast_in_dim3A_790, %select_n3A_615 : vector<16xi1>, vector<16xi32>
      %eq3A_792 = vector.broadcast %reduce_min3A_786 : i32 to vector<16xi32>
      %eq3A_793 = arith.cmpi eq, %get3A_136, %eq3A_792 : vector<16xi32>
      %jit3A_794 = arith.constant 0x7F800000 : f32
      %broadcast_in_dim3A_795 = vector.broadcast %jit3A_794 : f32 to vector<16xf32>
      %select_n3A_796 = arith.select %eq3A_793, %broadcast_in_dim3A_795, %select_n3A_620 : vector<16xi1>, vector<16xf32>
      %eq3A_797 = vector.broadcast %reduce_min3A_786 : i32 to vector<16xi32>
      %eq3A_798 = arith.cmpi eq, %get3A_138, %eq3A_797 : vector<16xi32>
      %jit3A_799 = arith.constant 0x7F800000 : f32
      %broadcast_in_dim3A_800 = vector.broadcast %jit3A_799 : f32 to vector<16xf32>
      %select_n3A_801 = arith.select %eq3A_798, %broadcast_in_dim3A_800, %select_n3A_625 : vector<16xi1>, vector<16xf32>
      %eq3A_802 = vector.broadcast %reduce_min3A_786 : i32 to vector<16xi32>
      %eq3A_803 = arith.cmpi eq, %get3A_140, %eq3A_802 : vector<16xi32>
      %jit3A_804 = arith.constant 0x7F800000 : f32
      %broadcast_in_dim3A_805 = vector.broadcast %jit3A_804 : f32 to vector<16xf32>
      %select_n3A_806 = arith.select %eq3A_803, %broadcast_in_dim3A_805, %select_n3A_630 : vector<16xi1>, vector<16xf32>
      %eq3A_807 = vector.broadcast %reduce_min3A_786 : i32 to vector<16xi32>
      %eq3A_808 = arith.cmpi eq, %get3A_142, %eq3A_807 : vector<16xi32>
      %jit3A_809 = arith.constant 0x7F800000 : f32
      %broadcast_in_dim3A_810 = vector.broadcast %jit3A_809 : f32 to vector<16xf32>
      %select_n3A_811 = arith.select %eq3A_808, %broadcast_in_dim3A_810, %select_n3A_635 : vector<16xi1>, vector<16xf32>
      %eq3A_812 = vector.broadcast %reduce_min3A_786 : i32 to vector<16xi32>
      %eq3A_813 = arith.cmpi eq, %get3A_144, %eq3A_812 : vector<16xi32>
      %jit3A_814 = arith.constant 0x7F800000 : f32
      %broadcast_in_dim3A_815 = vector.broadcast %jit3A_814 : f32 to vector<16xf32>
      %select_n3A_816 = arith.select %eq3A_813, %broadcast_in_dim3A_815, %select_n3A_640 : vector<16xi1>, vector<16xf32>
      %eq3A_817 = vector.broadcast %reduce_min3A_786 : i32 to vector<16xi32>
      %eq3A_818 = arith.cmpi eq, %get3A_146, %eq3A_817 : vector<16xi32>
      %jit3A_819 = arith.constant 0x7F800000 : f32
      %broadcast_in_dim3A_820 = vector.broadcast %jit3A_819 : f32 to vector<16xf32>
      %select_n3A_821 = arith.select %eq3A_818, %broadcast_in_dim3A_820, %select_n3A_645 : vector<16xi1>, vector<16xf32>
      %eq3A_822 = vector.broadcast %reduce_min3A_786 : i32 to vector<16xi32>
      %eq3A_823 = arith.cmpi eq, %get3A_148, %eq3A_822 : vector<16xi32>
      %jit3A_824 = arith.constant 0x7F800000 : f32
      %broadcast_in_dim3A_825 = vector.broadcast %jit3A_824 : f32 to vector<16xf32>
      %select_n3A_826 = arith.select %eq3A_823, %broadcast_in_dim3A_825, %select_n3A_650 : vector<16xi1>, vector<16xf32>
      %eq3A_827 = vector.broadcast %reduce_min3A_786 : i32 to vector<16xi32>
      %eq3A_828 = arith.cmpi eq, %get3A_150, %eq3A_827 : vector<16xi32>
      %jit3A_829 = arith.constant 0x7F800000 : f32
      %broadcast_in_dim3A_830 = vector.broadcast %jit3A_829 : f32 to vector<16xf32>
      %select_n3A_831 = arith.select %eq3A_828, %broadcast_in_dim3A_830, %select_n3A_655 : vector<16xi1>, vector<16xf32>
      %eq3A_832 = vector.broadcast %reduce_min3A_786 : i32 to vector<16xi32>
      %eq3A_833 = arith.cmpi eq, %get3A_152, %eq3A_832 : vector<16xi32>
      %jit3A_834 = arith.constant 0x7F800000 : f32
      %broadcast_in_dim3A_835 = vector.broadcast %jit3A_834 : f32 to vector<16xf32>
      %select_n3A_836 = arith.select %eq3A_833, %broadcast_in_dim3A_835, %select_n3A_660 : vector<16xi1>, vector<16xf32>
      %eq3A_837 = vector.broadcast %reduce_min3A_786 : i32 to vector<16xi32>
      %eq3A_838 = arith.cmpi eq, %get3A_154, %eq3A_837 : vector<16xi32>
      %jit3A_839 = arith.constant 0x7F800000 : f32
      %broadcast_in_dim3A_840 = vector.broadcast %jit3A_839 : f32 to vector<16xf32>
      %select_n3A_841 = arith.select %eq3A_838, %broadcast_in_dim3A_840, %select_n3A_665 : vector<16xi1>, vector<16xf32>
      %eq3A_842 = vector.broadcast %reduce_min3A_786 : i32 to vector<16xi32>
      %eq3A_843 = arith.cmpi eq, %get3A_156, %eq3A_842 : vector<16xi32>
      %jit3A_844 = arith.constant 0x7F800000 : f32
      %broadcast_in_dim3A_845 = vector.broadcast %jit3A_844 : f32 to vector<16xf32>
      %select_n3A_846 = arith.select %eq3A_843, %broadcast_in_dim3A_845, %select_n3A_670 : vector<16xi1>, vector<16xf32>
      %eq3A_847 = vector.broadcast %reduce_min3A_786 : i32 to vector<16xi32>
      %eq3A_848 = arith.cmpi eq, %get3A_158, %eq3A_847 : vector<16xi32>
      %jit3A_849 = arith.constant 0x7F800000 : f32
      %broadcast_in_dim3A_850 = vector.broadcast %jit3A_849 : f32 to vector<16xf32>
      %select_n3A_851 = arith.select %eq3A_848, %broadcast_in_dim3A_850, %select_n3A_675 : vector<16xi1>, vector<16xf32>
      %eq3A_852 = vector.broadcast %reduce_min3A_786 : i32 to vector<16xi32>
      %eq3A_853 = arith.cmpi eq, %get3A_160, %eq3A_852 : vector<16xi32>
      %jit3A_854 = arith.constant 0x7F800000 : f32
      %broadcast_in_dim3A_855 = vector.broadcast %jit3A_854 : f32 to vector<16xf32>
      %select_n3A_856 = arith.select %eq3A_853, %broadcast_in_dim3A_855, %select_n3A_680 : vector<16xi1>, vector<16xf32>
      %eq3A_857 = vector.broadcast %reduce_min3A_786 : i32 to vector<16xi32>
      %eq3A_858 = arith.cmpi eq, %get3A_162, %eq3A_857 : vector<16xi32>
      %jit3A_859 = arith.constant 0x7F800000 : f32
      %broadcast_in_dim3A_860 = vector.broadcast %jit3A_859 : f32 to vector<16xf32>
      %select_n3A_861 = arith.select %eq3A_858, %broadcast_in_dim3A_860, %select_n3A_685 : vector<16xi1>, vector<16xf32>
      %eq3A_862 = vector.broadcast %reduce_min3A_786 : i32 to vector<16xi32>
      %eq3A_863 = arith.cmpi eq, %get3A_164, %eq3A_862 : vector<16xi32>
      %jit3A_864 = arith.constant 0x7F800000 : f32
      %broadcast_in_dim3A_865 = vector.broadcast %jit3A_864 : f32 to vector<16xf32>
      %select_n3A_866 = arith.select %eq3A_863, %broadcast_in_dim3A_865, %select_n3A_690 : vector<16xi1>, vector<16xf32>
      %eq3A_867 = vector.broadcast %reduce_min3A_786 : i32 to vector<16xi32>
      %eq3A_868 = arith.cmpi eq, %get3A_166, %eq3A_867 : vector<16xi32>
      %jit3A_869 = arith.constant 0x7F800000 : f32
      %broadcast_in_dim3A_870 = vector.broadcast %jit3A_869 : f32 to vector<16xf32>
      %select_n3A_871 = arith.select %eq3A_868, %broadcast_in_dim3A_870, %select_n3A_695 : vector<16xi1>, vector<16xf32>
      %min3A_872 = arith.minimumf %select_n3A_796, %select_n3A_801 : vector<16xf32>
      %min3A_873 = arith.minimumf %min3A_872, %select_n3A_806 : vector<16xf32>
      %min3A_874 = arith.minimumf %min3A_873, %select_n3A_811 : vector<16xf32>
      %min3A_875 = arith.minimumf %min3A_874, %select_n3A_816 : vector<16xf32>
      %min3A_876 = arith.minimumf %min3A_875, %select_n3A_821 : vector<16xf32>
      %min3A_877 = arith.minimumf %min3A_876, %select_n3A_826 : vector<16xf32>
      %min3A_878 = arith.minimumf %min3A_877, %select_n3A_831 : vector<16xf32>
      %min3A_879 = arith.minimumf %min3A_878, %select_n3A_836 : vector<16xf32>
      %min3A_880 = arith.minimumf %min3A_879, %select_n3A_841 : vector<16xf32>
      %min3A_881 = arith.minimumf %min3A_880, %select_n3A_846 : vector<16xf32>
      %min3A_882 = arith.minimumf %min3A_881, %select_n3A_851 : vector<16xf32>
      %min3A_883 = arith.minimumf %min3A_882, %select_n3A_856 : vector<16xf32>
      %min3A_884 = arith.minimumf %min3A_883, %select_n3A_861 : vector<16xf32>
      %min3A_885 = arith.minimumf %min3A_884, %select_n3A_866 : vector<16xf32>
      %min3A_886 = arith.minimumf %min3A_885, %select_n3A_871 : vector<16xf32>
      %reduce_min3A_887 = arith.constant true
      %reduce_min3A_888 = vector.broadcast %reduce_min3A_887 : i1 to vector<16xi1>
      %reduce_min3A_889 = tpu.scan <min>, %min3A_886 masked %reduce_min3A_888 : vector<16xf32>, vector<16xi1> -> vector<16xf32>
      %reduce_min3A_890 = vector.extract %reduce_min3A_889[15] : f32 from vector<16xf32>
      %eq3A_891 = vector.broadcast %reduce_min3A_890 : f32 to vector<16xf32>
      %eq3A_892 = arith.cmpf oeq, %select_n3A_796, %eq3A_891 : vector<16xf32>
      %select_n3A_893 = arith.select %eq3A_892, %get3A_136, %broadcast_in_dim3A_5 : vector<16xi1>, vector<16xi32>
      %min3A_894 = arith.minsi %broadcast_in_dim3A_5, %select_n3A_893 : vector<16xi32>
      %eq3A_895 = vector.broadcast %reduce_min3A_890 : f32 to vector<16xf32>
      %eq3A_896 = arith.cmpf oeq, %select_n3A_801, %eq3A_895 : vector<16xf32>
      %select_n3A_897 = arith.select %eq3A_896, %get3A_138, %broadcast_in_dim3A_5 : vector<16xi1>, vector<16xi32>
      %min3A_898 = arith.minsi %min3A_894, %select_n3A_897 : vector<16xi32>
      %eq3A_899 = vector.broadcast %reduce_min3A_890 : f32 to vector<16xf32>
      %eq3A_900 = arith.cmpf oeq, %select_n3A_806, %eq3A_899 : vector<16xf32>
      %select_n3A_901 = arith.select %eq3A_900, %get3A_140, %broadcast_in_dim3A_5 : vector<16xi1>, vector<16xi32>
      %min3A_902 = arith.minsi %min3A_898, %select_n3A_901 : vector<16xi32>
      %eq3A_903 = vector.broadcast %reduce_min3A_890 : f32 to vector<16xf32>
      %eq3A_904 = arith.cmpf oeq, %select_n3A_811, %eq3A_903 : vector<16xf32>
      %select_n3A_905 = arith.select %eq3A_904, %get3A_142, %broadcast_in_dim3A_5 : vector<16xi1>, vector<16xi32>
      %min3A_906 = arith.minsi %min3A_902, %select_n3A_905 : vector<16xi32>
      %eq3A_907 = vector.broadcast %reduce_min3A_890 : f32 to vector<16xf32>
      %eq3A_908 = arith.cmpf oeq, %select_n3A_816, %eq3A_907 : vector<16xf32>
      %select_n3A_909 = arith.select %eq3A_908, %get3A_144, %broadcast_in_dim3A_5 : vector<16xi1>, vector<16xi32>
      %min3A_910 = arith.minsi %min3A_906, %select_n3A_909 : vector<16xi32>
      %eq3A_911 = vector.broadcast %reduce_min3A_890 : f32 to vector<16xf32>
      %eq3A_912 = arith.cmpf oeq, %select_n3A_821, %eq3A_911 : vector<16xf32>
      %select_n3A_913 = arith.select %eq3A_912, %get3A_146, %broadcast_in_dim3A_5 : vector<16xi1>, vector<16xi32>
      %min3A_914 = arith.minsi %min3A_910, %select_n3A_913 : vector<16xi32>
      %eq3A_915 = vector.broadcast %reduce_min3A_890 : f32 to vector<16xf32>
      %eq3A_916 = arith.cmpf oeq, %select_n3A_826, %eq3A_915 : vector<16xf32>
      %select_n3A_917 = arith.select %eq3A_916, %get3A_148, %broadcast_in_dim3A_5 : vector<16xi1>, vector<16xi32>
      %min3A_918 = arith.minsi %min3A_914, %select_n3A_917 : vector<16xi32>
      %eq3A_919 = vector.broadcast %reduce_min3A_890 : f32 to vector<16xf32>
      %eq3A_920 = arith.cmpf oeq, %select_n3A_831, %eq3A_919 : vector<16xf32>
      %select_n3A_921 = arith.select %eq3A_920, %get3A_150, %broadcast_in_dim3A_5 : vector<16xi1>, vector<16xi32>
      %min3A_922 = arith.minsi %min3A_918, %select_n3A_921 : vector<16xi32>
      %eq3A_923 = vector.broadcast %reduce_min3A_890 : f32 to vector<16xf32>
      %eq3A_924 = arith.cmpf oeq, %select_n3A_836, %eq3A_923 : vector<16xf32>
      %select_n3A_925 = arith.select %eq3A_924, %get3A_152, %broadcast_in_dim3A_5 : vector<16xi1>, vector<16xi32>
      %min3A_926 = arith.minsi %min3A_922, %select_n3A_925 : vector<16xi32>
      %eq3A_927 = vector.broadcast %reduce_min3A_890 : f32 to vector<16xf32>
      %eq3A_928 = arith.cmpf oeq, %select_n3A_841, %eq3A_927 : vector<16xf32>
      %select_n3A_929 = arith.select %eq3A_928, %get3A_154, %broadcast_in_dim3A_5 : vector<16xi1>, vector<16xi32>
      %min3A_930 = arith.minsi %min3A_926, %select_n3A_929 : vector<16xi32>
      %eq3A_931 = vector.broadcast %reduce_min3A_890 : f32 to vector<16xf32>
      %eq3A_932 = arith.cmpf oeq, %select_n3A_846, %eq3A_931 : vector<16xf32>
      %select_n3A_933 = arith.select %eq3A_932, %get3A_156, %broadcast_in_dim3A_5 : vector<16xi1>, vector<16xi32>
      %min3A_934 = arith.minsi %min3A_930, %select_n3A_933 : vector<16xi32>
      %eq3A_935 = vector.broadcast %reduce_min3A_890 : f32 to vector<16xf32>
      %eq3A_936 = arith.cmpf oeq, %select_n3A_851, %eq3A_935 : vector<16xf32>
      %select_n3A_937 = arith.select %eq3A_936, %get3A_158, %broadcast_in_dim3A_5 : vector<16xi1>, vector<16xi32>
      %min3A_938 = arith.minsi %min3A_934, %select_n3A_937 : vector<16xi32>
      %eq3A_939 = vector.broadcast %reduce_min3A_890 : f32 to vector<16xf32>
      %eq3A_940 = arith.cmpf oeq, %select_n3A_856, %eq3A_939 : vector<16xf32>
      %select_n3A_941 = arith.select %eq3A_940, %get3A_160, %broadcast_in_dim3A_5 : vector<16xi1>, vector<16xi32>
      %min3A_942 = arith.minsi %min3A_938, %select_n3A_941 : vector<16xi32>
      %eq3A_943 = vector.broadcast %reduce_min3A_890 : f32 to vector<16xf32>
      %eq3A_944 = arith.cmpf oeq, %select_n3A_861, %eq3A_943 : vector<16xf32>
      %select_n3A_945 = arith.select %eq3A_944, %get3A_162, %broadcast_in_dim3A_5 : vector<16xi1>, vector<16xi32>
      %min3A_946 = arith.minsi %min3A_942, %select_n3A_945 : vector<16xi32>
      %eq3A_947 = vector.broadcast %reduce_min3A_890 : f32 to vector<16xf32>
      %eq3A_948 = arith.cmpf oeq, %select_n3A_866, %eq3A_947 : vector<16xf32>
      %select_n3A_949 = arith.select %eq3A_948, %get3A_164, %broadcast_in_dim3A_5 : vector<16xi1>, vector<16xi32>
      %min3A_950 = arith.minsi %min3A_946, %select_n3A_949 : vector<16xi32>
      %eq3A_951 = vector.broadcast %reduce_min3A_890 : f32 to vector<16xf32>
      %eq3A_952 = arith.cmpf oeq, %select_n3A_871, %eq3A_951 : vector<16xf32>
      %select_n3A_953 = arith.select %eq3A_952, %get3A_166, %broadcast_in_dim3A_5 : vector<16xi1>, vector<16xi32>
      %min3A_954 = arith.minsi %min3A_950, %select_n3A_953 : vector<16xi32>
      %reduce_min3A_955 = arith.constant true
      %reduce_min3A_956 = vector.broadcast %reduce_min3A_955 : i1 to vector<16xi1>
      %reduce_min3A_957 = arith.constant -2147483648 : i32
      %reduce_min3A_958 = vector.broadcast %reduce_min3A_957 : i32 to vector<16xi32>
      %reduce_min3A_959 = arith.xori %min3A_954, %reduce_min3A_958 : vector<16xi32>
      %reduce_min3A_960 = tpu.scan <min>, %reduce_min3A_959 masked %reduce_min3A_956 : vector<16xi32>, vector<16xi1> -> vector<16xi32>
      %reduce_min3A_961 = arith.xori %reduce_min3A_960, %reduce_min3A_958 : vector<16xi32>
      %reduce_min3A_962 = vector.extract %reduce_min3A_961[15] : i32 from vector<16xi32>
      %eq3A_963 = arith.constant 4 : i32
      %eq3A_964 = vector.broadcast %eq3A_963 : i32 to vector<16xi32>
      %eq3A_965 = arith.cmpi eq, %iota3A, %eq3A_964 : vector<16xi32>
      %broadcast_in_dim3A_966 = vector.broadcast %reduce_min3A_962 : i32 to vector<16xi32>
      %select_n3A_967 = arith.select %eq3A_965, %broadcast_in_dim3A_966, %select_n3A_791 : vector<16xi1>, vector<16xi32>
      %eq3A_968 = vector.broadcast %reduce_min3A_962 : i32 to vector<16xi32>
      %eq3A_969 = arith.cmpi eq, %get3A_136, %eq3A_968 : vector<16xi32>
      %jit3A_970 = arith.constant 0x7F800000 : f32
      %broadcast_in_dim3A_971 = vector.broadcast %jit3A_970 : f32 to vector<16xf32>
      %select_n3A_972 = arith.select %eq3A_969, %broadcast_in_dim3A_971, %select_n3A_796 : vector<16xi1>, vector<16xf32>
      %eq3A_973 = vector.broadcast %reduce_min3A_962 : i32 to vector<16xi32>
      %eq3A_974 = arith.cmpi eq, %get3A_138, %eq3A_973 : vector<16xi32>
      %jit3A_975 = arith.constant 0x7F800000 : f32
      %broadcast_in_dim3A_976 = vector.broadcast %jit3A_975 : f32 to vector<16xf32>
      %select_n3A_977 = arith.select %eq3A_974, %broadcast_in_dim3A_976, %select_n3A_801 : vector<16xi1>, vector<16xf32>
      %eq3A_978 = vector.broadcast %reduce_min3A_962 : i32 to vector<16xi32>
      %eq3A_979 = arith.cmpi eq, %get3A_140, %eq3A_978 : vector<16xi32>
      %jit3A_980 = arith.constant 0x7F800000 : f32
      %broadcast_in_dim3A_981 = vector.broadcast %jit3A_980 : f32 to vector<16xf32>
      %select_n3A_982 = arith.select %eq3A_979, %broadcast_in_dim3A_981, %select_n3A_806 : vector<16xi1>, vector<16xf32>
      %eq3A_983 = vector.broadcast %reduce_min3A_962 : i32 to vector<16xi32>
      %eq3A_984 = arith.cmpi eq, %get3A_142, %eq3A_983 : vector<16xi32>
      %jit3A_985 = arith.constant 0x7F800000 : f32
      %broadcast_in_dim3A_986 = vector.broadcast %jit3A_985 : f32 to vector<16xf32>
      %select_n3A_987 = arith.select %eq3A_984, %broadcast_in_dim3A_986, %select_n3A_811 : vector<16xi1>, vector<16xf32>
      %eq3A_988 = vector.broadcast %reduce_min3A_962 : i32 to vector<16xi32>
      %eq3A_989 = arith.cmpi eq, %get3A_144, %eq3A_988 : vector<16xi32>
      %jit3A_990 = arith.constant 0x7F800000 : f32
      %broadcast_in_dim3A_991 = vector.broadcast %jit3A_990 : f32 to vector<16xf32>
      %select_n3A_992 = arith.select %eq3A_989, %broadcast_in_dim3A_991, %select_n3A_816 : vector<16xi1>, vector<16xf32>
      %eq3A_993 = vector.broadcast %reduce_min3A_962 : i32 to vector<16xi32>
      %eq3A_994 = arith.cmpi eq, %get3A_146, %eq3A_993 : vector<16xi32>
      %jit3A_995 = arith.constant 0x7F800000 : f32
      %broadcast_in_dim3A_996 = vector.broadcast %jit3A_995 : f32 to vector<16xf32>
      %select_n3A_997 = arith.select %eq3A_994, %broadcast_in_dim3A_996, %select_n3A_821 : vector<16xi1>, vector<16xf32>
      %eq3A_998 = vector.broadcast %reduce_min3A_962 : i32 to vector<16xi32>
      %eq3A_999 = arith.cmpi eq, %get3A_148, %eq3A_998 : vector<16xi32>
      %jit3A_1000 = arith.constant 0x7F800000 : f32
      %broadcast_in_dim3A_1001 = vector.broadcast %jit3A_1000 : f32 to vector<16xf32>
      %select_n3A_1002 = arith.select %eq3A_999, %broadcast_in_dim3A_1001, %select_n3A_826 : vector<16xi1>, vector<16xf32>
      %eq3A_1003 = vector.broadcast %reduce_min3A_962 : i32 to vector<16xi32>
      %eq3A_1004 = arith.cmpi eq, %get3A_150, %eq3A_1003 : vector<16xi32>
      %jit3A_1005 = arith.constant 0x7F800000 : f32
      %broadcast_in_dim3A_1006 = vector.broadcast %jit3A_1005 : f32 to vector<16xf32>
      %select_n3A_1007 = arith.select %eq3A_1004, %broadcast_in_dim3A_1006, %select_n3A_831 : vector<16xi1>, vector<16xf32>
      %eq3A_1008 = vector.broadcast %reduce_min3A_962 : i32 to vector<16xi32>
      %eq3A_1009 = arith.cmpi eq, %get3A_152, %eq3A_1008 : vector<16xi32>
      %jit3A_1010 = arith.constant 0x7F800000 : f32
      %broadcast_in_dim3A_1011 = vector.broadcast %jit3A_1010 : f32 to vector<16xf32>
      %select_n3A_1012 = arith.select %eq3A_1009, %broadcast_in_dim3A_1011, %select_n3A_836 : vector<16xi1>, vector<16xf32>
      %eq3A_1013 = vector.broadcast %reduce_min3A_962 : i32 to vector<16xi32>
      %eq3A_1014 = arith.cmpi eq, %get3A_154, %eq3A_1013 : vector<16xi32>
      %jit3A_1015 = arith.constant 0x7F800000 : f32
      %broadcast_in_dim3A_1016 = vector.broadcast %jit3A_1015 : f32 to vector<16xf32>
      %select_n3A_1017 = arith.select %eq3A_1014, %broadcast_in_dim3A_1016, %select_n3A_841 : vector<16xi1>, vector<16xf32>
      %eq3A_1018 = vector.broadcast %reduce_min3A_962 : i32 to vector<16xi32>
      %eq3A_1019 = arith.cmpi eq, %get3A_156, %eq3A_1018 : vector<16xi32>
      %jit3A_1020 = arith.constant 0x7F800000 : f32
      %broadcast_in_dim3A_1021 = vector.broadcast %jit3A_1020 : f32 to vector<16xf32>
      %select_n3A_1022 = arith.select %eq3A_1019, %broadcast_in_dim3A_1021, %select_n3A_846 : vector<16xi1>, vector<16xf32>
      %eq3A_1023 = vector.broadcast %reduce_min3A_962 : i32 to vector<16xi32>
      %eq3A_1024 = arith.cmpi eq, %get3A_158, %eq3A_1023 : vector<16xi32>
      %jit3A_1025 = arith.constant 0x7F800000 : f32
      %broadcast_in_dim3A_1026 = vector.broadcast %jit3A_1025 : f32 to vector<16xf32>
      %select_n3A_1027 = arith.select %eq3A_1024, %broadcast_in_dim3A_1026, %select_n3A_851 : vector<16xi1>, vector<16xf32>
      %eq3A_1028 = vector.broadcast %reduce_min3A_962 : i32 to vector<16xi32>
      %eq3A_1029 = arith.cmpi eq, %get3A_160, %eq3A_1028 : vector<16xi32>
      %jit3A_1030 = arith.constant 0x7F800000 : f32
      %broadcast_in_dim3A_1031 = vector.broadcast %jit3A_1030 : f32 to vector<16xf32>
      %select_n3A_1032 = arith.select %eq3A_1029, %broadcast_in_dim3A_1031, %select_n3A_856 : vector<16xi1>, vector<16xf32>
      %eq3A_1033 = vector.broadcast %reduce_min3A_962 : i32 to vector<16xi32>
      %eq3A_1034 = arith.cmpi eq, %get3A_162, %eq3A_1033 : vector<16xi32>
      %jit3A_1035 = arith.constant 0x7F800000 : f32
      %broadcast_in_dim3A_1036 = vector.broadcast %jit3A_1035 : f32 to vector<16xf32>
      %select_n3A_1037 = arith.select %eq3A_1034, %broadcast_in_dim3A_1036, %select_n3A_861 : vector<16xi1>, vector<16xf32>
      %eq3A_1038 = vector.broadcast %reduce_min3A_962 : i32 to vector<16xi32>
      %eq3A_1039 = arith.cmpi eq, %get3A_164, %eq3A_1038 : vector<16xi32>
      %jit3A_1040 = arith.constant 0x7F800000 : f32
      %broadcast_in_dim3A_1041 = vector.broadcast %jit3A_1040 : f32 to vector<16xf32>
      %select_n3A_1042 = arith.select %eq3A_1039, %broadcast_in_dim3A_1041, %select_n3A_866 : vector<16xi1>, vector<16xf32>
      %eq3A_1043 = vector.broadcast %reduce_min3A_962 : i32 to vector<16xi32>
      %eq3A_1044 = arith.cmpi eq, %get3A_166, %eq3A_1043 : vector<16xi32>
      %jit3A_1045 = arith.constant 0x7F800000 : f32
      %broadcast_in_dim3A_1046 = vector.broadcast %jit3A_1045 : f32 to vector<16xf32>
      %select_n3A_1047 = arith.select %eq3A_1044, %broadcast_in_dim3A_1046, %select_n3A_871 : vector<16xi1>, vector<16xf32>
      %min3A_1048 = arith.minimumf %select_n3A_972, %select_n3A_977 : vector<16xf32>
      %min3A_1049 = arith.minimumf %min3A_1048, %select_n3A_982 : vector<16xf32>
      %min3A_1050 = arith.minimumf %min3A_1049, %select_n3A_987 : vector<16xf32>
      %min3A_1051 = arith.minimumf %min3A_1050, %select_n3A_992 : vector<16xf32>
      %min3A_1052 = arith.minimumf %min3A_1051, %select_n3A_997 : vector<16xf32>
      %min3A_1053 = arith.minimumf %min3A_1052, %select_n3A_1002 : vector<16xf32>
      %min3A_1054 = arith.minimumf %min3A_1053, %select_n3A_1007 : vector<16xf32>
      %min3A_1055 = arith.minimumf %min3A_1054, %select_n3A_1012 : vector<16xf32>
      %min3A_1056 = arith.minimumf %min3A_1055, %select_n3A_1017 : vector<16xf32>
      %min3A_1057 = arith.minimumf %min3A_1056, %select_n3A_1022 : vector<16xf32>
      %min3A_1058 = arith.minimumf %min3A_1057, %select_n3A_1027 : vector<16xf32>
      %min3A_1059 = arith.minimumf %min3A_1058, %select_n3A_1032 : vector<16xf32>
      %min3A_1060 = arith.minimumf %min3A_1059, %select_n3A_1037 : vector<16xf32>
      %min3A_1061 = arith.minimumf %min3A_1060, %select_n3A_1042 : vector<16xf32>
      %min3A_1062 = arith.minimumf %min3A_1061, %select_n3A_1047 : vector<16xf32>
      %reduce_min3A_1063 = arith.constant true
      %reduce_min3A_1064 = vector.broadcast %reduce_min3A_1063 : i1 to vector<16xi1>
      %reduce_min3A_1065 = tpu.scan <min>, %min3A_1062 masked %reduce_min3A_1064 : vector<16xf32>, vector<16xi1> -> vector<16xf32>
      %reduce_min3A_1066 = vector.extract %reduce_min3A_1065[15] : f32 from vector<16xf32>
      %eq3A_1067 = vector.broadcast %reduce_min3A_1066 : f32 to vector<16xf32>
      %eq3A_1068 = arith.cmpf oeq, %select_n3A_972, %eq3A_1067 : vector<16xf32>
      %select_n3A_1069 = arith.select %eq3A_1068, %get3A_136, %broadcast_in_dim3A_5 : vector<16xi1>, vector<16xi32>
      %min3A_1070 = arith.minsi %broadcast_in_dim3A_5, %select_n3A_1069 : vector<16xi32>
      %eq3A_1071 = vector.broadcast %reduce_min3A_1066 : f32 to vector<16xf32>
      %eq3A_1072 = arith.cmpf oeq, %select_n3A_977, %eq3A_1071 : vector<16xf32>
      %select_n3A_1073 = arith.select %eq3A_1072, %get3A_138, %broadcast_in_dim3A_5 : vector<16xi1>, vector<16xi32>
      %min3A_1074 = arith.minsi %min3A_1070, %select_n3A_1073 : vector<16xi32>
      %eq3A_1075 = vector.broadcast %reduce_min3A_1066 : f32 to vector<16xf32>
      %eq3A_1076 = arith.cmpf oeq, %select_n3A_982, %eq3A_1075 : vector<16xf32>
      %select_n3A_1077 = arith.select %eq3A_1076, %get3A_140, %broadcast_in_dim3A_5 : vector<16xi1>, vector<16xi32>
      %min3A_1078 = arith.minsi %min3A_1074, %select_n3A_1077 : vector<16xi32>
      %eq3A_1079 = vector.broadcast %reduce_min3A_1066 : f32 to vector<16xf32>
      %eq3A_1080 = arith.cmpf oeq, %select_n3A_987, %eq3A_1079 : vector<16xf32>
      %select_n3A_1081 = arith.select %eq3A_1080, %get3A_142, %broadcast_in_dim3A_5 : vector<16xi1>, vector<16xi32>
      %min3A_1082 = arith.minsi %min3A_1078, %select_n3A_1081 : vector<16xi32>
      %eq3A_1083 = vector.broadcast %reduce_min3A_1066 : f32 to vector<16xf32>
      %eq3A_1084 = arith.cmpf oeq, %select_n3A_992, %eq3A_1083 : vector<16xf32>
      %select_n3A_1085 = arith.select %eq3A_1084, %get3A_144, %broadcast_in_dim3A_5 : vector<16xi1>, vector<16xi32>
      %min3A_1086 = arith.minsi %min3A_1082, %select_n3A_1085 : vector<16xi32>
      %eq3A_1087 = vector.broadcast %reduce_min3A_1066 : f32 to vector<16xf32>
      %eq3A_1088 = arith.cmpf oeq, %select_n3A_997, %eq3A_1087 : vector<16xf32>
      %select_n3A_1089 = arith.select %eq3A_1088, %get3A_146, %broadcast_in_dim3A_5 : vector<16xi1>, vector<16xi32>
      %min3A_1090 = arith.minsi %min3A_1086, %select_n3A_1089 : vector<16xi32>
      %eq3A_1091 = vector.broadcast %reduce_min3A_1066 : f32 to vector<16xf32>
      %eq3A_1092 = arith.cmpf oeq, %select_n3A_1002, %eq3A_1091 : vector<16xf32>
      %select_n3A_1093 = arith.select %eq3A_1092, %get3A_148, %broadcast_in_dim3A_5 : vector<16xi1>, vector<16xi32>
      %min3A_1094 = arith.minsi %min3A_1090, %select_n3A_1093 : vector<16xi32>
      %eq3A_1095 = vector.broadcast %reduce_min3A_1066 : f32 to vector<16xf32>
      %eq3A_1096 = arith.cmpf oeq, %select_n3A_1007, %eq3A_1095 : vector<16xf32>
      %select_n3A_1097 = arith.select %eq3A_1096, %get3A_150, %broadcast_in_dim3A_5 : vector<16xi1>, vector<16xi32>
      %min3A_1098 = arith.minsi %min3A_1094, %select_n3A_1097 : vector<16xi32>
      %eq3A_1099 = vector.broadcast %reduce_min3A_1066 : f32 to vector<16xf32>
      %eq3A_1100 = arith.cmpf oeq, %select_n3A_1012, %eq3A_1099 : vector<16xf32>
      %select_n3A_1101 = arith.select %eq3A_1100, %get3A_152, %broadcast_in_dim3A_5 : vector<16xi1>, vector<16xi32>
      %min3A_1102 = arith.minsi %min3A_1098, %select_n3A_1101 : vector<16xi32>
      %eq3A_1103 = vector.broadcast %reduce_min3A_1066 : f32 to vector<16xf32>
      %eq3A_1104 = arith.cmpf oeq, %select_n3A_1017, %eq3A_1103 : vector<16xf32>
      %select_n3A_1105 = arith.select %eq3A_1104, %get3A_154, %broadcast_in_dim3A_5 : vector<16xi1>, vector<16xi32>
      %min3A_1106 = arith.minsi %min3A_1102, %select_n3A_1105 : vector<16xi32>
      %eq3A_1107 = vector.broadcast %reduce_min3A_1066 : f32 to vector<16xf32>
      %eq3A_1108 = arith.cmpf oeq, %select_n3A_1022, %eq3A_1107 : vector<16xf32>
      %select_n3A_1109 = arith.select %eq3A_1108, %get3A_156, %broadcast_in_dim3A_5 : vector<16xi1>, vector<16xi32>
      %min3A_1110 = arith.minsi %min3A_1106, %select_n3A_1109 : vector<16xi32>
      %eq3A_1111 = vector.broadcast %reduce_min3A_1066 : f32 to vector<16xf32>
      %eq3A_1112 = arith.cmpf oeq, %select_n3A_1027, %eq3A_1111 : vector<16xf32>
      %select_n3A_1113 = arith.select %eq3A_1112, %get3A_158, %broadcast_in_dim3A_5 : vector<16xi1>, vector<16xi32>
      %min3A_1114 = arith.minsi %min3A_1110, %select_n3A_1113 : vector<16xi32>
      %eq3A_1115 = vector.broadcast %reduce_min3A_1066 : f32 to vector<16xf32>
      %eq3A_1116 = arith.cmpf oeq, %select_n3A_1032, %eq3A_1115 : vector<16xf32>
      %select_n3A_1117 = arith.select %eq3A_1116, %get3A_160, %broadcast_in_dim3A_5 : vector<16xi1>, vector<16xi32>
      %min3A_1118 = arith.minsi %min3A_1114, %select_n3A_1117 : vector<16xi32>
      %eq3A_1119 = vector.broadcast %reduce_min3A_1066 : f32 to vector<16xf32>
      %eq3A_1120 = arith.cmpf oeq, %select_n3A_1037, %eq3A_1119 : vector<16xf32>
      %select_n3A_1121 = arith.select %eq3A_1120, %get3A_162, %broadcast_in_dim3A_5 : vector<16xi1>, vector<16xi32>
      %min3A_1122 = arith.minsi %min3A_1118, %select_n3A_1121 : vector<16xi32>
      %eq3A_1123 = vector.broadcast %reduce_min3A_1066 : f32 to vector<16xf32>
      %eq3A_1124 = arith.cmpf oeq, %select_n3A_1042, %eq3A_1123 : vector<16xf32>
      %select_n3A_1125 = arith.select %eq3A_1124, %get3A_164, %broadcast_in_dim3A_5 : vector<16xi1>, vector<16xi32>
      %min3A_1126 = arith.minsi %min3A_1122, %select_n3A_1125 : vector<16xi32>
      %eq3A_1127 = vector.broadcast %reduce_min3A_1066 : f32 to vector<16xf32>
      %eq3A_1128 = arith.cmpf oeq, %select_n3A_1047, %eq3A_1127 : vector<16xf32>
      %select_n3A_1129 = arith.select %eq3A_1128, %get3A_166, %broadcast_in_dim3A_5 : vector<16xi1>, vector<16xi32>
      %min3A_1130 = arith.minsi %min3A_1126, %select_n3A_1129 : vector<16xi32>
      %reduce_min3A_1131 = arith.constant true
      %reduce_min3A_1132 = vector.broadcast %reduce_min3A_1131 : i1 to vector<16xi1>
      %reduce_min3A_1133 = arith.constant -2147483648 : i32
      %reduce_min3A_1134 = vector.broadcast %reduce_min3A_1133 : i32 to vector<16xi32>
      %reduce_min3A_1135 = arith.xori %min3A_1130, %reduce_min3A_1134 : vector<16xi32>
      %reduce_min3A_1136 = tpu.scan <min>, %reduce_min3A_1135 masked %reduce_min3A_1132 : vector<16xi32>, vector<16xi1> -> vector<16xi32>
      %reduce_min3A_1137 = arith.xori %reduce_min3A_1136, %reduce_min3A_1134 : vector<16xi32>
      %reduce_min3A_1138 = vector.extract %reduce_min3A_1137[15] : i32 from vector<16xi32>
      %eq3A_1139 = arith.constant 5 : i32
      %eq3A_1140 = vector.broadcast %eq3A_1139 : i32 to vector<16xi32>
      %eq3A_1141 = arith.cmpi eq, %iota3A, %eq3A_1140 : vector<16xi32>
      %broadcast_in_dim3A_1142 = vector.broadcast %reduce_min3A_1138 : i32 to vector<16xi32>
      %select_n3A_1143 = arith.select %eq3A_1141, %broadcast_in_dim3A_1142, %select_n3A_967 : vector<16xi1>, vector<16xi32>
      %eq3A_1144 = vector.broadcast %reduce_min3A_1138 : i32 to vector<16xi32>
      %eq3A_1145 = arith.cmpi eq, %get3A_136, %eq3A_1144 : vector<16xi32>
      %jit3A_1146 = arith.constant 0x7F800000 : f32
      %broadcast_in_dim3A_1147 = vector.broadcast %jit3A_1146 : f32 to vector<16xf32>
      %select_n3A_1148 = arith.select %eq3A_1145, %broadcast_in_dim3A_1147, %select_n3A_972 : vector<16xi1>, vector<16xf32>
      %eq3A_1149 = vector.broadcast %reduce_min3A_1138 : i32 to vector<16xi32>
      %eq3A_1150 = arith.cmpi eq, %get3A_138, %eq3A_1149 : vector<16xi32>
      %jit3A_1151 = arith.constant 0x7F800000 : f32
      %broadcast_in_dim3A_1152 = vector.broadcast %jit3A_1151 : f32 to vector<16xf32>
      %select_n3A_1153 = arith.select %eq3A_1150, %broadcast_in_dim3A_1152, %select_n3A_977 : vector<16xi1>, vector<16xf32>
      %eq3A_1154 = vector.broadcast %reduce_min3A_1138 : i32 to vector<16xi32>
      %eq3A_1155 = arith.cmpi eq, %get3A_140, %eq3A_1154 : vector<16xi32>
      %jit3A_1156 = arith.constant 0x7F800000 : f32
      %broadcast_in_dim3A_1157 = vector.broadcast %jit3A_1156 : f32 to vector<16xf32>
      %select_n3A_1158 = arith.select %eq3A_1155, %broadcast_in_dim3A_1157, %select_n3A_982 : vector<16xi1>, vector<16xf32>
      %eq3A_1159 = vector.broadcast %reduce_min3A_1138 : i32 to vector<16xi32>
      %eq3A_1160 = arith.cmpi eq, %get3A_142, %eq3A_1159 : vector<16xi32>
      %jit3A_1161 = arith.constant 0x7F800000 : f32
      %broadcast_in_dim3A_1162 = vector.broadcast %jit3A_1161 : f32 to vector<16xf32>
      %select_n3A_1163 = arith.select %eq3A_1160, %broadcast_in_dim3A_1162, %select_n3A_987 : vector<16xi1>, vector<16xf32>
      %eq3A_1164 = vector.broadcast %reduce_min3A_1138 : i32 to vector<16xi32>
      %eq3A_1165 = arith.cmpi eq, %get3A_144, %eq3A_1164 : vector<16xi32>
      %jit3A_1166 = arith.constant 0x7F800000 : f32
      %broadcast_in_dim3A_1167 = vector.broadcast %jit3A_1166 : f32 to vector<16xf32>
      %select_n3A_1168 = arith.select %eq3A_1165, %broadcast_in_dim3A_1167, %select_n3A_992 : vector<16xi1>, vector<16xf32>
      %eq3A_1169 = vector.broadcast %reduce_min3A_1138 : i32 to vector<16xi32>
      %eq3A_1170 = arith.cmpi eq, %get3A_146, %eq3A_1169 : vector<16xi32>
      %jit3A_1171 = arith.constant 0x7F800000 : f32
      %broadcast_in_dim3A_1172 = vector.broadcast %jit3A_1171 : f32 to vector<16xf32>
      %select_n3A_1173 = arith.select %eq3A_1170, %broadcast_in_dim3A_1172, %select_n3A_997 : vector<16xi1>, vector<16xf32>
      %eq3A_1174 = vector.broadcast %reduce_min3A_1138 : i32 to vector<16xi32>
      %eq3A_1175 = arith.cmpi eq, %get3A_148, %eq3A_1174 : vector<16xi32>
      %jit3A_1176 = arith.constant 0x7F800000 : f32
      %broadcast_in_dim3A_1177 = vector.broadcast %jit3A_1176 : f32 to vector<16xf32>
      %select_n3A_1178 = arith.select %eq3A_1175, %broadcast_in_dim3A_1177, %select_n3A_1002 : vector<16xi1>, vector<16xf32>
      %eq3A_1179 = vector.broadcast %reduce_min3A_1138 : i32 to vector<16xi32>
      %eq3A_1180 = arith.cmpi eq, %get3A_150, %eq3A_1179 : vector<16xi32>
      %jit3A_1181 = arith.constant 0x7F800000 : f32
      %broadcast_in_dim3A_1182 = vector.broadcast %jit3A_1181 : f32 to vector<16xf32>
      %select_n3A_1183 = arith.select %eq3A_1180, %broadcast_in_dim3A_1182, %select_n3A_1007 : vector<16xi1>, vector<16xf32>
      %eq3A_1184 = vector.broadcast %reduce_min3A_1138 : i32 to vector<16xi32>
      %eq3A_1185 = arith.cmpi eq, %get3A_152, %eq3A_1184 : vector<16xi32>
      %jit3A_1186 = arith.constant 0x7F800000 : f32
      %broadcast_in_dim3A_1187 = vector.broadcast %jit3A_1186 : f32 to vector<16xf32>
      %select_n3A_1188 = arith.select %eq3A_1185, %broadcast_in_dim3A_1187, %select_n3A_1012 : vector<16xi1>, vector<16xf32>
      %eq3A_1189 = vector.broadcast %reduce_min3A_1138 : i32 to vector<16xi32>
      %eq3A_1190 = arith.cmpi eq, %get3A_154, %eq3A_1189 : vector<16xi32>
      %jit3A_1191 = arith.constant 0x7F800000 : f32
      %broadcast_in_dim3A_1192 = vector.broadcast %jit3A_1191 : f32 to vector<16xf32>
      %select_n3A_1193 = arith.select %eq3A_1190, %broadcast_in_dim3A_1192, %select_n3A_1017 : vector<16xi1>, vector<16xf32>
      %eq3A_1194 = vector.broadcast %reduce_min3A_1138 : i32 to vector<16xi32>
      %eq3A_1195 = arith.cmpi eq, %get3A_156, %eq3A_1194 : vector<16xi32>
      %jit3A_1196 = arith.constant 0x7F800000 : f32
      %broadcast_in_dim3A_1197 = vector.broadcast %jit3A_1196 : f32 to vector<16xf32>
      %select_n3A_1198 = arith.select %eq3A_1195, %broadcast_in_dim3A_1197, %select_n3A_1022 : vector<16xi1>, vector<16xf32>
      %eq3A_1199 = vector.broadcast %reduce_min3A_1138 : i32 to vector<16xi32>
      %eq3A_1200 = arith.cmpi eq, %get3A_158, %eq3A_1199 : vector<16xi32>
      %jit3A_1201 = arith.constant 0x7F800000 : f32
      %broadcast_in_dim3A_1202 = vector.broadcast %jit3A_1201 : f32 to vector<16xf32>
      %select_n3A_1203 = arith.select %eq3A_1200, %broadcast_in_dim3A_1202, %select_n3A_1027 : vector<16xi1>, vector<16xf32>
      %eq3A_1204 = vector.broadcast %reduce_min3A_1138 : i32 to vector<16xi32>
      %eq3A_1205 = arith.cmpi eq, %get3A_160, %eq3A_1204 : vector<16xi32>
      %jit3A_1206 = arith.constant 0x7F800000 : f32
      %broadcast_in_dim3A_1207 = vector.broadcast %jit3A_1206 : f32 to vector<16xf32>
      %select_n3A_1208 = arith.select %eq3A_1205, %broadcast_in_dim3A_1207, %select_n3A_1032 : vector<16xi1>, vector<16xf32>
      %eq3A_1209 = vector.broadcast %reduce_min3A_1138 : i32 to vector<16xi32>
      %eq3A_1210 = arith.cmpi eq, %get3A_162, %eq3A_1209 : vector<16xi32>
      %jit3A_1211 = arith.constant 0x7F800000 : f32
      %broadcast_in_dim3A_1212 = vector.broadcast %jit3A_1211 : f32 to vector<16xf32>
      %select_n3A_1213 = arith.select %eq3A_1210, %broadcast_in_dim3A_1212, %select_n3A_1037 : vector<16xi1>, vector<16xf32>
      %eq3A_1214 = vector.broadcast %reduce_min3A_1138 : i32 to vector<16xi32>
      %eq3A_1215 = arith.cmpi eq, %get3A_164, %eq3A_1214 : vector<16xi32>
      %jit3A_1216 = arith.constant 0x7F800000 : f32
      %broadcast_in_dim3A_1217 = vector.broadcast %jit3A_1216 : f32 to vector<16xf32>
      %select_n3A_1218 = arith.select %eq3A_1215, %broadcast_in_dim3A_1217, %select_n3A_1042 : vector<16xi1>, vector<16xf32>
      %eq3A_1219 = vector.broadcast %reduce_min3A_1138 : i32 to vector<16xi32>
      %eq3A_1220 = arith.cmpi eq, %get3A_166, %eq3A_1219 : vector<16xi32>
      %jit3A_1221 = arith.constant 0x7F800000 : f32
      %broadcast_in_dim3A_1222 = vector.broadcast %jit3A_1221 : f32 to vector<16xf32>
      %select_n3A_1223 = arith.select %eq3A_1220, %broadcast_in_dim3A_1222, %select_n3A_1047 : vector<16xi1>, vector<16xf32>
      %min3A_1224 = arith.minimumf %select_n3A_1148, %select_n3A_1153 : vector<16xf32>
      %min3A_1225 = arith.minimumf %min3A_1224, %select_n3A_1158 : vector<16xf32>
      %min3A_1226 = arith.minimumf %min3A_1225, %select_n3A_1163 : vector<16xf32>
      %min3A_1227 = arith.minimumf %min3A_1226, %select_n3A_1168 : vector<16xf32>
      %min3A_1228 = arith.minimumf %min3A_1227, %select_n3A_1173 : vector<16xf32>
      %min3A_1229 = arith.minimumf %min3A_1228, %select_n3A_1178 : vector<16xf32>
      %min3A_1230 = arith.minimumf %min3A_1229, %select_n3A_1183 : vector<16xf32>
      %min3A_1231 = arith.minimumf %min3A_1230, %select_n3A_1188 : vector<16xf32>
      %min3A_1232 = arith.minimumf %min3A_1231, %select_n3A_1193 : vector<16xf32>
      %min3A_1233 = arith.minimumf %min3A_1232, %select_n3A_1198 : vector<16xf32>
      %min3A_1234 = arith.minimumf %min3A_1233, %select_n3A_1203 : vector<16xf32>
      %min3A_1235 = arith.minimumf %min3A_1234, %select_n3A_1208 : vector<16xf32>
      %min3A_1236 = arith.minimumf %min3A_1235, %select_n3A_1213 : vector<16xf32>
      %min3A_1237 = arith.minimumf %min3A_1236, %select_n3A_1218 : vector<16xf32>
      %min3A_1238 = arith.minimumf %min3A_1237, %select_n3A_1223 : vector<16xf32>
      %reduce_min3A_1239 = arith.constant true
      %reduce_min3A_1240 = vector.broadcast %reduce_min3A_1239 : i1 to vector<16xi1>
      %reduce_min3A_1241 = tpu.scan <min>, %min3A_1238 masked %reduce_min3A_1240 : vector<16xf32>, vector<16xi1> -> vector<16xf32>
      %reduce_min3A_1242 = vector.extract %reduce_min3A_1241[15] : f32 from vector<16xf32>
      %eq3A_1243 = vector.broadcast %reduce_min3A_1242 : f32 to vector<16xf32>
      %eq3A_1244 = arith.cmpf oeq, %select_n3A_1148, %eq3A_1243 : vector<16xf32>
      %select_n3A_1245 = arith.select %eq3A_1244, %get3A_136, %broadcast_in_dim3A_5 : vector<16xi1>, vector<16xi32>
      %min3A_1246 = arith.minsi %broadcast_in_dim3A_5, %select_n3A_1245 : vector<16xi32>
      %eq3A_1247 = vector.broadcast %reduce_min3A_1242 : f32 to vector<16xf32>
      %eq3A_1248 = arith.cmpf oeq, %select_n3A_1153, %eq3A_1247 : vector<16xf32>
      %select_n3A_1249 = arith.select %eq3A_1248, %get3A_138, %broadcast_in_dim3A_5 : vector<16xi1>, vector<16xi32>
      %min3A_1250 = arith.minsi %min3A_1246, %select_n3A_1249 : vector<16xi32>
      %eq3A_1251 = vector.broadcast %reduce_min3A_1242 : f32 to vector<16xf32>
      %eq3A_1252 = arith.cmpf oeq, %select_n3A_1158, %eq3A_1251 : vector<16xf32>
      %select_n3A_1253 = arith.select %eq3A_1252, %get3A_140, %broadcast_in_dim3A_5 : vector<16xi1>, vector<16xi32>
      %min3A_1254 = arith.minsi %min3A_1250, %select_n3A_1253 : vector<16xi32>
      %eq3A_1255 = vector.broadcast %reduce_min3A_1242 : f32 to vector<16xf32>
      %eq3A_1256 = arith.cmpf oeq, %select_n3A_1163, %eq3A_1255 : vector<16xf32>
      %select_n3A_1257 = arith.select %eq3A_1256, %get3A_142, %broadcast_in_dim3A_5 : vector<16xi1>, vector<16xi32>
      %min3A_1258 = arith.minsi %min3A_1254, %select_n3A_1257 : vector<16xi32>
      %eq3A_1259 = vector.broadcast %reduce_min3A_1242 : f32 to vector<16xf32>
      %eq3A_1260 = arith.cmpf oeq, %select_n3A_1168, %eq3A_1259 : vector<16xf32>
      %select_n3A_1261 = arith.select %eq3A_1260, %get3A_144, %broadcast_in_dim3A_5 : vector<16xi1>, vector<16xi32>
      %min3A_1262 = arith.minsi %min3A_1258, %select_n3A_1261 : vector<16xi32>
      %eq3A_1263 = vector.broadcast %reduce_min3A_1242 : f32 to vector<16xf32>
      %eq3A_1264 = arith.cmpf oeq, %select_n3A_1173, %eq3A_1263 : vector<16xf32>
      %select_n3A_1265 = arith.select %eq3A_1264, %get3A_146, %broadcast_in_dim3A_5 : vector<16xi1>, vector<16xi32>
      %min3A_1266 = arith.minsi %min3A_1262, %select_n3A_1265 : vector<16xi32>
      %eq3A_1267 = vector.broadcast %reduce_min3A_1242 : f32 to vector<16xf32>
      %eq3A_1268 = arith.cmpf oeq, %select_n3A_1178, %eq3A_1267 : vector<16xf32>
      %select_n3A_1269 = arith.select %eq3A_1268, %get3A_148, %broadcast_in_dim3A_5 : vector<16xi1>, vector<16xi32>
      %min3A_1270 = arith.minsi %min3A_1266, %select_n3A_1269 : vector<16xi32>
      %eq3A_1271 = vector.broadcast %reduce_min3A_1242 : f32 to vector<16xf32>
      %eq3A_1272 = arith.cmpf oeq, %select_n3A_1183, %eq3A_1271 : vector<16xf32>
      %select_n3A_1273 = arith.select %eq3A_1272, %get3A_150, %broadcast_in_dim3A_5 : vector<16xi1>, vector<16xi32>
      %min3A_1274 = arith.minsi %min3A_1270, %select_n3A_1273 : vector<16xi32>
      %eq3A_1275 = vector.broadcast %reduce_min3A_1242 : f32 to vector<16xf32>
      %eq3A_1276 = arith.cmpf oeq, %select_n3A_1188, %eq3A_1275 : vector<16xf32>
      %select_n3A_1277 = arith.select %eq3A_1276, %get3A_152, %broadcast_in_dim3A_5 : vector<16xi1>, vector<16xi32>
      %min3A_1278 = arith.minsi %min3A_1274, %select_n3A_1277 : vector<16xi32>
      %eq3A_1279 = vector.broadcast %reduce_min3A_1242 : f32 to vector<16xf32>
      %eq3A_1280 = arith.cmpf oeq, %select_n3A_1193, %eq3A_1279 : vector<16xf32>
      %select_n3A_1281 = arith.select %eq3A_1280, %get3A_154, %broadcast_in_dim3A_5 : vector<16xi1>, vector<16xi32>
      %min3A_1282 = arith.minsi %min3A_1278, %select_n3A_1281 : vector<16xi32>
      %eq3A_1283 = vector.broadcast %reduce_min3A_1242 : f32 to vector<16xf32>
      %eq3A_1284 = arith.cmpf oeq, %select_n3A_1198, %eq3A_1283 : vector<16xf32>
      %select_n3A_1285 = arith.select %eq3A_1284, %get3A_156, %broadcast_in_dim3A_5 : vector<16xi1>, vector<16xi32>
      %min3A_1286 = arith.minsi %min3A_1282, %select_n3A_1285 : vector<16xi32>
      %eq3A_1287 = vector.broadcast %reduce_min3A_1242 : f32 to vector<16xf32>
      %eq3A_1288 = arith.cmpf oeq, %select_n3A_1203, %eq3A_1287 : vector<16xf32>
      %select_n3A_1289 = arith.select %eq3A_1288, %get3A_158, %broadcast_in_dim3A_5 : vector<16xi1>, vector<16xi32>
      %min3A_1290 = arith.minsi %min3A_1286, %select_n3A_1289 : vector<16xi32>
      %eq3A_1291 = vector.broadcast %reduce_min3A_1242 : f32 to vector<16xf32>
      %eq3A_1292 = arith.cmpf oeq, %select_n3A_1208, %eq3A_1291 : vector<16xf32>
      %select_n3A_1293 = arith.select %eq3A_1292, %get3A_160, %broadcast_in_dim3A_5 : vector<16xi1>, vector<16xi32>
      %min3A_1294 = arith.minsi %min3A_1290, %select_n3A_1293 : vector<16xi32>
      %eq3A_1295 = vector.broadcast %reduce_min3A_1242 : f32 to vector<16xf32>
      %eq3A_1296 = arith.cmpf oeq, %select_n3A_1213, %eq3A_1295 : vector<16xf32>
      %select_n3A_1297 = arith.select %eq3A_1296, %get3A_162, %broadcast_in_dim3A_5 : vector<16xi1>, vector<16xi32>
      %min3A_1298 = arith.minsi %min3A_1294, %select_n3A_1297 : vector<16xi32>
      %eq3A_1299 = vector.broadcast %reduce_min3A_1242 : f32 to vector<16xf32>
      %eq3A_1300 = arith.cmpf oeq, %select_n3A_1218, %eq3A_1299 : vector<16xf32>
      %select_n3A_1301 = arith.select %eq3A_1300, %get3A_164, %broadcast_in_dim3A_5 : vector<16xi1>, vector<16xi32>
      %min3A_1302 = arith.minsi %min3A_1298, %select_n3A_1301 : vector<16xi32>
      %eq3A_1303 = vector.broadcast %reduce_min3A_1242 : f32 to vector<16xf32>
      %eq3A_1304 = arith.cmpf oeq, %select_n3A_1223, %eq3A_1303 : vector<16xf32>
      %select_n3A_1305 = arith.select %eq3A_1304, %get3A_166, %broadcast_in_dim3A_5 : vector<16xi1>, vector<16xi32>
      %min3A_1306 = arith.minsi %min3A_1302, %select_n3A_1305 : vector<16xi32>
      %reduce_min3A_1307 = arith.constant true
      %reduce_min3A_1308 = vector.broadcast %reduce_min3A_1307 : i1 to vector<16xi1>
      %reduce_min3A_1309 = arith.constant -2147483648 : i32
      %reduce_min3A_1310 = vector.broadcast %reduce_min3A_1309 : i32 to vector<16xi32>
      %reduce_min3A_1311 = arith.xori %min3A_1306, %reduce_min3A_1310 : vector<16xi32>
      %reduce_min3A_1312 = tpu.scan <min>, %reduce_min3A_1311 masked %reduce_min3A_1308 : vector<16xi32>, vector<16xi1> -> vector<16xi32>
      %reduce_min3A_1313 = arith.xori %reduce_min3A_1312, %reduce_min3A_1310 : vector<16xi32>
      %reduce_min3A_1314 = vector.extract %reduce_min3A_1313[15] : i32 from vector<16xi32>
      %eq3A_1315 = arith.constant 6 : i32
      %eq3A_1316 = vector.broadcast %eq3A_1315 : i32 to vector<16xi32>
      %eq3A_1317 = arith.cmpi eq, %iota3A, %eq3A_1316 : vector<16xi32>
      %broadcast_in_dim3A_1318 = vector.broadcast %reduce_min3A_1314 : i32 to vector<16xi32>
      %select_n3A_1319 = arith.select %eq3A_1317, %broadcast_in_dim3A_1318, %select_n3A_1143 : vector<16xi1>, vector<16xi32>
      %eq3A_1320 = vector.broadcast %reduce_min3A_1314 : i32 to vector<16xi32>
      %eq3A_1321 = arith.cmpi eq, %get3A_136, %eq3A_1320 : vector<16xi32>
      %jit3A_1322 = arith.constant 0x7F800000 : f32
      %broadcast_in_dim3A_1323 = vector.broadcast %jit3A_1322 : f32 to vector<16xf32>
      %select_n3A_1324 = arith.select %eq3A_1321, %broadcast_in_dim3A_1323, %select_n3A_1148 : vector<16xi1>, vector<16xf32>
      %eq3A_1325 = vector.broadcast %reduce_min3A_1314 : i32 to vector<16xi32>
      %eq3A_1326 = arith.cmpi eq, %get3A_138, %eq3A_1325 : vector<16xi32>
      %jit3A_1327 = arith.constant 0x7F800000 : f32
      %broadcast_in_dim3A_1328 = vector.broadcast %jit3A_1327 : f32 to vector<16xf32>
      %select_n3A_1329 = arith.select %eq3A_1326, %broadcast_in_dim3A_1328, %select_n3A_1153 : vector<16xi1>, vector<16xf32>
      %eq3A_1330 = vector.broadcast %reduce_min3A_1314 : i32 to vector<16xi32>
      %eq3A_1331 = arith.cmpi eq, %get3A_140, %eq3A_1330 : vector<16xi32>
      %jit3A_1332 = arith.constant 0x7F800000 : f32
      %broadcast_in_dim3A_1333 = vector.broadcast %jit3A_1332 : f32 to vector<16xf32>
      %select_n3A_1334 = arith.select %eq3A_1331, %broadcast_in_dim3A_1333, %select_n3A_1158 : vector<16xi1>, vector<16xf32>
      %eq3A_1335 = vector.broadcast %reduce_min3A_1314 : i32 to vector<16xi32>
      %eq3A_1336 = arith.cmpi eq, %get3A_142, %eq3A_1335 : vector<16xi32>
      %jit3A_1337 = arith.constant 0x7F800000 : f32
      %broadcast_in_dim3A_1338 = vector.broadcast %jit3A_1337 : f32 to vector<16xf32>
      %select_n3A_1339 = arith.select %eq3A_1336, %broadcast_in_dim3A_1338, %select_n3A_1163 : vector<16xi1>, vector<16xf32>
      %eq3A_1340 = vector.broadcast %reduce_min3A_1314 : i32 to vector<16xi32>
      %eq3A_1341 = arith.cmpi eq, %get3A_144, %eq3A_1340 : vector<16xi32>
      %jit3A_1342 = arith.constant 0x7F800000 : f32
      %broadcast_in_dim3A_1343 = vector.broadcast %jit3A_1342 : f32 to vector<16xf32>
      %select_n3A_1344 = arith.select %eq3A_1341, %broadcast_in_dim3A_1343, %select_n3A_1168 : vector<16xi1>, vector<16xf32>
      %eq3A_1345 = vector.broadcast %reduce_min3A_1314 : i32 to vector<16xi32>
      %eq3A_1346 = arith.cmpi eq, %get3A_146, %eq3A_1345 : vector<16xi32>
      %jit3A_1347 = arith.constant 0x7F800000 : f32
      %broadcast_in_dim3A_1348 = vector.broadcast %jit3A_1347 : f32 to vector<16xf32>
      %select_n3A_1349 = arith.select %eq3A_1346, %broadcast_in_dim3A_1348, %select_n3A_1173 : vector<16xi1>, vector<16xf32>
      %eq3A_1350 = vector.broadcast %reduce_min3A_1314 : i32 to vector<16xi32>
      %eq3A_1351 = arith.cmpi eq, %get3A_148, %eq3A_1350 : vector<16xi32>
      %jit3A_1352 = arith.constant 0x7F800000 : f32
      %broadcast_in_dim3A_1353 = vector.broadcast %jit3A_1352 : f32 to vector<16xf32>
      %select_n3A_1354 = arith.select %eq3A_1351, %broadcast_in_dim3A_1353, %select_n3A_1178 : vector<16xi1>, vector<16xf32>
      %eq3A_1355 = vector.broadcast %reduce_min3A_1314 : i32 to vector<16xi32>
      %eq3A_1356 = arith.cmpi eq, %get3A_150, %eq3A_1355 : vector<16xi32>
      %jit3A_1357 = arith.constant 0x7F800000 : f32
      %broadcast_in_dim3A_1358 = vector.broadcast %jit3A_1357 : f32 to vector<16xf32>
      %select_n3A_1359 = arith.select %eq3A_1356, %broadcast_in_dim3A_1358, %select_n3A_1183 : vector<16xi1>, vector<16xf32>
      %eq3A_1360 = vector.broadcast %reduce_min3A_1314 : i32 to vector<16xi32>
      %eq3A_1361 = arith.cmpi eq, %get3A_152, %eq3A_1360 : vector<16xi32>
      %jit3A_1362 = arith.constant 0x7F800000 : f32
      %broadcast_in_dim3A_1363 = vector.broadcast %jit3A_1362 : f32 to vector<16xf32>
      %select_n3A_1364 = arith.select %eq3A_1361, %broadcast_in_dim3A_1363, %select_n3A_1188 : vector<16xi1>, vector<16xf32>
      %eq3A_1365 = vector.broadcast %reduce_min3A_1314 : i32 to vector<16xi32>
      %eq3A_1366 = arith.cmpi eq, %get3A_154, %eq3A_1365 : vector<16xi32>
      %jit3A_1367 = arith.constant 0x7F800000 : f32
      %broadcast_in_dim3A_1368 = vector.broadcast %jit3A_1367 : f32 to vector<16xf32>
      %select_n3A_1369 = arith.select %eq3A_1366, %broadcast_in_dim3A_1368, %select_n3A_1193 : vector<16xi1>, vector<16xf32>
      %eq3A_1370 = vector.broadcast %reduce_min3A_1314 : i32 to vector<16xi32>
      %eq3A_1371 = arith.cmpi eq, %get3A_156, %eq3A_1370 : vector<16xi32>
      %jit3A_1372 = arith.constant 0x7F800000 : f32
      %broadcast_in_dim3A_1373 = vector.broadcast %jit3A_1372 : f32 to vector<16xf32>
      %select_n3A_1374 = arith.select %eq3A_1371, %broadcast_in_dim3A_1373, %select_n3A_1198 : vector<16xi1>, vector<16xf32>
      %eq3A_1375 = vector.broadcast %reduce_min3A_1314 : i32 to vector<16xi32>
      %eq3A_1376 = arith.cmpi eq, %get3A_158, %eq3A_1375 : vector<16xi32>
      %jit3A_1377 = arith.constant 0x7F800000 : f32
      %broadcast_in_dim3A_1378 = vector.broadcast %jit3A_1377 : f32 to vector<16xf32>
      %select_n3A_1379 = arith.select %eq3A_1376, %broadcast_in_dim3A_1378, %select_n3A_1203 : vector<16xi1>, vector<16xf32>
      %eq3A_1380 = vector.broadcast %reduce_min3A_1314 : i32 to vector<16xi32>
      %eq3A_1381 = arith.cmpi eq, %get3A_160, %eq3A_1380 : vector<16xi32>
      %jit3A_1382 = arith.constant 0x7F800000 : f32
      %broadcast_in_dim3A_1383 = vector.broadcast %jit3A_1382 : f32 to vector<16xf32>
      %select_n3A_1384 = arith.select %eq3A_1381, %broadcast_in_dim3A_1383, %select_n3A_1208 : vector<16xi1>, vector<16xf32>
      %eq3A_1385 = vector.broadcast %reduce_min3A_1314 : i32 to vector<16xi32>
      %eq3A_1386 = arith.cmpi eq, %get3A_162, %eq3A_1385 : vector<16xi32>
      %jit3A_1387 = arith.constant 0x7F800000 : f32
      %broadcast_in_dim3A_1388 = vector.broadcast %jit3A_1387 : f32 to vector<16xf32>
      %select_n3A_1389 = arith.select %eq3A_1386, %broadcast_in_dim3A_1388, %select_n3A_1213 : vector<16xi1>, vector<16xf32>
      %eq3A_1390 = vector.broadcast %reduce_min3A_1314 : i32 to vector<16xi32>
      %eq3A_1391 = arith.cmpi eq, %get3A_164, %eq3A_1390 : vector<16xi32>
      %jit3A_1392 = arith.constant 0x7F800000 : f32
      %broadcast_in_dim3A_1393 = vector.broadcast %jit3A_1392 : f32 to vector<16xf32>
      %select_n3A_1394 = arith.select %eq3A_1391, %broadcast_in_dim3A_1393, %select_n3A_1218 : vector<16xi1>, vector<16xf32>
      %eq3A_1395 = vector.broadcast %reduce_min3A_1314 : i32 to vector<16xi32>
      %eq3A_1396 = arith.cmpi eq, %get3A_166, %eq3A_1395 : vector<16xi32>
      %jit3A_1397 = arith.constant 0x7F800000 : f32
      %broadcast_in_dim3A_1398 = vector.broadcast %jit3A_1397 : f32 to vector<16xf32>
      %select_n3A_1399 = arith.select %eq3A_1396, %broadcast_in_dim3A_1398, %select_n3A_1223 : vector<16xi1>, vector<16xf32>
      %min3A_1400 = arith.minimumf %select_n3A_1324, %select_n3A_1329 : vector<16xf32>
      %min3A_1401 = arith.minimumf %min3A_1400, %select_n3A_1334 : vector<16xf32>
      %min3A_1402 = arith.minimumf %min3A_1401, %select_n3A_1339 : vector<16xf32>
      %min3A_1403 = arith.minimumf %min3A_1402, %select_n3A_1344 : vector<16xf32>
      %min3A_1404 = arith.minimumf %min3A_1403, %select_n3A_1349 : vector<16xf32>
      %min3A_1405 = arith.minimumf %min3A_1404, %select_n3A_1354 : vector<16xf32>
      %min3A_1406 = arith.minimumf %min3A_1405, %select_n3A_1359 : vector<16xf32>
      %min3A_1407 = arith.minimumf %min3A_1406, %select_n3A_1364 : vector<16xf32>
      %min3A_1408 = arith.minimumf %min3A_1407, %select_n3A_1369 : vector<16xf32>
      %min3A_1409 = arith.minimumf %min3A_1408, %select_n3A_1374 : vector<16xf32>
      %min3A_1410 = arith.minimumf %min3A_1409, %select_n3A_1379 : vector<16xf32>
      %min3A_1411 = arith.minimumf %min3A_1410, %select_n3A_1384 : vector<16xf32>
      %min3A_1412 = arith.minimumf %min3A_1411, %select_n3A_1389 : vector<16xf32>
      %min3A_1413 = arith.minimumf %min3A_1412, %select_n3A_1394 : vector<16xf32>
      %min3A_1414 = arith.minimumf %min3A_1413, %select_n3A_1399 : vector<16xf32>
      %reduce_min3A_1415 = arith.constant true
      %reduce_min3A_1416 = vector.broadcast %reduce_min3A_1415 : i1 to vector<16xi1>
      %reduce_min3A_1417 = tpu.scan <min>, %min3A_1414 masked %reduce_min3A_1416 : vector<16xf32>, vector<16xi1> -> vector<16xf32>
      %reduce_min3A_1418 = vector.extract %reduce_min3A_1417[15] : f32 from vector<16xf32>
      %eq3A_1419 = vector.broadcast %reduce_min3A_1418 : f32 to vector<16xf32>
      %eq3A_1420 = arith.cmpf oeq, %select_n3A_1324, %eq3A_1419 : vector<16xf32>
      %select_n3A_1421 = arith.select %eq3A_1420, %get3A_136, %broadcast_in_dim3A_5 : vector<16xi1>, vector<16xi32>
      %min3A_1422 = arith.minsi %broadcast_in_dim3A_5, %select_n3A_1421 : vector<16xi32>
      %eq3A_1423 = vector.broadcast %reduce_min3A_1418 : f32 to vector<16xf32>
      %eq3A_1424 = arith.cmpf oeq, %select_n3A_1329, %eq3A_1423 : vector<16xf32>
      %select_n3A_1425 = arith.select %eq3A_1424, %get3A_138, %broadcast_in_dim3A_5 : vector<16xi1>, vector<16xi32>
      %min3A_1426 = arith.minsi %min3A_1422, %select_n3A_1425 : vector<16xi32>
      %eq3A_1427 = vector.broadcast %reduce_min3A_1418 : f32 to vector<16xf32>
      %eq3A_1428 = arith.cmpf oeq, %select_n3A_1334, %eq3A_1427 : vector<16xf32>
      %select_n3A_1429 = arith.select %eq3A_1428, %get3A_140, %broadcast_in_dim3A_5 : vector<16xi1>, vector<16xi32>
      %min3A_1430 = arith.minsi %min3A_1426, %select_n3A_1429 : vector<16xi32>
      %eq3A_1431 = vector.broadcast %reduce_min3A_1418 : f32 to vector<16xf32>
      %eq3A_1432 = arith.cmpf oeq, %select_n3A_1339, %eq3A_1431 : vector<16xf32>
      %select_n3A_1433 = arith.select %eq3A_1432, %get3A_142, %broadcast_in_dim3A_5 : vector<16xi1>, vector<16xi32>
      %min3A_1434 = arith.minsi %min3A_1430, %select_n3A_1433 : vector<16xi32>
      %eq3A_1435 = vector.broadcast %reduce_min3A_1418 : f32 to vector<16xf32>
      %eq3A_1436 = arith.cmpf oeq, %select_n3A_1344, %eq3A_1435 : vector<16xf32>
      %select_n3A_1437 = arith.select %eq3A_1436, %get3A_144, %broadcast_in_dim3A_5 : vector<16xi1>, vector<16xi32>
      %min3A_1438 = arith.minsi %min3A_1434, %select_n3A_1437 : vector<16xi32>
      %eq3A_1439 = vector.broadcast %reduce_min3A_1418 : f32 to vector<16xf32>
      %eq3A_1440 = arith.cmpf oeq, %select_n3A_1349, %eq3A_1439 : vector<16xf32>
      %select_n3A_1441 = arith.select %eq3A_1440, %get3A_146, %broadcast_in_dim3A_5 : vector<16xi1>, vector<16xi32>
      %min3A_1442 = arith.minsi %min3A_1438, %select_n3A_1441 : vector<16xi32>
      %eq3A_1443 = vector.broadcast %reduce_min3A_1418 : f32 to vector<16xf32>
      %eq3A_1444 = arith.cmpf oeq, %select_n3A_1354, %eq3A_1443 : vector<16xf32>
      %select_n3A_1445 = arith.select %eq3A_1444, %get3A_148, %broadcast_in_dim3A_5 : vector<16xi1>, vector<16xi32>
      %min3A_1446 = arith.minsi %min3A_1442, %select_n3A_1445 : vector<16xi32>
      %eq3A_1447 = vector.broadcast %reduce_min3A_1418 : f32 to vector<16xf32>
      %eq3A_1448 = arith.cmpf oeq, %select_n3A_1359, %eq3A_1447 : vector<16xf32>
      %select_n3A_1449 = arith.select %eq3A_1448, %get3A_150, %broadcast_in_dim3A_5 : vector<16xi1>, vector<16xi32>
      %min3A_1450 = arith.minsi %min3A_1446, %select_n3A_1449 : vector<16xi32>
      %eq3A_1451 = vector.broadcast %reduce_min3A_1418 : f32 to vector<16xf32>
      %eq3A_1452 = arith.cmpf oeq, %select_n3A_1364, %eq3A_1451 : vector<16xf32>
      %select_n3A_1453 = arith.select %eq3A_1452, %get3A_152, %broadcast_in_dim3A_5 : vector<16xi1>, vector<16xi32>
      %min3A_1454 = arith.minsi %min3A_1450, %select_n3A_1453 : vector<16xi32>
      %eq3A_1455 = vector.broadcast %reduce_min3A_1418 : f32 to vector<16xf32>
      %eq3A_1456 = arith.cmpf oeq, %select_n3A_1369, %eq3A_1455 : vector<16xf32>
      %select_n3A_1457 = arith.select %eq3A_1456, %get3A_154, %broadcast_in_dim3A_5 : vector<16xi1>, vector<16xi32>
      %min3A_1458 = arith.minsi %min3A_1454, %select_n3A_1457 : vector<16xi32>
      %eq3A_1459 = vector.broadcast %reduce_min3A_1418 : f32 to vector<16xf32>
      %eq3A_1460 = arith.cmpf oeq, %select_n3A_1374, %eq3A_1459 : vector<16xf32>
      %select_n3A_1461 = arith.select %eq3A_1460, %get3A_156, %broadcast_in_dim3A_5 : vector<16xi1>, vector<16xi32>
      %min3A_1462 = arith.minsi %min3A_1458, %select_n3A_1461 : vector<16xi32>
      %eq3A_1463 = vector.broadcast %reduce_min3A_1418 : f32 to vector<16xf32>
      %eq3A_1464 = arith.cmpf oeq, %select_n3A_1379, %eq3A_1463 : vector<16xf32>
      %select_n3A_1465 = arith.select %eq3A_1464, %get3A_158, %broadcast_in_dim3A_5 : vector<16xi1>, vector<16xi32>
      %min3A_1466 = arith.minsi %min3A_1462, %select_n3A_1465 : vector<16xi32>
      %eq3A_1467 = vector.broadcast %reduce_min3A_1418 : f32 to vector<16xf32>
      %eq3A_1468 = arith.cmpf oeq, %select_n3A_1384, %eq3A_1467 : vector<16xf32>
      %select_n3A_1469 = arith.select %eq3A_1468, %get3A_160, %broadcast_in_dim3A_5 : vector<16xi1>, vector<16xi32>
      %min3A_1470 = arith.minsi %min3A_1466, %select_n3A_1469 : vector<16xi32>
      %eq3A_1471 = vector.broadcast %reduce_min3A_1418 : f32 to vector<16xf32>
      %eq3A_1472 = arith.cmpf oeq, %select_n3A_1389, %eq3A_1471 : vector<16xf32>
      %select_n3A_1473 = arith.select %eq3A_1472, %get3A_162, %broadcast_in_dim3A_5 : vector<16xi1>, vector<16xi32>
      %min3A_1474 = arith.minsi %min3A_1470, %select_n3A_1473 : vector<16xi32>
      %eq3A_1475 = vector.broadcast %reduce_min3A_1418 : f32 to vector<16xf32>
      %eq3A_1476 = arith.cmpf oeq, %select_n3A_1394, %eq3A_1475 : vector<16xf32>
      %select_n3A_1477 = arith.select %eq3A_1476, %get3A_164, %broadcast_in_dim3A_5 : vector<16xi1>, vector<16xi32>
      %min3A_1478 = arith.minsi %min3A_1474, %select_n3A_1477 : vector<16xi32>
      %eq3A_1479 = vector.broadcast %reduce_min3A_1418 : f32 to vector<16xf32>
      %eq3A_1480 = arith.cmpf oeq, %select_n3A_1399, %eq3A_1479 : vector<16xf32>
      %select_n3A_1481 = arith.select %eq3A_1480, %get3A_166, %broadcast_in_dim3A_5 : vector<16xi1>, vector<16xi32>
      %min3A_1482 = arith.minsi %min3A_1478, %select_n3A_1481 : vector<16xi32>
      %reduce_min3A_1483 = arith.constant true
      %reduce_min3A_1484 = vector.broadcast %reduce_min3A_1483 : i1 to vector<16xi1>
      %reduce_min3A_1485 = arith.constant -2147483648 : i32
      %reduce_min3A_1486 = vector.broadcast %reduce_min3A_1485 : i32 to vector<16xi32>
      %reduce_min3A_1487 = arith.xori %min3A_1482, %reduce_min3A_1486 : vector<16xi32>
      %reduce_min3A_1488 = tpu.scan <min>, %reduce_min3A_1487 masked %reduce_min3A_1484 : vector<16xi32>, vector<16xi1> -> vector<16xi32>
      %reduce_min3A_1489 = arith.xori %reduce_min3A_1488, %reduce_min3A_1486 : vector<16xi32>
      %reduce_min3A_1490 = vector.extract %reduce_min3A_1489[15] : i32 from vector<16xi32>
      %eq3A_1491 = arith.constant 7 : i32
      %eq3A_1492 = vector.broadcast %eq3A_1491 : i32 to vector<16xi32>
      %eq3A_1493 = arith.cmpi eq, %iota3A, %eq3A_1492 : vector<16xi32>
      %broadcast_in_dim3A_1494 = vector.broadcast %reduce_min3A_1490 : i32 to vector<16xi32>
      %select_n3A_1495 = arith.select %eq3A_1493, %broadcast_in_dim3A_1494, %select_n3A_1319 : vector<16xi1>, vector<16xi32>
      %eq3A_1496 = vector.broadcast %reduce_min3A_1490 : i32 to vector<16xi32>
      %eq3A_1497 = arith.cmpi eq, %get3A_136, %eq3A_1496 : vector<16xi32>
      %jit3A_1498 = arith.constant 0x7F800000 : f32
      %broadcast_in_dim3A_1499 = vector.broadcast %jit3A_1498 : f32 to vector<16xf32>
      %select_n3A_1500 = arith.select %eq3A_1497, %broadcast_in_dim3A_1499, %select_n3A_1324 : vector<16xi1>, vector<16xf32>
      %eq3A_1501 = vector.broadcast %reduce_min3A_1490 : i32 to vector<16xi32>
      %eq3A_1502 = arith.cmpi eq, %get3A_138, %eq3A_1501 : vector<16xi32>
      %jit3A_1503 = arith.constant 0x7F800000 : f32
      %broadcast_in_dim3A_1504 = vector.broadcast %jit3A_1503 : f32 to vector<16xf32>
      %select_n3A_1505 = arith.select %eq3A_1502, %broadcast_in_dim3A_1504, %select_n3A_1329 : vector<16xi1>, vector<16xf32>
      %eq3A_1506 = vector.broadcast %reduce_min3A_1490 : i32 to vector<16xi32>
      %eq3A_1507 = arith.cmpi eq, %get3A_140, %eq3A_1506 : vector<16xi32>
      %jit3A_1508 = arith.constant 0x7F800000 : f32
      %broadcast_in_dim3A_1509 = vector.broadcast %jit3A_1508 : f32 to vector<16xf32>
      %select_n3A_1510 = arith.select %eq3A_1507, %broadcast_in_dim3A_1509, %select_n3A_1334 : vector<16xi1>, vector<16xf32>
      %eq3A_1511 = vector.broadcast %reduce_min3A_1490 : i32 to vector<16xi32>
      %eq3A_1512 = arith.cmpi eq, %get3A_142, %eq3A_1511 : vector<16xi32>
      %jit3A_1513 = arith.constant 0x7F800000 : f32
      %broadcast_in_dim3A_1514 = vector.broadcast %jit3A_1513 : f32 to vector<16xf32>
      %select_n3A_1515 = arith.select %eq3A_1512, %broadcast_in_dim3A_1514, %select_n3A_1339 : vector<16xi1>, vector<16xf32>
      %eq3A_1516 = vector.broadcast %reduce_min3A_1490 : i32 to vector<16xi32>
      %eq3A_1517 = arith.cmpi eq, %get3A_144, %eq3A_1516 : vector<16xi32>
      %jit3A_1518 = arith.constant 0x7F800000 : f32
      %broadcast_in_dim3A_1519 = vector.broadcast %jit3A_1518 : f32 to vector<16xf32>
      %select_n3A_1520 = arith.select %eq3A_1517, %broadcast_in_dim3A_1519, %select_n3A_1344 : vector<16xi1>, vector<16xf32>
      %eq3A_1521 = vector.broadcast %reduce_min3A_1490 : i32 to vector<16xi32>
      %eq3A_1522 = arith.cmpi eq, %get3A_146, %eq3A_1521 : vector<16xi32>
      %jit3A_1523 = arith.constant 0x7F800000 : f32
      %broadcast_in_dim3A_1524 = vector.broadcast %jit3A_1523 : f32 to vector<16xf32>
      %select_n3A_1525 = arith.select %eq3A_1522, %broadcast_in_dim3A_1524, %select_n3A_1349 : vector<16xi1>, vector<16xf32>
      %eq3A_1526 = vector.broadcast %reduce_min3A_1490 : i32 to vector<16xi32>
      %eq3A_1527 = arith.cmpi eq, %get3A_148, %eq3A_1526 : vector<16xi32>
      %jit3A_1528 = arith.constant 0x7F800000 : f32
      %broadcast_in_dim3A_1529 = vector.broadcast %jit3A_1528 : f32 to vector<16xf32>
      %select_n3A_1530 = arith.select %eq3A_1527, %broadcast_in_dim3A_1529, %select_n3A_1354 : vector<16xi1>, vector<16xf32>
      %eq3A_1531 = vector.broadcast %reduce_min3A_1490 : i32 to vector<16xi32>
      %eq3A_1532 = arith.cmpi eq, %get3A_150, %eq3A_1531 : vector<16xi32>
      %jit3A_1533 = arith.constant 0x7F800000 : f32
      %broadcast_in_dim3A_1534 = vector.broadcast %jit3A_1533 : f32 to vector<16xf32>
      %select_n3A_1535 = arith.select %eq3A_1532, %broadcast_in_dim3A_1534, %select_n3A_1359 : vector<16xi1>, vector<16xf32>
      %eq3A_1536 = vector.broadcast %reduce_min3A_1490 : i32 to vector<16xi32>
      %eq3A_1537 = arith.cmpi eq, %get3A_152, %eq3A_1536 : vector<16xi32>
      %jit3A_1538 = arith.constant 0x7F800000 : f32
      %broadcast_in_dim3A_1539 = vector.broadcast %jit3A_1538 : f32 to vector<16xf32>
      %select_n3A_1540 = arith.select %eq3A_1537, %broadcast_in_dim3A_1539, %select_n3A_1364 : vector<16xi1>, vector<16xf32>
      %eq3A_1541 = vector.broadcast %reduce_min3A_1490 : i32 to vector<16xi32>
      %eq3A_1542 = arith.cmpi eq, %get3A_154, %eq3A_1541 : vector<16xi32>
      %jit3A_1543 = arith.constant 0x7F800000 : f32
      %broadcast_in_dim3A_1544 = vector.broadcast %jit3A_1543 : f32 to vector<16xf32>
      %select_n3A_1545 = arith.select %eq3A_1542, %broadcast_in_dim3A_1544, %select_n3A_1369 : vector<16xi1>, vector<16xf32>
      %eq3A_1546 = vector.broadcast %reduce_min3A_1490 : i32 to vector<16xi32>
      %eq3A_1547 = arith.cmpi eq, %get3A_156, %eq3A_1546 : vector<16xi32>
      %jit3A_1548 = arith.constant 0x7F800000 : f32
      %broadcast_in_dim3A_1549 = vector.broadcast %jit3A_1548 : f32 to vector<16xf32>
      %select_n3A_1550 = arith.select %eq3A_1547, %broadcast_in_dim3A_1549, %select_n3A_1374 : vector<16xi1>, vector<16xf32>
      %eq3A_1551 = vector.broadcast %reduce_min3A_1490 : i32 to vector<16xi32>
      %eq3A_1552 = arith.cmpi eq, %get3A_158, %eq3A_1551 : vector<16xi32>
      %jit3A_1553 = arith.constant 0x7F800000 : f32
      %broadcast_in_dim3A_1554 = vector.broadcast %jit3A_1553 : f32 to vector<16xf32>
      %select_n3A_1555 = arith.select %eq3A_1552, %broadcast_in_dim3A_1554, %select_n3A_1379 : vector<16xi1>, vector<16xf32>
      %eq3A_1556 = vector.broadcast %reduce_min3A_1490 : i32 to vector<16xi32>
      %eq3A_1557 = arith.cmpi eq, %get3A_160, %eq3A_1556 : vector<16xi32>
      %jit3A_1558 = arith.constant 0x7F800000 : f32
      %broadcast_in_dim3A_1559 = vector.broadcast %jit3A_1558 : f32 to vector<16xf32>
      %select_n3A_1560 = arith.select %eq3A_1557, %broadcast_in_dim3A_1559, %select_n3A_1384 : vector<16xi1>, vector<16xf32>
      %eq3A_1561 = vector.broadcast %reduce_min3A_1490 : i32 to vector<16xi32>
      %eq3A_1562 = arith.cmpi eq, %get3A_162, %eq3A_1561 : vector<16xi32>
      %jit3A_1563 = arith.constant 0x7F800000 : f32
      %broadcast_in_dim3A_1564 = vector.broadcast %jit3A_1563 : f32 to vector<16xf32>
      %select_n3A_1565 = arith.select %eq3A_1562, %broadcast_in_dim3A_1564, %select_n3A_1389 : vector<16xi1>, vector<16xf32>
      %eq3A_1566 = vector.broadcast %reduce_min3A_1490 : i32 to vector<16xi32>
      %eq3A_1567 = arith.cmpi eq, %get3A_164, %eq3A_1566 : vector<16xi32>
      %jit3A_1568 = arith.constant 0x7F800000 : f32
      %broadcast_in_dim3A_1569 = vector.broadcast %jit3A_1568 : f32 to vector<16xf32>
      %select_n3A_1570 = arith.select %eq3A_1567, %broadcast_in_dim3A_1569, %select_n3A_1394 : vector<16xi1>, vector<16xf32>
      %eq3A_1571 = vector.broadcast %reduce_min3A_1490 : i32 to vector<16xi32>
      %eq3A_1572 = arith.cmpi eq, %get3A_166, %eq3A_1571 : vector<16xi32>
      %jit3A_1573 = arith.constant 0x7F800000 : f32
      %broadcast_in_dim3A_1574 = vector.broadcast %jit3A_1573 : f32 to vector<16xf32>
      %select_n3A_1575 = arith.select %eq3A_1572, %broadcast_in_dim3A_1574, %select_n3A_1399 : vector<16xi1>, vector<16xf32>
      %min3A_1576 = arith.minimumf %select_n3A_1500, %select_n3A_1505 : vector<16xf32>
      %min3A_1577 = arith.minimumf %min3A_1576, %select_n3A_1510 : vector<16xf32>
      %min3A_1578 = arith.minimumf %min3A_1577, %select_n3A_1515 : vector<16xf32>
      %min3A_1579 = arith.minimumf %min3A_1578, %select_n3A_1520 : vector<16xf32>
      %min3A_1580 = arith.minimumf %min3A_1579, %select_n3A_1525 : vector<16xf32>
      %min3A_1581 = arith.minimumf %min3A_1580, %select_n3A_1530 : vector<16xf32>
      %min3A_1582 = arith.minimumf %min3A_1581, %select_n3A_1535 : vector<16xf32>
      %min3A_1583 = arith.minimumf %min3A_1582, %select_n3A_1540 : vector<16xf32>
      %min3A_1584 = arith.minimumf %min3A_1583, %select_n3A_1545 : vector<16xf32>
      %min3A_1585 = arith.minimumf %min3A_1584, %select_n3A_1550 : vector<16xf32>
      %min3A_1586 = arith.minimumf %min3A_1585, %select_n3A_1555 : vector<16xf32>
      %min3A_1587 = arith.minimumf %min3A_1586, %select_n3A_1560 : vector<16xf32>
      %min3A_1588 = arith.minimumf %min3A_1587, %select_n3A_1565 : vector<16xf32>
      %min3A_1589 = arith.minimumf %min3A_1588, %select_n3A_1570 : vector<16xf32>
      %min3A_1590 = arith.minimumf %min3A_1589, %select_n3A_1575 : vector<16xf32>
      %reduce_min3A_1591 = arith.constant true
      %reduce_min3A_1592 = vector.broadcast %reduce_min3A_1591 : i1 to vector<16xi1>
      %reduce_min3A_1593 = tpu.scan <min>, %min3A_1590 masked %reduce_min3A_1592 : vector<16xf32>, vector<16xi1> -> vector<16xf32>
      %reduce_min3A_1594 = vector.extract %reduce_min3A_1593[15] : f32 from vector<16xf32>
      %eq3A_1595 = vector.broadcast %reduce_min3A_1594 : f32 to vector<16xf32>
      %eq3A_1596 = arith.cmpf oeq, %select_n3A_1500, %eq3A_1595 : vector<16xf32>
      %select_n3A_1597 = arith.select %eq3A_1596, %get3A_136, %broadcast_in_dim3A_5 : vector<16xi1>, vector<16xi32>
      %min3A_1598 = arith.minsi %broadcast_in_dim3A_5, %select_n3A_1597 : vector<16xi32>
      %eq3A_1599 = vector.broadcast %reduce_min3A_1594 : f32 to vector<16xf32>
      %eq3A_1600 = arith.cmpf oeq, %select_n3A_1505, %eq3A_1599 : vector<16xf32>
      %select_n3A_1601 = arith.select %eq3A_1600, %get3A_138, %broadcast_in_dim3A_5 : vector<16xi1>, vector<16xi32>
      %min3A_1602 = arith.minsi %min3A_1598, %select_n3A_1601 : vector<16xi32>
      %eq3A_1603 = vector.broadcast %reduce_min3A_1594 : f32 to vector<16xf32>
      %eq3A_1604 = arith.cmpf oeq, %select_n3A_1510, %eq3A_1603 : vector<16xf32>
      %select_n3A_1605 = arith.select %eq3A_1604, %get3A_140, %broadcast_in_dim3A_5 : vector<16xi1>, vector<16xi32>
      %min3A_1606 = arith.minsi %min3A_1602, %select_n3A_1605 : vector<16xi32>
      %eq3A_1607 = vector.broadcast %reduce_min3A_1594 : f32 to vector<16xf32>
      %eq3A_1608 = arith.cmpf oeq, %select_n3A_1515, %eq3A_1607 : vector<16xf32>
      %select_n3A_1609 = arith.select %eq3A_1608, %get3A_142, %broadcast_in_dim3A_5 : vector<16xi1>, vector<16xi32>
      %min3A_1610 = arith.minsi %min3A_1606, %select_n3A_1609 : vector<16xi32>
      %eq3A_1611 = vector.broadcast %reduce_min3A_1594 : f32 to vector<16xf32>
      %eq3A_1612 = arith.cmpf oeq, %select_n3A_1520, %eq3A_1611 : vector<16xf32>
      %select_n3A_1613 = arith.select %eq3A_1612, %get3A_144, %broadcast_in_dim3A_5 : vector<16xi1>, vector<16xi32>
      %min3A_1614 = arith.minsi %min3A_1610, %select_n3A_1613 : vector<16xi32>
      %eq3A_1615 = vector.broadcast %reduce_min3A_1594 : f32 to vector<16xf32>
      %eq3A_1616 = arith.cmpf oeq, %select_n3A_1525, %eq3A_1615 : vector<16xf32>
      %select_n3A_1617 = arith.select %eq3A_1616, %get3A_146, %broadcast_in_dim3A_5 : vector<16xi1>, vector<16xi32>
      %min3A_1618 = arith.minsi %min3A_1614, %select_n3A_1617 : vector<16xi32>
      %eq3A_1619 = vector.broadcast %reduce_min3A_1594 : f32 to vector<16xf32>
      %eq3A_1620 = arith.cmpf oeq, %select_n3A_1530, %eq3A_1619 : vector<16xf32>
      %select_n3A_1621 = arith.select %eq3A_1620, %get3A_148, %broadcast_in_dim3A_5 : vector<16xi1>, vector<16xi32>
      %min3A_1622 = arith.minsi %min3A_1618, %select_n3A_1621 : vector<16xi32>
      %eq3A_1623 = vector.broadcast %reduce_min3A_1594 : f32 to vector<16xf32>
      %eq3A_1624 = arith.cmpf oeq, %select_n3A_1535, %eq3A_1623 : vector<16xf32>
      %select_n3A_1625 = arith.select %eq3A_1624, %get3A_150, %broadcast_in_dim3A_5 : vector<16xi1>, vector<16xi32>
      %min3A_1626 = arith.minsi %min3A_1622, %select_n3A_1625 : vector<16xi32>
      %eq3A_1627 = vector.broadcast %reduce_min3A_1594 : f32 to vector<16xf32>
      %eq3A_1628 = arith.cmpf oeq, %select_n3A_1540, %eq3A_1627 : vector<16xf32>
      %select_n3A_1629 = arith.select %eq3A_1628, %get3A_152, %broadcast_in_dim3A_5 : vector<16xi1>, vector<16xi32>
      %min3A_1630 = arith.minsi %min3A_1626, %select_n3A_1629 : vector<16xi32>
      %eq3A_1631 = vector.broadcast %reduce_min3A_1594 : f32 to vector<16xf32>
      %eq3A_1632 = arith.cmpf oeq, %select_n3A_1545, %eq3A_1631 : vector<16xf32>
      %select_n3A_1633 = arith.select %eq3A_1632, %get3A_154, %broadcast_in_dim3A_5 : vector<16xi1>, vector<16xi32>
      %min3A_1634 = arith.minsi %min3A_1630, %select_n3A_1633 : vector<16xi32>
      %eq3A_1635 = vector.broadcast %reduce_min3A_1594 : f32 to vector<16xf32>
      %eq3A_1636 = arith.cmpf oeq, %select_n3A_1550, %eq3A_1635 : vector<16xf32>
      %select_n3A_1637 = arith.select %eq3A_1636, %get3A_156, %broadcast_in_dim3A_5 : vector<16xi1>, vector<16xi32>
      %min3A_1638 = arith.minsi %min3A_1634, %select_n3A_1637 : vector<16xi32>
      %eq3A_1639 = vector.broadcast %reduce_min3A_1594 : f32 to vector<16xf32>
      %eq3A_1640 = arith.cmpf oeq, %select_n3A_1555, %eq3A_1639 : vector<16xf32>
      %select_n3A_1641 = arith.select %eq3A_1640, %get3A_158, %broadcast_in_dim3A_5 : vector<16xi1>, vector<16xi32>
      %min3A_1642 = arith.minsi %min3A_1638, %select_n3A_1641 : vector<16xi32>
      %eq3A_1643 = vector.broadcast %reduce_min3A_1594 : f32 to vector<16xf32>
      %eq3A_1644 = arith.cmpf oeq, %select_n3A_1560, %eq3A_1643 : vector<16xf32>
      %select_n3A_1645 = arith.select %eq3A_1644, %get3A_160, %broadcast_in_dim3A_5 : vector<16xi1>, vector<16xi32>
      %min3A_1646 = arith.minsi %min3A_1642, %select_n3A_1645 : vector<16xi32>
      %eq3A_1647 = vector.broadcast %reduce_min3A_1594 : f32 to vector<16xf32>
      %eq3A_1648 = arith.cmpf oeq, %select_n3A_1565, %eq3A_1647 : vector<16xf32>
      %select_n3A_1649 = arith.select %eq3A_1648, %get3A_162, %broadcast_in_dim3A_5 : vector<16xi1>, vector<16xi32>
      %min3A_1650 = arith.minsi %min3A_1646, %select_n3A_1649 : vector<16xi32>
      %eq3A_1651 = vector.broadcast %reduce_min3A_1594 : f32 to vector<16xf32>
      %eq3A_1652 = arith.cmpf oeq, %select_n3A_1570, %eq3A_1651 : vector<16xf32>
      %select_n3A_1653 = arith.select %eq3A_1652, %get3A_164, %broadcast_in_dim3A_5 : vector<16xi1>, vector<16xi32>
      %min3A_1654 = arith.minsi %min3A_1650, %select_n3A_1653 : vector<16xi32>
      %eq3A_1655 = vector.broadcast %reduce_min3A_1594 : f32 to vector<16xf32>
      %eq3A_1656 = arith.cmpf oeq, %select_n3A_1575, %eq3A_1655 : vector<16xf32>
      %select_n3A_1657 = arith.select %eq3A_1656, %get3A_166, %broadcast_in_dim3A_5 : vector<16xi1>, vector<16xi32>
      %min3A_1658 = arith.minsi %min3A_1654, %select_n3A_1657 : vector<16xi32>
      %reduce_min3A_1659 = arith.constant true
      %reduce_min3A_1660 = vector.broadcast %reduce_min3A_1659 : i1 to vector<16xi1>
      %reduce_min3A_1661 = arith.constant -2147483648 : i32
      %reduce_min3A_1662 = vector.broadcast %reduce_min3A_1661 : i32 to vector<16xi32>
      %reduce_min3A_1663 = arith.xori %min3A_1658, %reduce_min3A_1662 : vector<16xi32>
      %reduce_min3A_1664 = tpu.scan <min>, %reduce_min3A_1663 masked %reduce_min3A_1660 : vector<16xi32>, vector<16xi1> -> vector<16xi32>
      %reduce_min3A_1665 = arith.xori %reduce_min3A_1664, %reduce_min3A_1662 : vector<16xi32>
      %reduce_min3A_1666 = vector.extract %reduce_min3A_1665[15] : i32 from vector<16xi32>
      %eq3A_1667 = arith.constant 8 : i32
      %eq3A_1668 = vector.broadcast %eq3A_1667 : i32 to vector<16xi32>
      %eq3A_1669 = arith.cmpi eq, %iota3A, %eq3A_1668 : vector<16xi32>
      %broadcast_in_dim3A_1670 = vector.broadcast %reduce_min3A_1666 : i32 to vector<16xi32>
      %select_n3A_1671 = arith.select %eq3A_1669, %broadcast_in_dim3A_1670, %select_n3A_1495 : vector<16xi1>, vector<16xi32>
      %eq3A_1672 = vector.broadcast %reduce_min3A_1666 : i32 to vector<16xi32>
      %eq3A_1673 = arith.cmpi eq, %get3A_136, %eq3A_1672 : vector<16xi32>
      %jit3A_1674 = arith.constant 0x7F800000 : f32
      %broadcast_in_dim3A_1675 = vector.broadcast %jit3A_1674 : f32 to vector<16xf32>
      %select_n3A_1676 = arith.select %eq3A_1673, %broadcast_in_dim3A_1675, %select_n3A_1500 : vector<16xi1>, vector<16xf32>
      %eq3A_1677 = vector.broadcast %reduce_min3A_1666 : i32 to vector<16xi32>
      %eq3A_1678 = arith.cmpi eq, %get3A_138, %eq3A_1677 : vector<16xi32>
      %jit3A_1679 = arith.constant 0x7F800000 : f32
      %broadcast_in_dim3A_1680 = vector.broadcast %jit3A_1679 : f32 to vector<16xf32>
      %select_n3A_1681 = arith.select %eq3A_1678, %broadcast_in_dim3A_1680, %select_n3A_1505 : vector<16xi1>, vector<16xf32>
      %eq3A_1682 = vector.broadcast %reduce_min3A_1666 : i32 to vector<16xi32>
      %eq3A_1683 = arith.cmpi eq, %get3A_140, %eq3A_1682 : vector<16xi32>
      %jit3A_1684 = arith.constant 0x7F800000 : f32
      %broadcast_in_dim3A_1685 = vector.broadcast %jit3A_1684 : f32 to vector<16xf32>
      %select_n3A_1686 = arith.select %eq3A_1683, %broadcast_in_dim3A_1685, %select_n3A_1510 : vector<16xi1>, vector<16xf32>
      %eq3A_1687 = vector.broadcast %reduce_min3A_1666 : i32 to vector<16xi32>
      %eq3A_1688 = arith.cmpi eq, %get3A_142, %eq3A_1687 : vector<16xi32>
      %jit3A_1689 = arith.constant 0x7F800000 : f32
      %broadcast_in_dim3A_1690 = vector.broadcast %jit3A_1689 : f32 to vector<16xf32>
      %select_n3A_1691 = arith.select %eq3A_1688, %broadcast_in_dim3A_1690, %select_n3A_1515 : vector<16xi1>, vector<16xf32>
      %eq3A_1692 = vector.broadcast %reduce_min3A_1666 : i32 to vector<16xi32>
      %eq3A_1693 = arith.cmpi eq, %get3A_144, %eq3A_1692 : vector<16xi32>
      %jit3A_1694 = arith.constant 0x7F800000 : f32
      %broadcast_in_dim3A_1695 = vector.broadcast %jit3A_1694 : f32 to vector<16xf32>
      %select_n3A_1696 = arith.select %eq3A_1693, %broadcast_in_dim3A_1695, %select_n3A_1520 : vector<16xi1>, vector<16xf32>
      %eq3A_1697 = vector.broadcast %reduce_min3A_1666 : i32 to vector<16xi32>
      %eq3A_1698 = arith.cmpi eq, %get3A_146, %eq3A_1697 : vector<16xi32>
      %jit3A_1699 = arith.constant 0x7F800000 : f32
      %broadcast_in_dim3A_1700 = vector.broadcast %jit3A_1699 : f32 to vector<16xf32>
      %select_n3A_1701 = arith.select %eq3A_1698, %broadcast_in_dim3A_1700, %select_n3A_1525 : vector<16xi1>, vector<16xf32>
      %eq3A_1702 = vector.broadcast %reduce_min3A_1666 : i32 to vector<16xi32>
      %eq3A_1703 = arith.cmpi eq, %get3A_148, %eq3A_1702 : vector<16xi32>
      %jit3A_1704 = arith.constant 0x7F800000 : f32
      %broadcast_in_dim3A_1705 = vector.broadcast %jit3A_1704 : f32 to vector<16xf32>
      %select_n3A_1706 = arith.select %eq3A_1703, %broadcast_in_dim3A_1705, %select_n3A_1530 : vector<16xi1>, vector<16xf32>
      %eq3A_1707 = vector.broadcast %reduce_min3A_1666 : i32 to vector<16xi32>
      %eq3A_1708 = arith.cmpi eq, %get3A_150, %eq3A_1707 : vector<16xi32>
      %jit3A_1709 = arith.constant 0x7F800000 : f32
      %broadcast_in_dim3A_1710 = vector.broadcast %jit3A_1709 : f32 to vector<16xf32>
      %select_n3A_1711 = arith.select %eq3A_1708, %broadcast_in_dim3A_1710, %select_n3A_1535 : vector<16xi1>, vector<16xf32>
      %eq3A_1712 = vector.broadcast %reduce_min3A_1666 : i32 to vector<16xi32>
      %eq3A_1713 = arith.cmpi eq, %get3A_152, %eq3A_1712 : vector<16xi32>
      %jit3A_1714 = arith.constant 0x7F800000 : f32
      %broadcast_in_dim3A_1715 = vector.broadcast %jit3A_1714 : f32 to vector<16xf32>
      %select_n3A_1716 = arith.select %eq3A_1713, %broadcast_in_dim3A_1715, %select_n3A_1540 : vector<16xi1>, vector<16xf32>
      %eq3A_1717 = vector.broadcast %reduce_min3A_1666 : i32 to vector<16xi32>
      %eq3A_1718 = arith.cmpi eq, %get3A_154, %eq3A_1717 : vector<16xi32>
      %jit3A_1719 = arith.constant 0x7F800000 : f32
      %broadcast_in_dim3A_1720 = vector.broadcast %jit3A_1719 : f32 to vector<16xf32>
      %select_n3A_1721 = arith.select %eq3A_1718, %broadcast_in_dim3A_1720, %select_n3A_1545 : vector<16xi1>, vector<16xf32>
      %eq3A_1722 = vector.broadcast %reduce_min3A_1666 : i32 to vector<16xi32>
      %eq3A_1723 = arith.cmpi eq, %get3A_156, %eq3A_1722 : vector<16xi32>
      %jit3A_1724 = arith.constant 0x7F800000 : f32
      %broadcast_in_dim3A_1725 = vector.broadcast %jit3A_1724 : f32 to vector<16xf32>
      %select_n3A_1726 = arith.select %eq3A_1723, %broadcast_in_dim3A_1725, %select_n3A_1550 : vector<16xi1>, vector<16xf32>
      %eq3A_1727 = vector.broadcast %reduce_min3A_1666 : i32 to vector<16xi32>
      %eq3A_1728 = arith.cmpi eq, %get3A_158, %eq3A_1727 : vector<16xi32>
      %jit3A_1729 = arith.constant 0x7F800000 : f32
      %broadcast_in_dim3A_1730 = vector.broadcast %jit3A_1729 : f32 to vector<16xf32>
      %select_n3A_1731 = arith.select %eq3A_1728, %broadcast_in_dim3A_1730, %select_n3A_1555 : vector<16xi1>, vector<16xf32>
      %eq3A_1732 = vector.broadcast %reduce_min3A_1666 : i32 to vector<16xi32>
      %eq3A_1733 = arith.cmpi eq, %get3A_160, %eq3A_1732 : vector<16xi32>
      %jit3A_1734 = arith.constant 0x7F800000 : f32
      %broadcast_in_dim3A_1735 = vector.broadcast %jit3A_1734 : f32 to vector<16xf32>
      %select_n3A_1736 = arith.select %eq3A_1733, %broadcast_in_dim3A_1735, %select_n3A_1560 : vector<16xi1>, vector<16xf32>
      %eq3A_1737 = vector.broadcast %reduce_min3A_1666 : i32 to vector<16xi32>
      %eq3A_1738 = arith.cmpi eq, %get3A_162, %eq3A_1737 : vector<16xi32>
      %jit3A_1739 = arith.constant 0x7F800000 : f32
      %broadcast_in_dim3A_1740 = vector.broadcast %jit3A_1739 : f32 to vector<16xf32>
      %select_n3A_1741 = arith.select %eq3A_1738, %broadcast_in_dim3A_1740, %select_n3A_1565 : vector<16xi1>, vector<16xf32>
      %eq3A_1742 = vector.broadcast %reduce_min3A_1666 : i32 to vector<16xi32>
      %eq3A_1743 = arith.cmpi eq, %get3A_164, %eq3A_1742 : vector<16xi32>
      %jit3A_1744 = arith.constant 0x7F800000 : f32
      %broadcast_in_dim3A_1745 = vector.broadcast %jit3A_1744 : f32 to vector<16xf32>
      %select_n3A_1746 = arith.select %eq3A_1743, %broadcast_in_dim3A_1745, %select_n3A_1570 : vector<16xi1>, vector<16xf32>
      %eq3A_1747 = vector.broadcast %reduce_min3A_1666 : i32 to vector<16xi32>
      %eq3A_1748 = arith.cmpi eq, %get3A_166, %eq3A_1747 : vector<16xi32>
      %jit3A_1749 = arith.constant 0x7F800000 : f32
      %broadcast_in_dim3A_1750 = vector.broadcast %jit3A_1749 : f32 to vector<16xf32>
      %select_n3A_1751 = arith.select %eq3A_1748, %broadcast_in_dim3A_1750, %select_n3A_1575 : vector<16xi1>, vector<16xf32>
      %mul3A_1752 = arith.constant 16 : i32
      %mul3A_1753 = arith.muli %scan3A_13, %mul3A_1752 : i32
      %swap3A_1754 = arith.index_cast %mul3A_1753 : i32 to index
      %swap3A_1755 = tpu.vector_load %arg7[%swap3A_1754] {strides = array<i32>} : memref<1024xi32, #tpu.memory_space<vmem>>, vector<16xi32>,
      tpu.vector_store %arg7[%swap3A_1754], %select_n3A_1671 {strides = array<i32>} : memref<1024xi32, #tpu.memory_space<vmem>>, vector<16xi32>,
    }
    %scan3A_10 = arith.constant 64 : i32
    %mul3A_11 = arith.constant 16 : i32
    %mul3A_12 = arith.muli %mul3A_2, %mul3A_11 : i32
    "tpu.region"() ({
      %run_scoped3A = tpu.sem_alloc : memref<!tpu.dma_semaphore, #tpu.memory_space<semaphore_mem>>
      %dma_start3A = tpu.memref_slice %arg3[%mul3A_12] : memref<32768xi32, #tpu.memory_space<hbm>> -> memref<1024xi32, #tpu.memory_space<hbm>>
      %dma_start3A_13 = tpu.memref_slice %arg3[%mul3A_12] : memref<32768xi32, #tpu.memory_space<hbm>> -> memref<1024xi32, #tpu.memory_space<hbm>>
      tpu.enqueue_dma source(%arg7 : memref<1024xi32, #tpu.memory_space<vmem>>) target(%dma_start3A_13 : memref<1024xi32, #tpu.memory_space<hbm>>) target_semaphore(%run_scoped3A : memref<!tpu.dma_semaphore, #tpu.memory_space<semaphore_mem>>)
      %dma_wait3A = tpu.memref_slice %arg3[%mul3A_12] : memref<32768xi32, #tpu.memory_space<hbm>> -> memref<1024xi32, #tpu.memory_space<hbm>>
      %dma_wait3A_14 = tpu.memref_slice %arg3[%mul3A_12] : memref<32768xi32, #tpu.memory_space<hbm>> -> memref<1024xi32, #tpu.memory_space<hbm>>
      tpu.wait_dma2 semaphore(%run_scoped3A : memref<!tpu.dma_semaphore, #tpu.memory_space<semaphore_mem>>) src(%arg7 : memref<1024xi32, #tpu.memory_space<vmem>>) dst(%dma_wait3A_14 : memref<1024xi32, #tpu.memory_space<hbm>>)
      tpu.yield
    }) : () -> ()
    return
  }
}

module attributes {stable_mosaic.version = 14 : i64} {
  func.func @_d2_kernel(%arg0: i32, %arg1: memref<4096x2xf32, #tpu.memory_space<vmem>>, %arg2: memref<256x4096xf32, #tpu.memory_space<vmem>>, %arg3: memref<1x4096xf32, #tpu.memory_space<vmem>>) attributes {dimension_semantics = [#tpu.dimension_semantics<arbitrary>], iteration_bounds = array<i64: 8>, scalar_prefetch = 0 : i64, scratch_operands = 1 : i64, tpu.core_type = #tpu.core_type<tc>, window_params = [{pipeline_mode = #tpu.pipeline_mode<synchronous>, transform_indices = @transform_0, window_bounds = array<i64: 4096, 2>}, {transform_indices = @transform_1, window_bounds = array<i64: 256, 4096>}]} {
    %get3A = arith.constant 0 : index
    %get3A_0 = arith.constant 0 : index
    %get3A_1 = vector.load %arg1[%get3A, %get3A_0] : memref<4096x2xf32, #tpu.memory_space<vmem>>, vector<4096x2xf32>
    %eq3A = arith.constant 0 : i32
    %eq3A_2 = arith.cmpi eq, %arg0, %eq3A : i32
    %convert_element_type3A = arith.extui %eq3A_2 : i1 to i32
    %cond3A = arith.constant 0 : i32
    %cond3A_3 = arith.cmpi ne, %convert_element_type3A, %cond3A : i32
    scf.if %cond3A_3 {
      %mul3A_21 = arith.mulf %get3A_1, %get3A_1 : vector<4096x2xf32>
      %reduce_sum3A_22 = arith.constant dense<0.000000e+00> : vector<4096xf32>
      %reduce_sum3A_23 = vector.multi_reduction <add>, %mul3A_21, %reduce_sum3A_22 [1] : vector<4096x2xf32> to vector<4096xf32>
      %broadcast_in_dim3A_24 = vector.shape_cast %reduce_sum3A_23 : vector<4096xf32> to vector<4096x1xf32>
      %transpose3A = tpu.transpose %broadcast_in_dim3A_24, [1, 0] : vector<4096x1xf32> -> vector<1x4096xf32>
      %swap3A_25 = arith.constant 0 : index
      %swap3A_26 = arith.constant 0 : index
      %swap3A_27 = vector.load %arg3[%swap3A_25, %swap3A_26] : memref<1x4096xf32, #tpu.memory_space<vmem>>, vector<1x4096xf32>
      tpu.vector_store %arg3[%swap3A_25, %swap3A_26], %transpose3A {strides = array<i32>} : memref<1x4096xf32, #tpu.memory_space<vmem>>, vector<1x4096xf32>,
    } else {
    }
    %get3A_4 = arith.constant 0 : index
    %get3A_5 = arith.constant 0 : index
    %get3A_6 = vector.load %arg3[%get3A_4, %get3A_5] : memref<1x4096xf32, #tpu.memory_space<vmem>>, vector<1x4096xf32>
    %mul3A = arith.constant 256 : i32
    %mul3A_7 = arith.muli %arg0, %mul3A : i32
    %get3A_8 = arith.index_cast %mul3A_7 : i32 to index
    %get3A_9 = arith.constant 0 : index
    %get3A_10 = vector.load %arg1[%get3A_8, %get3A_9] : memref<4096x2xf32, #tpu.memory_space<vmem>>, vector<256x2xf32>
    %mul3A_11 = arith.mulf %get3A_10, %get3A_10 : vector<256x2xf32>
    %reduce_sum3A = arith.constant dense<0.000000e+00> : vector<256xf32>
    %reduce_sum3A_12 = vector.multi_reduction <add>, %mul3A_11, %reduce_sum3A [1] : vector<256x2xf32> to vector<256xf32>
    %broadcast_in_dim3A = vector.shape_cast %reduce_sum3A_12 : vector<256xf32> to vector<256x1xf32>
    %dot_general3A = arith.constant dense<0.000000e+00> : vector<256x4096xf32>
    %dot_general3A_13 = tpu.matmul %get3A_10, %get3A_1, %dot_general3A {dimension_numbers = #tpu.dot_dimension_numbers<[1], [1], [0], [0], [0, 0, 1, 0], [], []>, transpose_lhs_hint = false} : vector<256x2xf32>, vector<4096x2xf32>, vector<256x4096xf32> -> vector<256x4096xf32>
    %add3A = vector.broadcast %broadcast_in_dim3A : vector<256x1xf32> to vector<256x4096xf32>
    %add3A_14 = vector.broadcast %get3A_6 : vector<1x4096xf32> to vector<256x4096xf32>
    %add3A_15 = arith.addf %add3A, %add3A_14 : vector<256x4096xf32>
    %mul3A_16 = arith.constant 2.000000e+00 : f32
    %mul3A_17 = vector.broadcast %mul3A_16 : f32 to vector<256x4096xf32>
    %mul3A_18 = arith.mulf %mul3A_17, %dot_general3A_13 : vector<256x4096xf32>
    %sub3A = arith.subf %add3A_15, %mul3A_18 : vector<256x4096xf32>
    %swap3A = arith.constant 0 : index
    %swap3A_19 = arith.constant 0 : index
    %swap3A_20 = vector.load %arg2[%swap3A, %swap3A_19] : memref<256x4096xf32, #tpu.memory_space<vmem>>, vector<256x4096xf32>
    tpu.vector_store %arg2[%swap3A, %swap3A_19], %sub3A {strides = array<i32>} : memref<256x4096xf32, #tpu.memory_space<vmem>>, vector<256x4096xf32>,
    return
  }
  func.func @transform_0(%arg0: i32) -> (i32, i32) {
    %c0_i32 = arith.constant 0 : i32
    %c0_i32_0 = arith.constant 0 : i32
    %c0_i32_1 = arith.constant 0 : i32
    return %c0_i32, %c0_i32_0 : i32, i32
  }
  func.func @transform_1(%arg0: i32) -> (i32, i32) {
    %c0_i32 = arith.constant 0 : i32
    %c0_i32_0 = arith.constant 0 : i32
    return %arg0, %c0_i32 : i32, i32
  }
}

module attributes {stable_mosaic.version = 14 : i64} {
  func.func @_proj_kernel(%arg0: i32, %arg1: memref<512x2048xf32, #tpu.memory_space<vmem>>, %arg2: memref<2048x512xf32, #tpu.memory_space<vmem>>, %arg3: memref<512x512xf32, #tpu.memory_space<vmem>>) attributes {dimension_semantics = [#tpu.dimension_semantics<arbitrary>], iteration_bounds = array<i64: 8>, scalar_prefetch = 0 : i64, scratch_operands = 0 : i64, tpu.core_type = #tpu.core_type<tc>, window_params = [{transform_indices = @transform_0, window_bounds = array<i64: 512, 2048>}, {pipeline_mode = #tpu.pipeline_mode<synchronous>, transform_indices = @transform_1, window_bounds = array<i64: 2048, 512>}, {transform_indices = @transform_2, window_bounds = array<i64: 512, 512>}]} {
    %get3A = arith.constant 0 : index
    %get3A_0 = arith.constant 0 : index
    %get3A_1 = vector.load %arg1[%get3A, %get3A_0] : memref<512x2048xf32, #tpu.memory_space<vmem>>, vector<512x2048xf32>
    %get3A_2 = arith.constant 0 : index
    %get3A_3 = arith.constant 0 : index
    %get3A_4 = vector.load %arg2[%get3A_2, %get3A_3] : memref<2048x512xf32, #tpu.memory_space<vmem>>, vector<2048x512xf32>
    %dot_general3A = arith.constant dense<0.000000e+00> : vector<512x512xf32>
    %dot_general3A_5 = tpu.matmul %get3A_1, %get3A_4, %dot_general3A {dimension_numbers = #tpu.dot_dimension_numbers<[1], [0], [0], [1], [0, 0, 1, 1], [], []>, transpose_lhs_hint = false} : vector<512x2048xf32>, vector<2048x512xf32>, vector<512x512xf32> -> vector<512x512xf32>
    %swap3A = arith.constant 0 : index
    %swap3A_6 = arith.constant 0 : index
    %swap3A_7 = vector.load %arg3[%swap3A, %swap3A_6] : memref<512x512xf32, #tpu.memory_space<vmem>>, vector<512x512xf32>
    tpu.vector_store %arg3[%swap3A, %swap3A_6], %dot_general3A_5 {strides = array<i32>} : memref<512x512xf32, #tpu.memory_space<vmem>>, vector<512x512xf32>,
    return
  }
  func.func @transform_0(%arg0: i32) -> (i32, i32) {
    %c0_i32 = arith.constant 0 : i32
    %c0_i32_0 = arith.constant 0 : i32
    return %arg0, %c0_i32 : i32, i32
  }
  func.func @transform_1(%arg0: i32) -> (i32, i32) {
    %c0_i32 = arith.constant 0 : i32
    %c0_i32_0 = arith.constant 0 : i32
    %c0_i32_1 = arith.constant 0 : i32
    return %c0_i32, %c0_i32_0 : i32, i32
  }
  func.func @transform_2(%arg0: i32) -> (i32, i32) {
    %c0_i32 = arith.constant 0 : i32
    %c0_i32_0 = arith.constant 0 : i32
    return %arg0, %c0_i32 : i32, i32
  }
}

module attributes {stable_mosaic.version = 14 : i64} {
  func.func @_knn_kernel(%arg0: i32, %arg1: memref<4096x2xf32, #tpu.memory_space<vmem>>, %arg2: memref<256x8xi32, #tpu.memory_space<vmem>>, %arg3: memref<1x4096xf32, #tpu.memory_space<vmem>>) attributes {dimension_semantics = [#tpu.dimension_semantics<arbitrary>], iteration_bounds = array<i64: 8>, scalar_prefetch = 0 : i64, scratch_operands = 1 : i64, tpu.core_type = #tpu.core_type<tc>, window_params = [{pipeline_mode = #tpu.pipeline_mode<synchronous>, transform_indices = @transform_0, window_bounds = array<i64: 4096, 2>}, {transform_indices = @transform_1, window_bounds = array<i64: 256, 8>}]} {
    %add3A = arith.constant 8 : i32
    %add3A_0 = arith.addi %arg0, %add3A : i32
    %eq3A = arith.constant 0 : i32
    %eq3A_1 = arith.cmpi eq, %arg0, %eq3A : i32
    %get3A = arith.constant 0 : index
    %get3A_2 = arith.constant 0 : index
    %get3A_3 = vector.load %arg1[%get3A, %get3A_2] : memref<4096x2xf32, #tpu.memory_space<vmem>>, vector<4096x2xf32>
    %convert_element_type3A = arith.extui %eq3A_1 : i1 to i32
    %cond3A = arith.constant 0 : i32
    %cond3A_4 = arith.cmpi ne, %convert_element_type3A, %cond3A : i32
    scf.if %cond3A_4 {
      %mul3A_219 = arith.mulf %get3A_3, %get3A_3 : vector<4096x2xf32>
      %reduce_sum3A_220 = arith.constant dense<0.000000e+00> : vector<4096xf32>
      %reduce_sum3A_221 = vector.multi_reduction <add>, %mul3A_219, %reduce_sum3A_220 [1] : vector<4096x2xf32> to vector<4096xf32>
      %broadcast_in_dim3A_222 = vector.shape_cast %reduce_sum3A_221 : vector<4096xf32> to vector<4096x1xf32>
      %transpose3A = tpu.transpose %broadcast_in_dim3A_222, [1, 0] : vector<4096x1xf32> -> vector<1x4096xf32>
      %swap3A_223 = arith.constant 0 : index
      %swap3A_224 = arith.constant 0 : index
      %swap3A_225 = vector.load %arg3[%swap3A_223, %swap3A_224] : memref<1x4096xf32, #tpu.memory_space<vmem>>, vector<1x4096xf32>
      tpu.vector_store %arg3[%swap3A_223, %swap3A_224], %transpose3A {strides = array<i32>} : memref<1x4096xf32, #tpu.memory_space<vmem>>, vector<1x4096xf32>,
    } else {
    }
    %get3A_5 = arith.constant 0 : index
    %get3A_6 = arith.constant 0 : index
    %get3A_7 = vector.load %arg3[%get3A_5, %get3A_6] : memref<1x4096xf32, #tpu.memory_space<vmem>>, vector<1x4096xf32>
    %mul3A = arith.constant 256 : i32
    %mul3A_8 = arith.muli %add3A_0, %mul3A : i32
    %get3A_9 = arith.index_cast %mul3A_8 : i32 to index
    %get3A_10 = arith.constant 0 : index
    %get3A_11 = vector.load %arg1[%get3A_9, %get3A_10] : memref<4096x2xf32, #tpu.memory_space<vmem>>, vector<256x2xf32>
    %mul3A_12 = arith.mulf %get3A_11, %get3A_11 : vector<256x2xf32>
    %reduce_sum3A = arith.constant dense<0.000000e+00> : vector<256xf32>
    %reduce_sum3A_13 = vector.multi_reduction <add>, %mul3A_12, %reduce_sum3A [1] : vector<256x2xf32> to vector<256xf32>
    %broadcast_in_dim3A = vector.shape_cast %reduce_sum3A_13 : vector<256xf32> to vector<256x1xf32>
    %dot_general3A = arith.constant dense<0.000000e+00> : vector<256x4096xf32>
    %dot_general3A_14 = tpu.matmul %get3A_11, %get3A_3, %dot_general3A {dimension_numbers = #tpu.dot_dimension_numbers<[1], [1], [0], [0], [0, 0, 1, 0], [], []>, transpose_lhs_hint = false} : vector<256x2xf32>, vector<4096x2xf32>, vector<256x4096xf32> -> vector<256x4096xf32>
    %add3A_15 = vector.broadcast %broadcast_in_dim3A : vector<256x1xf32> to vector<256x4096xf32>
    %add3A_16 = vector.broadcast %get3A_7 : vector<1x4096xf32> to vector<256x4096xf32>
    %add3A_17 = arith.addf %add3A_15, %add3A_16 : vector<256x4096xf32>
    %mul3A_18 = arith.constant 2.000000e+00 : f32
    %mul3A_19 = vector.broadcast %mul3A_18 : f32 to vector<256x4096xf32>
    %mul3A_20 = arith.mulf %mul3A_19, %dot_general3A_14 : vector<256x4096xf32>
    %sub3A = arith.subf %add3A_17, %mul3A_20 : vector<256x4096xf32>
    %iota3A = tpu.iota {dimensions = array<i32: 1>} : vector<256x4096xi32>
    %convert_element_type3A_21 = arith.sitofp %iota3A : vector<256x4096xi32> to vector<256x4096xf32>
    %iota3A_22 = tpu.iota {dimensions = array<i32: 1>} : vector<256x8xi32>
    %broadcast_in_dim3A_23 = arith.constant 0 : i32
    %broadcast_in_dim3A_24 = vector.broadcast %broadcast_in_dim3A_23 : i32 to vector<256x8xi32>
    %reduce_min3A = arith.constant dense<0x7F800000> : vector<256xf32>
    %reduce_min3A_25 = vector.multi_reduction <minimumf>, %sub3A, %reduce_min3A [1] : vector<256x4096xf32> to vector<256xf32>
    %broadcast_in_dim3A_26 = vector.shape_cast %reduce_min3A_25 : vector<256xf32> to vector<256x1xf32>
    %eq3A_27 = vector.broadcast %broadcast_in_dim3A_26 : vector<256x1xf32> to vector<256x4096xf32>
    %eq3A_28 = arith.cmpf oeq, %sub3A, %eq3A_27 : vector<256x4096xf32>
    %jit3A = arith.constant 4.096000e+03 : f32
    %broadcast_in_dim3A_29 = vector.broadcast %jit3A : f32 to vector<256x4096xf32>
    %select_n3A = arith.select %eq3A_28, %convert_element_type3A_21, %broadcast_in_dim3A_29 : vector<256x4096xi1>, vector<256x4096xf32>
    %reduce_min3A_30 = arith.constant dense<0x7F800000> : vector<256xf32>
    %reduce_min3A_31 = vector.multi_reduction <minimumf>, %select_n3A, %reduce_min3A_30 [1] : vector<256x4096xf32> to vector<256xf32>
    %broadcast_in_dim3A_32 = vector.shape_cast %reduce_min3A_31 : vector<256xf32> to vector<256x1xf32>
    %eq3A_33 = vector.broadcast %broadcast_in_dim3A_32 : vector<256x1xf32> to vector<256x4096xf32>
    %eq3A_34 = arith.cmpf oeq, %convert_element_type3A_21, %eq3A_33 : vector<256x4096xf32>
    %jit3A_35 = arith.constant 0x7F800000 : f32
    %broadcast_in_dim3A_36 = vector.broadcast %jit3A_35 : f32 to vector<256x4096xf32>
    %select_n3A_37 = arith.select %eq3A_34, %broadcast_in_dim3A_36, %sub3A : vector<256x4096xi1>, vector<256x4096xf32>
    %reduce_min3A_38 = arith.constant dense<0x7F800000> : vector<256xf32>
    %reduce_min3A_39 = vector.multi_reduction <minimumf>, %select_n3A_37, %reduce_min3A_38 [1] : vector<256x4096xf32> to vector<256xf32>
    %broadcast_in_dim3A_40 = vector.shape_cast %reduce_min3A_39 : vector<256xf32> to vector<256x1xf32>
    %eq3A_41 = vector.broadcast %broadcast_in_dim3A_40 : vector<256x1xf32> to vector<256x4096xf32>
    %eq3A_42 = arith.cmpf oeq, %select_n3A_37, %eq3A_41 : vector<256x4096xf32>
    %jit3A_43 = arith.constant 4.096000e+03 : f32
    %broadcast_in_dim3A_44 = vector.broadcast %jit3A_43 : f32 to vector<256x4096xf32>
    %select_n3A_45 = arith.select %eq3A_42, %convert_element_type3A_21, %broadcast_in_dim3A_44 : vector<256x4096xi1>, vector<256x4096xf32>
    %reduce_min3A_46 = arith.constant dense<0x7F800000> : vector<256xf32>
    %reduce_min3A_47 = vector.multi_reduction <minimumf>, %select_n3A_45, %reduce_min3A_46 [1] : vector<256x4096xf32> to vector<256xf32>
    %broadcast_in_dim3A_48 = vector.shape_cast %reduce_min3A_47 : vector<256xf32> to vector<256x1xf32>
    %eq3A_49 = arith.constant 0 : i32
    %eq3A_50 = vector.broadcast %eq3A_49 : i32 to vector<256x8xi32>
    %eq3A_51 = arith.cmpi eq, %iota3A_22, %eq3A_50 : vector<256x8xi32>
    %convert_element_type3A_52 = arith.fptosi %broadcast_in_dim3A_48 : vector<256x1xf32> to vector<256x1xi32>
    %broadcast_in_dim3A_53 = vector.shape_cast %convert_element_type3A_52 : vector<256x1xi32> to vector<256x1xi32>
    %broadcast_in_dim3A_54 = vector.broadcast %broadcast_in_dim3A_53 : vector<256x1xi32> to vector<256x8xi32>
    %select_n3A_55 = arith.select %eq3A_51, %broadcast_in_dim3A_54, %broadcast_in_dim3A_24 : vector<256x8xi1>, vector<256x8xi32>
    %eq3A_56 = vector.broadcast %broadcast_in_dim3A_48 : vector<256x1xf32> to vector<256x4096xf32>
    %eq3A_57 = arith.cmpf oeq, %convert_element_type3A_21, %eq3A_56 : vector<256x4096xf32>
    %jit3A_58 = arith.constant 0x7F800000 : f32
    %broadcast_in_dim3A_59 = vector.broadcast %jit3A_58 : f32 to vector<256x4096xf32>
    %select_n3A_60 = arith.select %eq3A_57, %broadcast_in_dim3A_59, %select_n3A_37 : vector<256x4096xi1>, vector<256x4096xf32>
    %reduce_min3A_61 = arith.constant dense<0x7F800000> : vector<256xf32>
    %reduce_min3A_62 = vector.multi_reduction <minimumf>, %select_n3A_60, %reduce_min3A_61 [1] : vector<256x4096xf32> to vector<256xf32>
    %broadcast_in_dim3A_63 = vector.shape_cast %reduce_min3A_62 : vector<256xf32> to vector<256x1xf32>
    %eq3A_64 = vector.broadcast %broadcast_in_dim3A_63 : vector<256x1xf32> to vector<256x4096xf32>
    %eq3A_65 = arith.cmpf oeq, %select_n3A_60, %eq3A_64 : vector<256x4096xf32>
    %jit3A_66 = arith.constant 4.096000e+03 : f32
    %broadcast_in_dim3A_67 = vector.broadcast %jit3A_66 : f32 to vector<256x4096xf32>
    %select_n3A_68 = arith.select %eq3A_65, %convert_element_type3A_21, %broadcast_in_dim3A_67 : vector<256x4096xi1>, vector<256x4096xf32>
    %reduce_min3A_69 = arith.constant dense<0x7F800000> : vector<256xf32>
    %reduce_min3A_70 = vector.multi_reduction <minimumf>, %select_n3A_68, %reduce_min3A_69 [1] : vector<256x4096xf32> to vector<256xf32>
    %broadcast_in_dim3A_71 = vector.shape_cast %reduce_min3A_70 : vector<256xf32> to vector<256x1xf32>
    %eq3A_72 = arith.constant 1 : i32
    %eq3A_73 = vector.broadcast %eq3A_72 : i32 to vector<256x8xi32>
    %eq3A_74 = arith.cmpi eq, %iota3A_22, %eq3A_73 : vector<256x8xi32>
    %convert_element_type3A_75 = arith.fptosi %broadcast_in_dim3A_71 : vector<256x1xf32> to vector<256x1xi32>
    %broadcast_in_dim3A_76 = vector.shape_cast %convert_element_type3A_75 : vector<256x1xi32> to vector<256x1xi32>
    %broadcast_in_dim3A_77 = vector.broadcast %broadcast_in_dim3A_76 : vector<256x1xi32> to vector<256x8xi32>
    %select_n3A_78 = arith.select %eq3A_74, %broadcast_in_dim3A_77, %select_n3A_55 : vector<256x8xi1>, vector<256x8xi32>
    %eq3A_79 = vector.broadcast %broadcast_in_dim3A_71 : vector<256x1xf32> to vector<256x4096xf32>
    %eq3A_80 = arith.cmpf oeq, %convert_element_type3A_21, %eq3A_79 : vector<256x4096xf32>
    %jit3A_81 = arith.constant 0x7F800000 : f32
    %broadcast_in_dim3A_82 = vector.broadcast %jit3A_81 : f32 to vector<256x4096xf32>
    %select_n3A_83 = arith.select %eq3A_80, %broadcast_in_dim3A_82, %select_n3A_60 : vector<256x4096xi1>, vector<256x4096xf32>
    %reduce_min3A_84 = arith.constant dense<0x7F800000> : vector<256xf32>
    %reduce_min3A_85 = vector.multi_reduction <minimumf>, %select_n3A_83, %reduce_min3A_84 [1] : vector<256x4096xf32> to vector<256xf32>
    %broadcast_in_dim3A_86 = vector.shape_cast %reduce_min3A_85 : vector<256xf32> to vector<256x1xf32>
    %eq3A_87 = vector.broadcast %broadcast_in_dim3A_86 : vector<256x1xf32> to vector<256x4096xf32>
    %eq3A_88 = arith.cmpf oeq, %select_n3A_83, %eq3A_87 : vector<256x4096xf32>
    %jit3A_89 = arith.constant 4.096000e+03 : f32
    %broadcast_in_dim3A_90 = vector.broadcast %jit3A_89 : f32 to vector<256x4096xf32>
    %select_n3A_91 = arith.select %eq3A_88, %convert_element_type3A_21, %broadcast_in_dim3A_90 : vector<256x4096xi1>, vector<256x4096xf32>
    %reduce_min3A_92 = arith.constant dense<0x7F800000> : vector<256xf32>
    %reduce_min3A_93 = vector.multi_reduction <minimumf>, %select_n3A_91, %reduce_min3A_92 [1] : vector<256x4096xf32> to vector<256xf32>
    %broadcast_in_dim3A_94 = vector.shape_cast %reduce_min3A_93 : vector<256xf32> to vector<256x1xf32>
    %eq3A_95 = arith.constant 2 : i32
    %eq3A_96 = vector.broadcast %eq3A_95 : i32 to vector<256x8xi32>
    %eq3A_97 = arith.cmpi eq, %iota3A_22, %eq3A_96 : vector<256x8xi32>
    %convert_element_type3A_98 = arith.fptosi %broadcast_in_dim3A_94 : vector<256x1xf32> to vector<256x1xi32>
    %broadcast_in_dim3A_99 = vector.shape_cast %convert_element_type3A_98 : vector<256x1xi32> to vector<256x1xi32>
    %broadcast_in_dim3A_100 = vector.broadcast %broadcast_in_dim3A_99 : vector<256x1xi32> to vector<256x8xi32>
    %select_n3A_101 = arith.select %eq3A_97, %broadcast_in_dim3A_100, %select_n3A_78 : vector<256x8xi1>, vector<256x8xi32>
    %eq3A_102 = vector.broadcast %broadcast_in_dim3A_94 : vector<256x1xf32> to vector<256x4096xf32>
    %eq3A_103 = arith.cmpf oeq, %convert_element_type3A_21, %eq3A_102 : vector<256x4096xf32>
    %jit3A_104 = arith.constant 0x7F800000 : f32
    %broadcast_in_dim3A_105 = vector.broadcast %jit3A_104 : f32 to vector<256x4096xf32>
    %select_n3A_106 = arith.select %eq3A_103, %broadcast_in_dim3A_105, %select_n3A_83 : vector<256x4096xi1>, vector<256x4096xf32>
    %reduce_min3A_107 = arith.constant dense<0x7F800000> : vector<256xf32>
    %reduce_min3A_108 = vector.multi_reduction <minimumf>, %select_n3A_106, %reduce_min3A_107 [1] : vector<256x4096xf32> to vector<256xf32>
    %broadcast_in_dim3A_109 = vector.shape_cast %reduce_min3A_108 : vector<256xf32> to vector<256x1xf32>
    %eq3A_110 = vector.broadcast %broadcast_in_dim3A_109 : vector<256x1xf32> to vector<256x4096xf32>
    %eq3A_111 = arith.cmpf oeq, %select_n3A_106, %eq3A_110 : vector<256x4096xf32>
    %jit3A_112 = arith.constant 4.096000e+03 : f32
    %broadcast_in_dim3A_113 = vector.broadcast %jit3A_112 : f32 to vector<256x4096xf32>
    %select_n3A_114 = arith.select %eq3A_111, %convert_element_type3A_21, %broadcast_in_dim3A_113 : vector<256x4096xi1>, vector<256x4096xf32>
    %reduce_min3A_115 = arith.constant dense<0x7F800000> : vector<256xf32>
    %reduce_min3A_116 = vector.multi_reduction <minimumf>, %select_n3A_114, %reduce_min3A_115 [1] : vector<256x4096xf32> to vector<256xf32>
    %broadcast_in_dim3A_117 = vector.shape_cast %reduce_min3A_116 : vector<256xf32> to vector<256x1xf32>
    %eq3A_118 = arith.constant 3 : i32
    %eq3A_119 = vector.broadcast %eq3A_118 : i32 to vector<256x8xi32>
    %eq3A_120 = arith.cmpi eq, %iota3A_22, %eq3A_119 : vector<256x8xi32>
    %convert_element_type3A_121 = arith.fptosi %broadcast_in_dim3A_117 : vector<256x1xf32> to vector<256x1xi32>
    %broadcast_in_dim3A_122 = vector.shape_cast %convert_element_type3A_121 : vector<256x1xi32> to vector<256x1xi32>
    %broadcast_in_dim3A_123 = vector.broadcast %broadcast_in_dim3A_122 : vector<256x1xi32> to vector<256x8xi32>
    %select_n3A_124 = arith.select %eq3A_120, %broadcast_in_dim3A_123, %select_n3A_101 : vector<256x8xi1>, vector<256x8xi32>
    %eq3A_125 = vector.broadcast %broadcast_in_dim3A_117 : vector<256x1xf32> to vector<256x4096xf32>
    %eq3A_126 = arith.cmpf oeq, %convert_element_type3A_21, %eq3A_125 : vector<256x4096xf32>
    %jit3A_127 = arith.constant 0x7F800000 : f32
    %broadcast_in_dim3A_128 = vector.broadcast %jit3A_127 : f32 to vector<256x4096xf32>
    %select_n3A_129 = arith.select %eq3A_126, %broadcast_in_dim3A_128, %select_n3A_106 : vector<256x4096xi1>, vector<256x4096xf32>
    %reduce_min3A_130 = arith.constant dense<0x7F800000> : vector<256xf32>
    %reduce_min3A_131 = vector.multi_reduction <minimumf>, %select_n3A_129, %reduce_min3A_130 [1] : vector<256x4096xf32> to vector<256xf32>
    %broadcast_in_dim3A_132 = vector.shape_cast %reduce_min3A_131 : vector<256xf32> to vector<256x1xf32>
    %eq3A_133 = vector.broadcast %broadcast_in_dim3A_132 : vector<256x1xf32> to vector<256x4096xf32>
    %eq3A_134 = arith.cmpf oeq, %select_n3A_129, %eq3A_133 : vector<256x4096xf32>
    %jit3A_135 = arith.constant 4.096000e+03 : f32
    %broadcast_in_dim3A_136 = vector.broadcast %jit3A_135 : f32 to vector<256x4096xf32>
    %select_n3A_137 = arith.select %eq3A_134, %convert_element_type3A_21, %broadcast_in_dim3A_136 : vector<256x4096xi1>, vector<256x4096xf32>
    %reduce_min3A_138 = arith.constant dense<0x7F800000> : vector<256xf32>
    %reduce_min3A_139 = vector.multi_reduction <minimumf>, %select_n3A_137, %reduce_min3A_138 [1] : vector<256x4096xf32> to vector<256xf32>
    %broadcast_in_dim3A_140 = vector.shape_cast %reduce_min3A_139 : vector<256xf32> to vector<256x1xf32>
    %eq3A_141 = arith.constant 4 : i32
    %eq3A_142 = vector.broadcast %eq3A_141 : i32 to vector<256x8xi32>
    %eq3A_143 = arith.cmpi eq, %iota3A_22, %eq3A_142 : vector<256x8xi32>
    %convert_element_type3A_144 = arith.fptosi %broadcast_in_dim3A_140 : vector<256x1xf32> to vector<256x1xi32>
    %broadcast_in_dim3A_145 = vector.shape_cast %convert_element_type3A_144 : vector<256x1xi32> to vector<256x1xi32>
    %broadcast_in_dim3A_146 = vector.broadcast %broadcast_in_dim3A_145 : vector<256x1xi32> to vector<256x8xi32>
    %select_n3A_147 = arith.select %eq3A_143, %broadcast_in_dim3A_146, %select_n3A_124 : vector<256x8xi1>, vector<256x8xi32>
    %eq3A_148 = vector.broadcast %broadcast_in_dim3A_140 : vector<256x1xf32> to vector<256x4096xf32>
    %eq3A_149 = arith.cmpf oeq, %convert_element_type3A_21, %eq3A_148 : vector<256x4096xf32>
    %jit3A_150 = arith.constant 0x7F800000 : f32
    %broadcast_in_dim3A_151 = vector.broadcast %jit3A_150 : f32 to vector<256x4096xf32>
    %select_n3A_152 = arith.select %eq3A_149, %broadcast_in_dim3A_151, %select_n3A_129 : vector<256x4096xi1>, vector<256x4096xf32>
    %reduce_min3A_153 = arith.constant dense<0x7F800000> : vector<256xf32>
    %reduce_min3A_154 = vector.multi_reduction <minimumf>, %select_n3A_152, %reduce_min3A_153 [1] : vector<256x4096xf32> to vector<256xf32>
    %broadcast_in_dim3A_155 = vector.shape_cast %reduce_min3A_154 : vector<256xf32> to vector<256x1xf32>
    %eq3A_156 = vector.broadcast %broadcast_in_dim3A_155 : vector<256x1xf32> to vector<256x4096xf32>
    %eq3A_157 = arith.cmpf oeq, %select_n3A_152, %eq3A_156 : vector<256x4096xf32>
    %jit3A_158 = arith.constant 4.096000e+03 : f32
    %broadcast_in_dim3A_159 = vector.broadcast %jit3A_158 : f32 to vector<256x4096xf32>
    %select_n3A_160 = arith.select %eq3A_157, %convert_element_type3A_21, %broadcast_in_dim3A_159 : vector<256x4096xi1>, vector<256x4096xf32>
    %reduce_min3A_161 = arith.constant dense<0x7F800000> : vector<256xf32>
    %reduce_min3A_162 = vector.multi_reduction <minimumf>, %select_n3A_160, %reduce_min3A_161 [1] : vector<256x4096xf32> to vector<256xf32>
    %broadcast_in_dim3A_163 = vector.shape_cast %reduce_min3A_162 : vector<256xf32> to vector<256x1xf32>
    %eq3A_164 = arith.constant 5 : i32
    %eq3A_165 = vector.broadcast %eq3A_164 : i32 to vector<256x8xi32>
    %eq3A_166 = arith.cmpi eq, %iota3A_22, %eq3A_165 : vector<256x8xi32>
    %convert_element_type3A_167 = arith.fptosi %broadcast_in_dim3A_163 : vector<256x1xf32> to vector<256x1xi32>
    %broadcast_in_dim3A_168 = vector.shape_cast %convert_element_type3A_167 : vector<256x1xi32> to vector<256x1xi32>
    %broadcast_in_dim3A_169 = vector.broadcast %broadcast_in_dim3A_168 : vector<256x1xi32> to vector<256x8xi32>
    %select_n3A_170 = arith.select %eq3A_166, %broadcast_in_dim3A_169, %select_n3A_147 : vector<256x8xi1>, vector<256x8xi32>
    %eq3A_171 = vector.broadcast %broadcast_in_dim3A_163 : vector<256x1xf32> to vector<256x4096xf32>
    %eq3A_172 = arith.cmpf oeq, %convert_element_type3A_21, %eq3A_171 : vector<256x4096xf32>
    %jit3A_173 = arith.constant 0x7F800000 : f32
    %broadcast_in_dim3A_174 = vector.broadcast %jit3A_173 : f32 to vector<256x4096xf32>
    %select_n3A_175 = arith.select %eq3A_172, %broadcast_in_dim3A_174, %select_n3A_152 : vector<256x4096xi1>, vector<256x4096xf32>
    %reduce_min3A_176 = arith.constant dense<0x7F800000> : vector<256xf32>
    %reduce_min3A_177 = vector.multi_reduction <minimumf>, %select_n3A_175, %reduce_min3A_176 [1] : vector<256x4096xf32> to vector<256xf32>
    %broadcast_in_dim3A_178 = vector.shape_cast %reduce_min3A_177 : vector<256xf32> to vector<256x1xf32>
    %eq3A_179 = vector.broadcast %broadcast_in_dim3A_178 : vector<256x1xf32> to vector<256x4096xf32>
    %eq3A_180 = arith.cmpf oeq, %select_n3A_175, %eq3A_179 : vector<256x4096xf32>
    %jit3A_181 = arith.constant 4.096000e+03 : f32
    %broadcast_in_dim3A_182 = vector.broadcast %jit3A_181 : f32 to vector<256x4096xf32>
    %select_n3A_183 = arith.select %eq3A_180, %convert_element_type3A_21, %broadcast_in_dim3A_182 : vector<256x4096xi1>, vector<256x4096xf32>
    %reduce_min3A_184 = arith.constant dense<0x7F800000> : vector<256xf32>
    %reduce_min3A_185 = vector.multi_reduction <minimumf>, %select_n3A_183, %reduce_min3A_184 [1] : vector<256x4096xf32> to vector<256xf32>
    %broadcast_in_dim3A_186 = vector.shape_cast %reduce_min3A_185 : vector<256xf32> to vector<256x1xf32>
    %eq3A_187 = arith.constant 6 : i32
    %eq3A_188 = vector.broadcast %eq3A_187 : i32 to vector<256x8xi32>
    %eq3A_189 = arith.cmpi eq, %iota3A_22, %eq3A_188 : vector<256x8xi32>
    %convert_element_type3A_190 = arith.fptosi %broadcast_in_dim3A_186 : vector<256x1xf32> to vector<256x1xi32>
    %broadcast_in_dim3A_191 = vector.shape_cast %convert_element_type3A_190 : vector<256x1xi32> to vector<256x1xi32>
    %broadcast_in_dim3A_192 = vector.broadcast %broadcast_in_dim3A_191 : vector<256x1xi32> to vector<256x8xi32>
    %select_n3A_193 = arith.select %eq3A_189, %broadcast_in_dim3A_192, %select_n3A_170 : vector<256x8xi1>, vector<256x8xi32>
    %eq3A_194 = vector.broadcast %broadcast_in_dim3A_186 : vector<256x1xf32> to vector<256x4096xf32>
    %eq3A_195 = arith.cmpf oeq, %convert_element_type3A_21, %eq3A_194 : vector<256x4096xf32>
    %jit3A_196 = arith.constant 0x7F800000 : f32
    %broadcast_in_dim3A_197 = vector.broadcast %jit3A_196 : f32 to vector<256x4096xf32>
    %select_n3A_198 = arith.select %eq3A_195, %broadcast_in_dim3A_197, %select_n3A_175 : vector<256x4096xi1>, vector<256x4096xf32>
    %reduce_min3A_199 = arith.constant dense<0x7F800000> : vector<256xf32>
    %reduce_min3A_200 = vector.multi_reduction <minimumf>, %select_n3A_198, %reduce_min3A_199 [1] : vector<256x4096xf32> to vector<256xf32>
    %broadcast_in_dim3A_201 = vector.shape_cast %reduce_min3A_200 : vector<256xf32> to vector<256x1xf32>
    %eq3A_202 = vector.broadcast %broadcast_in_dim3A_201 : vector<256x1xf32> to vector<256x4096xf32>
    %eq3A_203 = arith.cmpf oeq, %select_n3A_198, %eq3A_202 : vector<256x4096xf32>
    %jit3A_204 = arith.constant 4.096000e+03 : f32
    %broadcast_in_dim3A_205 = vector.broadcast %jit3A_204 : f32 to vector<256x4096xf32>
    %select_n3A_206 = arith.select %eq3A_203, %convert_element_type3A_21, %broadcast_in_dim3A_205 : vector<256x4096xi1>, vector<256x4096xf32>
    %reduce_min3A_207 = arith.constant dense<0x7F800000> : vector<256xf32>
    %reduce_min3A_208 = vector.multi_reduction <minimumf>, %select_n3A_206, %reduce_min3A_207 [1] : vector<256x4096xf32> to vector<256xf32>
    %broadcast_in_dim3A_209 = vector.shape_cast %reduce_min3A_208 : vector<256xf32> to vector<256x1xf32>
    %eq3A_210 = arith.constant 7 : i32
    %eq3A_211 = vector.broadcast %eq3A_210 : i32 to vector<256x8xi32>
    %eq3A_212 = arith.cmpi eq, %iota3A_22, %eq3A_211 : vector<256x8xi32>
    %convert_element_type3A_213 = arith.fptosi %broadcast_in_dim3A_209 : vector<256x1xf32> to vector<256x1xi32>
    %broadcast_in_dim3A_214 = vector.shape_cast %convert_element_type3A_213 : vector<256x1xi32> to vector<256x1xi32>
    %broadcast_in_dim3A_215 = vector.broadcast %broadcast_in_dim3A_214 : vector<256x1xi32> to vector<256x8xi32>
    %select_n3A_216 = arith.select %eq3A_212, %broadcast_in_dim3A_215, %select_n3A_193 : vector<256x8xi1>, vector<256x8xi32>
    %swap3A = arith.constant 0 : index
    %swap3A_217 = arith.constant 0 : index
    %swap3A_218 = vector.load %arg2[%swap3A, %swap3A_217] : memref<256x8xi32, #tpu.memory_space<vmem>>, vector<256x8xi32>
    tpu.vector_store %arg2[%swap3A, %swap3A_217], %select_n3A_216 {strides = array<i32>} : memref<256x8xi32, #tpu.memory_space<vmem>>, vector<256x8xi32>,
    return
  }
  func.func @transform_0(%arg0: i32) -> (i32, i32) {
    %c0_i32 = arith.constant 0 : i32
    %c0_i32_0 = arith.constant 0 : i32
    %c0_i32_1 = arith.constant 0 : i32
    return %c0_i32, %c0_i32_0 : i32, i32
  }
  func.func @transform_1(%arg0: i32) -> (i32, i32) {
    %c0_i32 = arith.constant 0 : i32
    %c0_i32_0 = arith.constant 0 : i32
    return %arg0, %c0_i32 : i32, i32
  }
}

module attributes {stable_mosaic.version = 14 : i64} {
  func.func @_knn_kernel(%arg0: i32, %arg1: memref<4096x512xf32, #tpu.memory_space<vmem>>, %arg2: memref<256x8xi32, #tpu.memory_space<vmem>>, %arg3: memref<1x4096xf32, #tpu.memory_space<vmem>>) attributes {dimension_semantics = [#tpu.dimension_semantics<arbitrary>], iteration_bounds = array<i64: 16>, scalar_prefetch = 0 : i64, scratch_operands = 1 : i64, tpu.core_type = #tpu.core_type<tc>, window_params = [{pipeline_mode = #tpu.pipeline_mode<synchronous>, transform_indices = @transform_0, window_bounds = array<i64: 4096, 512>}, {transform_indices = @transform_1, window_bounds = array<i64: 256, 8>}]} {
    %add3A = arith.constant 0 : i32
    %add3A_0 = arith.addi %arg0, %add3A : i32
    %eq3A = arith.constant 0 : i32
    %eq3A_1 = arith.cmpi eq, %arg0, %eq3A : i32
    %get3A = arith.constant 0 : index
    %get3A_2 = arith.constant 0 : index
    %get3A_3 = vector.load %arg1[%get3A, %get3A_2] : memref<4096x512xf32, #tpu.memory_space<vmem>>, vector<4096x512xf32>
    %convert_element_type3A = arith.extui %eq3A_1 : i1 to i32
    %cond3A = arith.constant 0 : i32
    %cond3A_4 = arith.cmpi ne, %convert_element_type3A, %cond3A : i32
    scf.if %cond3A_4 {
      %mul3A_219 = arith.mulf %get3A_3, %get3A_3 : vector<4096x512xf32>
      %reduce_sum3A_220 = arith.constant dense<0.000000e+00> : vector<4096xf32>
      %reduce_sum3A_221 = vector.multi_reduction <add>, %mul3A_219, %reduce_sum3A_220 [1] : vector<4096x512xf32> to vector<4096xf32>
      %broadcast_in_dim3A_222 = vector.shape_cast %reduce_sum3A_221 : vector<4096xf32> to vector<4096x1xf32>
      %transpose3A = tpu.transpose %broadcast_in_dim3A_222, [1, 0] : vector<4096x1xf32> -> vector<1x4096xf32>
      %swap3A_223 = arith.constant 0 : index
      %swap3A_224 = arith.constant 0 : index
      %swap3A_225 = vector.load %arg3[%swap3A_223, %swap3A_224] : memref<1x4096xf32, #tpu.memory_space<vmem>>, vector<1x4096xf32>
      tpu.vector_store %arg3[%swap3A_223, %swap3A_224], %transpose3A {strides = array<i32>} : memref<1x4096xf32, #tpu.memory_space<vmem>>, vector<1x4096xf32>,
    } else {
    }
    %get3A_5 = arith.constant 0 : index
    %get3A_6 = arith.constant 0 : index
    %get3A_7 = vector.load %arg3[%get3A_5, %get3A_6] : memref<1x4096xf32, #tpu.memory_space<vmem>>, vector<1x4096xf32>
    %mul3A = arith.constant 256 : i32
    %mul3A_8 = arith.muli %add3A_0, %mul3A : i32
    %get3A_9 = arith.index_cast %mul3A_8 : i32 to index
    %get3A_10 = arith.constant 0 : index
    %get3A_11 = vector.load %arg1[%get3A_9, %get3A_10] : memref<4096x512xf32, #tpu.memory_space<vmem>>, vector<256x512xf32>
    %mul3A_12 = arith.mulf %get3A_11, %get3A_11 : vector<256x512xf32>
    %reduce_sum3A = arith.constant dense<0.000000e+00> : vector<256xf32>
    %reduce_sum3A_13 = vector.multi_reduction <add>, %mul3A_12, %reduce_sum3A [1] : vector<256x512xf32> to vector<256xf32>
    %broadcast_in_dim3A = vector.shape_cast %reduce_sum3A_13 : vector<256xf32> to vector<256x1xf32>
    %dot_general3A = arith.constant dense<0.000000e+00> : vector<256x4096xf32>
    %dot_general3A_14 = tpu.matmul %get3A_11, %get3A_3, %dot_general3A {dimension_numbers = #tpu.dot_dimension_numbers<[1], [1], [0], [0], [0, 0, 1, 0], [], []>, transpose_lhs_hint = false} : vector<256x512xf32>, vector<4096x512xf32>, vector<256x4096xf32> -> vector<256x4096xf32>
    %add3A_15 = vector.broadcast %broadcast_in_dim3A : vector<256x1xf32> to vector<256x4096xf32>
    %add3A_16 = vector.broadcast %get3A_7 : vector<1x4096xf32> to vector<256x4096xf32>
    %add3A_17 = arith.addf %add3A_15, %add3A_16 : vector<256x4096xf32>
    %mul3A_18 = arith.constant 2.000000e+00 : f32
    %mul3A_19 = vector.broadcast %mul3A_18 : f32 to vector<256x4096xf32>
    %mul3A_20 = arith.mulf %mul3A_19, %dot_general3A_14 : vector<256x4096xf32>
    %sub3A = arith.subf %add3A_17, %mul3A_20 : vector<256x4096xf32>
    %iota3A = tpu.iota {dimensions = array<i32: 1>} : vector<256x4096xi32>
    %convert_element_type3A_21 = arith.sitofp %iota3A : vector<256x4096xi32> to vector<256x4096xf32>
    %iota3A_22 = tpu.iota {dimensions = array<i32: 1>} : vector<256x8xi32>
    %broadcast_in_dim3A_23 = arith.constant 0 : i32
    %broadcast_in_dim3A_24 = vector.broadcast %broadcast_in_dim3A_23 : i32 to vector<256x8xi32>
    %reduce_min3A = arith.constant dense<0x7F800000> : vector<256xf32>
    %reduce_min3A_25 = vector.multi_reduction <minimumf>, %sub3A, %reduce_min3A [1] : vector<256x4096xf32> to vector<256xf32>
    %broadcast_in_dim3A_26 = vector.shape_cast %reduce_min3A_25 : vector<256xf32> to vector<256x1xf32>
    %eq3A_27 = vector.broadcast %broadcast_in_dim3A_26 : vector<256x1xf32> to vector<256x4096xf32>
    %eq3A_28 = arith.cmpf oeq, %sub3A, %eq3A_27 : vector<256x4096xf32>
    %jit3A = arith.constant 4.096000e+03 : f32
    %broadcast_in_dim3A_29 = vector.broadcast %jit3A : f32 to vector<256x4096xf32>
    %select_n3A = arith.select %eq3A_28, %convert_element_type3A_21, %broadcast_in_dim3A_29 : vector<256x4096xi1>, vector<256x4096xf32>
    %reduce_min3A_30 = arith.constant dense<0x7F800000> : vector<256xf32>
    %reduce_min3A_31 = vector.multi_reduction <minimumf>, %select_n3A, %reduce_min3A_30 [1] : vector<256x4096xf32> to vector<256xf32>
    %broadcast_in_dim3A_32 = vector.shape_cast %reduce_min3A_31 : vector<256xf32> to vector<256x1xf32>
    %eq3A_33 = vector.broadcast %broadcast_in_dim3A_32 : vector<256x1xf32> to vector<256x4096xf32>
    %eq3A_34 = arith.cmpf oeq, %convert_element_type3A_21, %eq3A_33 : vector<256x4096xf32>
    %jit3A_35 = arith.constant 0x7F800000 : f32
    %broadcast_in_dim3A_36 = vector.broadcast %jit3A_35 : f32 to vector<256x4096xf32>
    %select_n3A_37 = arith.select %eq3A_34, %broadcast_in_dim3A_36, %sub3A : vector<256x4096xi1>, vector<256x4096xf32>
    %reduce_min3A_38 = arith.constant dense<0x7F800000> : vector<256xf32>
    %reduce_min3A_39 = vector.multi_reduction <minimumf>, %select_n3A_37, %reduce_min3A_38 [1] : vector<256x4096xf32> to vector<256xf32>
    %broadcast_in_dim3A_40 = vector.shape_cast %reduce_min3A_39 : vector<256xf32> to vector<256x1xf32>
    %eq3A_41 = vector.broadcast %broadcast_in_dim3A_40 : vector<256x1xf32> to vector<256x4096xf32>
    %eq3A_42 = arith.cmpf oeq, %select_n3A_37, %eq3A_41 : vector<256x4096xf32>
    %jit3A_43 = arith.constant 4.096000e+03 : f32
    %broadcast_in_dim3A_44 = vector.broadcast %jit3A_43 : f32 to vector<256x4096xf32>
    %select_n3A_45 = arith.select %eq3A_42, %convert_element_type3A_21, %broadcast_in_dim3A_44 : vector<256x4096xi1>, vector<256x4096xf32>
    %reduce_min3A_46 = arith.constant dense<0x7F800000> : vector<256xf32>
    %reduce_min3A_47 = vector.multi_reduction <minimumf>, %select_n3A_45, %reduce_min3A_46 [1] : vector<256x4096xf32> to vector<256xf32>
    %broadcast_in_dim3A_48 = vector.shape_cast %reduce_min3A_47 : vector<256xf32> to vector<256x1xf32>
    %eq3A_49 = arith.constant 0 : i32
    %eq3A_50 = vector.broadcast %eq3A_49 : i32 to vector<256x8xi32>
    %eq3A_51 = arith.cmpi eq, %iota3A_22, %eq3A_50 : vector<256x8xi32>
    %convert_element_type3A_52 = arith.fptosi %broadcast_in_dim3A_48 : vector<256x1xf32> to vector<256x1xi32>
    %broadcast_in_dim3A_53 = vector.shape_cast %convert_element_type3A_52 : vector<256x1xi32> to vector<256x1xi32>
    %broadcast_in_dim3A_54 = vector.broadcast %broadcast_in_dim3A_53 : vector<256x1xi32> to vector<256x8xi32>
    %select_n3A_55 = arith.select %eq3A_51, %broadcast_in_dim3A_54, %broadcast_in_dim3A_24 : vector<256x8xi1>, vector<256x8xi32>
    %eq3A_56 = vector.broadcast %broadcast_in_dim3A_48 : vector<256x1xf32> to vector<256x4096xf32>
    %eq3A_57 = arith.cmpf oeq, %convert_element_type3A_21, %eq3A_56 : vector<256x4096xf32>
    %jit3A_58 = arith.constant 0x7F800000 : f32
    %broadcast_in_dim3A_59 = vector.broadcast %jit3A_58 : f32 to vector<256x4096xf32>
    %select_n3A_60 = arith.select %eq3A_57, %broadcast_in_dim3A_59, %select_n3A_37 : vector<256x4096xi1>, vector<256x4096xf32>
    %reduce_min3A_61 = arith.constant dense<0x7F800000> : vector<256xf32>
    %reduce_min3A_62 = vector.multi_reduction <minimumf>, %select_n3A_60, %reduce_min3A_61 [1] : vector<256x4096xf32> to vector<256xf32>
    %broadcast_in_dim3A_63 = vector.shape_cast %reduce_min3A_62 : vector<256xf32> to vector<256x1xf32>
    %eq3A_64 = vector.broadcast %broadcast_in_dim3A_63 : vector<256x1xf32> to vector<256x4096xf32>
    %eq3A_65 = arith.cmpf oeq, %select_n3A_60, %eq3A_64 : vector<256x4096xf32>
    %jit3A_66 = arith.constant 4.096000e+03 : f32
    %broadcast_in_dim3A_67 = vector.broadcast %jit3A_66 : f32 to vector<256x4096xf32>
    %select_n3A_68 = arith.select %eq3A_65, %convert_element_type3A_21, %broadcast_in_dim3A_67 : vector<256x4096xi1>, vector<256x4096xf32>
    %reduce_min3A_69 = arith.constant dense<0x7F800000> : vector<256xf32>
    %reduce_min3A_70 = vector.multi_reduction <minimumf>, %select_n3A_68, %reduce_min3A_69 [1] : vector<256x4096xf32> to vector<256xf32>
    %broadcast_in_dim3A_71 = vector.shape_cast %reduce_min3A_70 : vector<256xf32> to vector<256x1xf32>
    %eq3A_72 = arith.constant 1 : i32
    %eq3A_73 = vector.broadcast %eq3A_72 : i32 to vector<256x8xi32>
    %eq3A_74 = arith.cmpi eq, %iota3A_22, %eq3A_73 : vector<256x8xi32>
    %convert_element_type3A_75 = arith.fptosi %broadcast_in_dim3A_71 : vector<256x1xf32> to vector<256x1xi32>
    %broadcast_in_dim3A_76 = vector.shape_cast %convert_element_type3A_75 : vector<256x1xi32> to vector<256x1xi32>
    %broadcast_in_dim3A_77 = vector.broadcast %broadcast_in_dim3A_76 : vector<256x1xi32> to vector<256x8xi32>
    %select_n3A_78 = arith.select %eq3A_74, %broadcast_in_dim3A_77, %select_n3A_55 : vector<256x8xi1>, vector<256x8xi32>
    %eq3A_79 = vector.broadcast %broadcast_in_dim3A_71 : vector<256x1xf32> to vector<256x4096xf32>
    %eq3A_80 = arith.cmpf oeq, %convert_element_type3A_21, %eq3A_79 : vector<256x4096xf32>
    %jit3A_81 = arith.constant 0x7F800000 : f32
    %broadcast_in_dim3A_82 = vector.broadcast %jit3A_81 : f32 to vector<256x4096xf32>
    %select_n3A_83 = arith.select %eq3A_80, %broadcast_in_dim3A_82, %select_n3A_60 : vector<256x4096xi1>, vector<256x4096xf32>
    %reduce_min3A_84 = arith.constant dense<0x7F800000> : vector<256xf32>
    %reduce_min3A_85 = vector.multi_reduction <minimumf>, %select_n3A_83, %reduce_min3A_84 [1] : vector<256x4096xf32> to vector<256xf32>
    %broadcast_in_dim3A_86 = vector.shape_cast %reduce_min3A_85 : vector<256xf32> to vector<256x1xf32>
    %eq3A_87 = vector.broadcast %broadcast_in_dim3A_86 : vector<256x1xf32> to vector<256x4096xf32>
    %eq3A_88 = arith.cmpf oeq, %select_n3A_83, %eq3A_87 : vector<256x4096xf32>
    %jit3A_89 = arith.constant 4.096000e+03 : f32
    %broadcast_in_dim3A_90 = vector.broadcast %jit3A_89 : f32 to vector<256x4096xf32>
    %select_n3A_91 = arith.select %eq3A_88, %convert_element_type3A_21, %broadcast_in_dim3A_90 : vector<256x4096xi1>, vector<256x4096xf32>
    %reduce_min3A_92 = arith.constant dense<0x7F800000> : vector<256xf32>
    %reduce_min3A_93 = vector.multi_reduction <minimumf>, %select_n3A_91, %reduce_min3A_92 [1] : vector<256x4096xf32> to vector<256xf32>
    %broadcast_in_dim3A_94 = vector.shape_cast %reduce_min3A_93 : vector<256xf32> to vector<256x1xf32>
    %eq3A_95 = arith.constant 2 : i32
    %eq3A_96 = vector.broadcast %eq3A_95 : i32 to vector<256x8xi32>
    %eq3A_97 = arith.cmpi eq, %iota3A_22, %eq3A_96 : vector<256x8xi32>
    %convert_element_type3A_98 = arith.fptosi %broadcast_in_dim3A_94 : vector<256x1xf32> to vector<256x1xi32>
    %broadcast_in_dim3A_99 = vector.shape_cast %convert_element_type3A_98 : vector<256x1xi32> to vector<256x1xi32>
    %broadcast_in_dim3A_100 = vector.broadcast %broadcast_in_dim3A_99 : vector<256x1xi32> to vector<256x8xi32>
    %select_n3A_101 = arith.select %eq3A_97, %broadcast_in_dim3A_100, %select_n3A_78 : vector<256x8xi1>, vector<256x8xi32>
    %eq3A_102 = vector.broadcast %broadcast_in_dim3A_94 : vector<256x1xf32> to vector<256x4096xf32>
    %eq3A_103 = arith.cmpf oeq, %convert_element_type3A_21, %eq3A_102 : vector<256x4096xf32>
    %jit3A_104 = arith.constant 0x7F800000 : f32
    %broadcast_in_dim3A_105 = vector.broadcast %jit3A_104 : f32 to vector<256x4096xf32>
    %select_n3A_106 = arith.select %eq3A_103, %broadcast_in_dim3A_105, %select_n3A_83 : vector<256x4096xi1>, vector<256x4096xf32>
    %reduce_min3A_107 = arith.constant dense<0x7F800000> : vector<256xf32>
    %reduce_min3A_108 = vector.multi_reduction <minimumf>, %select_n3A_106, %reduce_min3A_107 [1] : vector<256x4096xf32> to vector<256xf32>
    %broadcast_in_dim3A_109 = vector.shape_cast %reduce_min3A_108 : vector<256xf32> to vector<256x1xf32>
    %eq3A_110 = vector.broadcast %broadcast_in_dim3A_109 : vector<256x1xf32> to vector<256x4096xf32>
    %eq3A_111 = arith.cmpf oeq, %select_n3A_106, %eq3A_110 : vector<256x4096xf32>
    %jit3A_112 = arith.constant 4.096000e+03 : f32
    %broadcast_in_dim3A_113 = vector.broadcast %jit3A_112 : f32 to vector<256x4096xf32>
    %select_n3A_114 = arith.select %eq3A_111, %convert_element_type3A_21, %broadcast_in_dim3A_113 : vector<256x4096xi1>, vector<256x4096xf32>
    %reduce_min3A_115 = arith.constant dense<0x7F800000> : vector<256xf32>
    %reduce_min3A_116 = vector.multi_reduction <minimumf>, %select_n3A_114, %reduce_min3A_115 [1] : vector<256x4096xf32> to vector<256xf32>
    %broadcast_in_dim3A_117 = vector.shape_cast %reduce_min3A_116 : vector<256xf32> to vector<256x1xf32>
    %eq3A_118 = arith.constant 3 : i32
    %eq3A_119 = vector.broadcast %eq3A_118 : i32 to vector<256x8xi32>
    %eq3A_120 = arith.cmpi eq, %iota3A_22, %eq3A_119 : vector<256x8xi32>
    %convert_element_type3A_121 = arith.fptosi %broadcast_in_dim3A_117 : vector<256x1xf32> to vector<256x1xi32>
    %broadcast_in_dim3A_122 = vector.shape_cast %convert_element_type3A_121 : vector<256x1xi32> to vector<256x1xi32>
    %broadcast_in_dim3A_123 = vector.broadcast %broadcast_in_dim3A_122 : vector<256x1xi32> to vector<256x8xi32>
    %select_n3A_124 = arith.select %eq3A_120, %broadcast_in_dim3A_123, %select_n3A_101 : vector<256x8xi1>, vector<256x8xi32>
    %eq3A_125 = vector.broadcast %broadcast_in_dim3A_117 : vector<256x1xf32> to vector<256x4096xf32>
    %eq3A_126 = arith.cmpf oeq, %convert_element_type3A_21, %eq3A_125 : vector<256x4096xf32>
    %jit3A_127 = arith.constant 0x7F800000 : f32
    %broadcast_in_dim3A_128 = vector.broadcast %jit3A_127 : f32 to vector<256x4096xf32>
    %select_n3A_129 = arith.select %eq3A_126, %broadcast_in_dim3A_128, %select_n3A_106 : vector<256x4096xi1>, vector<256x4096xf32>
    %reduce_min3A_130 = arith.constant dense<0x7F800000> : vector<256xf32>
    %reduce_min3A_131 = vector.multi_reduction <minimumf>, %select_n3A_129, %reduce_min3A_130 [1] : vector<256x4096xf32> to vector<256xf32>
    %broadcast_in_dim3A_132 = vector.shape_cast %reduce_min3A_131 : vector<256xf32> to vector<256x1xf32>
    %eq3A_133 = vector.broadcast %broadcast_in_dim3A_132 : vector<256x1xf32> to vector<256x4096xf32>
    %eq3A_134 = arith.cmpf oeq, %select_n3A_129, %eq3A_133 : vector<256x4096xf32>
    %jit3A_135 = arith.constant 4.096000e+03 : f32
    %broadcast_in_dim3A_136 = vector.broadcast %jit3A_135 : f32 to vector<256x4096xf32>
    %select_n3A_137 = arith.select %eq3A_134, %convert_element_type3A_21, %broadcast_in_dim3A_136 : vector<256x4096xi1>, vector<256x4096xf32>
    %reduce_min3A_138 = arith.constant dense<0x7F800000> : vector<256xf32>
    %reduce_min3A_139 = vector.multi_reduction <minimumf>, %select_n3A_137, %reduce_min3A_138 [1] : vector<256x4096xf32> to vector<256xf32>
    %broadcast_in_dim3A_140 = vector.shape_cast %reduce_min3A_139 : vector<256xf32> to vector<256x1xf32>
    %eq3A_141 = arith.constant 4 : i32
    %eq3A_142 = vector.broadcast %eq3A_141 : i32 to vector<256x8xi32>
    %eq3A_143 = arith.cmpi eq, %iota3A_22, %eq3A_142 : vector<256x8xi32>
    %convert_element_type3A_144 = arith.fptosi %broadcast_in_dim3A_140 : vector<256x1xf32> to vector<256x1xi32>
    %broadcast_in_dim3A_145 = vector.shape_cast %convert_element_type3A_144 : vector<256x1xi32> to vector<256x1xi32>
    %broadcast_in_dim3A_146 = vector.broadcast %broadcast_in_dim3A_145 : vector<256x1xi32> to vector<256x8xi32>
    %select_n3A_147 = arith.select %eq3A_143, %broadcast_in_dim3A_146, %select_n3A_124 : vector<256x8xi1>, vector<256x8xi32>
    %eq3A_148 = vector.broadcast %broadcast_in_dim3A_140 : vector<256x1xf32> to vector<256x4096xf32>
    %eq3A_149 = arith.cmpf oeq, %convert_element_type3A_21, %eq3A_148 : vector<256x4096xf32>
    %jit3A_150 = arith.constant 0x7F800000 : f32
    %broadcast_in_dim3A_151 = vector.broadcast %jit3A_150 : f32 to vector<256x4096xf32>
    %select_n3A_152 = arith.select %eq3A_149, %broadcast_in_dim3A_151, %select_n3A_129 : vector<256x4096xi1>, vector<256x4096xf32>
    %reduce_min3A_153 = arith.constant dense<0x7F800000> : vector<256xf32>
    %reduce_min3A_154 = vector.multi_reduction <minimumf>, %select_n3A_152, %reduce_min3A_153 [1] : vector<256x4096xf32> to vector<256xf32>
    %broadcast_in_dim3A_155 = vector.shape_cast %reduce_min3A_154 : vector<256xf32> to vector<256x1xf32>
    %eq3A_156 = vector.broadcast %broadcast_in_dim3A_155 : vector<256x1xf32> to vector<256x4096xf32>
    %eq3A_157 = arith.cmpf oeq, %select_n3A_152, %eq3A_156 : vector<256x4096xf32>
    %jit3A_158 = arith.constant 4.096000e+03 : f32
    %broadcast_in_dim3A_159 = vector.broadcast %jit3A_158 : f32 to vector<256x4096xf32>
    %select_n3A_160 = arith.select %eq3A_157, %convert_element_type3A_21, %broadcast_in_dim3A_159 : vector<256x4096xi1>, vector<256x4096xf32>
    %reduce_min3A_161 = arith.constant dense<0x7F800000> : vector<256xf32>
    %reduce_min3A_162 = vector.multi_reduction <minimumf>, %select_n3A_160, %reduce_min3A_161 [1] : vector<256x4096xf32> to vector<256xf32>
    %broadcast_in_dim3A_163 = vector.shape_cast %reduce_min3A_162 : vector<256xf32> to vector<256x1xf32>
    %eq3A_164 = arith.constant 5 : i32
    %eq3A_165 = vector.broadcast %eq3A_164 : i32 to vector<256x8xi32>
    %eq3A_166 = arith.cmpi eq, %iota3A_22, %eq3A_165 : vector<256x8xi32>
    %convert_element_type3A_167 = arith.fptosi %broadcast_in_dim3A_163 : vector<256x1xf32> to vector<256x1xi32>
    %broadcast_in_dim3A_168 = vector.shape_cast %convert_element_type3A_167 : vector<256x1xi32> to vector<256x1xi32>
    %broadcast_in_dim3A_169 = vector.broadcast %broadcast_in_dim3A_168 : vector<256x1xi32> to vector<256x8xi32>
    %select_n3A_170 = arith.select %eq3A_166, %broadcast_in_dim3A_169, %select_n3A_147 : vector<256x8xi1>, vector<256x8xi32>
    %eq3A_171 = vector.broadcast %broadcast_in_dim3A_163 : vector<256x1xf32> to vector<256x4096xf32>
    %eq3A_172 = arith.cmpf oeq, %convert_element_type3A_21, %eq3A_171 : vector<256x4096xf32>
    %jit3A_173 = arith.constant 0x7F800000 : f32
    %broadcast_in_dim3A_174 = vector.broadcast %jit3A_173 : f32 to vector<256x4096xf32>
    %select_n3A_175 = arith.select %eq3A_172, %broadcast_in_dim3A_174, %select_n3A_152 : vector<256x4096xi1>, vector<256x4096xf32>
    %reduce_min3A_176 = arith.constant dense<0x7F800000> : vector<256xf32>
    %reduce_min3A_177 = vector.multi_reduction <minimumf>, %select_n3A_175, %reduce_min3A_176 [1] : vector<256x4096xf32> to vector<256xf32>
    %broadcast_in_dim3A_178 = vector.shape_cast %reduce_min3A_177 : vector<256xf32> to vector<256x1xf32>
    %eq3A_179 = vector.broadcast %broadcast_in_dim3A_178 : vector<256x1xf32> to vector<256x4096xf32>
    %eq3A_180 = arith.cmpf oeq, %select_n3A_175, %eq3A_179 : vector<256x4096xf32>
    %jit3A_181 = arith.constant 4.096000e+03 : f32
    %broadcast_in_dim3A_182 = vector.broadcast %jit3A_181 : f32 to vector<256x4096xf32>
    %select_n3A_183 = arith.select %eq3A_180, %convert_element_type3A_21, %broadcast_in_dim3A_182 : vector<256x4096xi1>, vector<256x4096xf32>
    %reduce_min3A_184 = arith.constant dense<0x7F800000> : vector<256xf32>
    %reduce_min3A_185 = vector.multi_reduction <minimumf>, %select_n3A_183, %reduce_min3A_184 [1] : vector<256x4096xf32> to vector<256xf32>
    %broadcast_in_dim3A_186 = vector.shape_cast %reduce_min3A_185 : vector<256xf32> to vector<256x1xf32>
    %eq3A_187 = arith.constant 6 : i32
    %eq3A_188 = vector.broadcast %eq3A_187 : i32 to vector<256x8xi32>
    %eq3A_189 = arith.cmpi eq, %iota3A_22, %eq3A_188 : vector<256x8xi32>
    %convert_element_type3A_190 = arith.fptosi %broadcast_in_dim3A_186 : vector<256x1xf32> to vector<256x1xi32>
    %broadcast_in_dim3A_191 = vector.shape_cast %convert_element_type3A_190 : vector<256x1xi32> to vector<256x1xi32>
    %broadcast_in_dim3A_192 = vector.broadcast %broadcast_in_dim3A_191 : vector<256x1xi32> to vector<256x8xi32>
    %select_n3A_193 = arith.select %eq3A_189, %broadcast_in_dim3A_192, %select_n3A_170 : vector<256x8xi1>, vector<256x8xi32>
    %eq3A_194 = vector.broadcast %broadcast_in_dim3A_186 : vector<256x1xf32> to vector<256x4096xf32>
    %eq3A_195 = arith.cmpf oeq, %convert_element_type3A_21, %eq3A_194 : vector<256x4096xf32>
    %jit3A_196 = arith.constant 0x7F800000 : f32
    %broadcast_in_dim3A_197 = vector.broadcast %jit3A_196 : f32 to vector<256x4096xf32>
    %select_n3A_198 = arith.select %eq3A_195, %broadcast_in_dim3A_197, %select_n3A_175 : vector<256x4096xi1>, vector<256x4096xf32>
    %reduce_min3A_199 = arith.constant dense<0x7F800000> : vector<256xf32>
    %reduce_min3A_200 = vector.multi_reduction <minimumf>, %select_n3A_198, %reduce_min3A_199 [1] : vector<256x4096xf32> to vector<256xf32>
    %broadcast_in_dim3A_201 = vector.shape_cast %reduce_min3A_200 : vector<256xf32> to vector<256x1xf32>
    %eq3A_202 = vector.broadcast %broadcast_in_dim3A_201 : vector<256x1xf32> to vector<256x4096xf32>
    %eq3A_203 = arith.cmpf oeq, %select_n3A_198, %eq3A_202 : vector<256x4096xf32>
    %jit3A_204 = arith.constant 4.096000e+03 : f32
    %broadcast_in_dim3A_205 = vector.broadcast %jit3A_204 : f32 to vector<256x4096xf32>
    %select_n3A_206 = arith.select %eq3A_203, %convert_element_type3A_21, %broadcast_in_dim3A_205 : vector<256x4096xi1>, vector<256x4096xf32>
    %reduce_min3A_207 = arith.constant dense<0x7F800000> : vector<256xf32>
    %reduce_min3A_208 = vector.multi_reduction <minimumf>, %select_n3A_206, %reduce_min3A_207 [1] : vector<256x4096xf32> to vector<256xf32>
    %broadcast_in_dim3A_209 = vector.shape_cast %reduce_min3A_208 : vector<256xf32> to vector<256x1xf32>
    %eq3A_210 = arith.constant 7 : i32
    %eq3A_211 = vector.broadcast %eq3A_210 : i32 to vector<256x8xi32>
    %eq3A_212 = arith.cmpi eq, %iota3A_22, %eq3A_211 : vector<256x8xi32>
    %convert_element_type3A_213 = arith.fptosi %broadcast_in_dim3A_209 : vector<256x1xf32> to vector<256x1xi32>
    %broadcast_in_dim3A_214 = vector.shape_cast %convert_element_type3A_213 : vector<256x1xi32> to vector<256x1xi32>
    %broadcast_in_dim3A_215 = vector.broadcast %broadcast_in_dim3A_214 : vector<256x1xi32> to vector<256x8xi32>
    %select_n3A_216 = arith.select %eq3A_212, %broadcast_in_dim3A_215, %select_n3A_193 : vector<256x8xi1>, vector<256x8xi32>
    %swap3A = arith.constant 0 : index
    %swap3A_217 = arith.constant 0 : index
    %swap3A_218 = vector.load %arg2[%swap3A, %swap3A_217] : memref<256x8xi32, #tpu.memory_space<vmem>>, vector<256x8xi32>
    tpu.vector_store %arg2[%swap3A, %swap3A_217], %select_n3A_216 {strides = array<i32>} : memref<256x8xi32, #tpu.memory_space<vmem>>, vector<256x8xi32>,
    return
  }
  func.func @transform_0(%arg0: i32) -> (i32, i32) {
    %c0_i32 = arith.constant 0 : i32
    %c0_i32_0 = arith.constant 0 : i32
    %c0_i32_1 = arith.constant 0 : i32
    return %c0_i32, %c0_i32_0 : i32, i32
  }
  func.func @transform_1(%arg0: i32) -> (i32, i32) {
    %c0_i32 = arith.constant 0 : i32
    %c0_i32_0 = arith.constant 0 : i32
    return %arg0, %c0_i32 : i32, i32
  }
}

</mosaic_0001>

<sc_bundles>
// kernel: kernel.7.cloned.1.call-start
scs
__scs_entry_jumppad:
0x0: {  	(pc) =	sbr.rel $0x88, $3  }
0x1: {  	(tag) =	ssettag $0x0;
	lr =	simm.s32 $0x1  }
0x2: {  	[smem:$0x3F9E] =	sst lr;
	_ =	strace $0xD0000000  }
0x3: {  	_ = 	snop  }
0x4: {  	_ = 	snop  }
0x5: {  	_ = 	snop  }
0x6: {  	_ = 	snop  }
0x7: {  	_ = 	snop  }
__scs_overlays_trampoline_lowered:
0x8: {  	[smem:$0x3FAD] =	sst s0  }
0x9: {  	[smem:$0x3FAE] =	sst s1  }
0xa: {  	[smem:$0x3FAF] =	sst s2  }
0xb: {  	[smem:$0x3FB0] =	sst s3  }
0xc: {  	[smem:$0x3FB1] =	sst s4  }
0xd: {  	[smem:$0x3FB2] =	sst s5  }
0xe: {  	[smem:$0x3FB3] =	sst s6  }
0xf: {  	[smem:$0x3FB4] =	sst s7  }
0x10: {  	[smem:$0x3FB5] =	sst s8  }
0x11: {  	[smem:$0x3FB6] =	sst s9;
	s0 =	simm.s32 @!p0 $0x0  }
0x12: {  	s1 =	sld [smem:$0x3F9C];
	s0 =	simm.s32 @p0 $0x1  }
0x13: {  	[smem:$0x3FB7] =	sst s0;
	s0 =	simm.s32 @!p1 $0x0  }
0x14: {  	s2 =	sld [smem:$0x3F9B];
	s0 =	simm.s32 @p1 $0x1  }
0x15: {  	[smem:$0x3FB8] =	sst s0;
	s0 =	simm.s32 @!p2 $0x0  }
0x16: {  	s3 =	sld [smem:$0x3FDB];
	s0 =	simm.s32 @p2 $0x1  }
0x17: {  	s4 =	simm.s32 $0x1BF5;
	[smem:$0x3FBA] =	sst s0  }
0x18: {  	s0 =	sld [smem:$0x3F9D];
	_ =	swait.ge [sflag:s4], $0x0  }
0x19: {  	s7 =	sld [smem:$0x3F9E]  }
0x1a: {  	s8 =	sadd.s32 $0xFFFFE003, lr  }
0x1b: {  	s9 =	sadd.s32 $0xFFFFFEF7, lr;
	s5 =	simm.s32 $0xFFFFFFFF;
	p2 =	slt.u32 s8, $0xFFFFF086  }
0x1c: {  	p1 =	slt.u32 s9, $0xF7A;
	s5 =	simm.s32 @!p2 $0x0  }
0x1d: {  	s5 =	simm.s32 @p1 $0x1;
	p0 =	seq.s32 s7, s2  }
0x1e: {  	s7 =	smul.u32 @!p0 $0xF7A, s2;
	p2 =	seq.s32 @!p0 s5, $0x0  }
0x1f: {  	s9 =	smul.u32 $0xF7A, s1;
	s8 =	simm.s32 @!p0 $0x1BF5;
	p2 =	por !p2, p0  }
0x20: {  	[sflag:s8] =	ssyncset.s32 @!p0 $0xFFFFF086;
	s6 =	sadd.s32 @!p0 s3, s7;
	s7 =	simm.s32 @!p0 $0x108  }
0x21: {  	s3 =	sadd.s32 s3, s9;
	s6 =	sadd.s32 @!p0 $0x88, s6;
	s7 =	simm.s32 @p2 $0x1082  }
0x22: {  	[simem:s7], [sflag:s8] =	dma.local @!p0 [hbm:s6], $0xF7A  }
0x23: {  	s9 =	sor.u32 $0xD0000000, s2;
	s6 =	simm.s32 $0x108;
	_ =	swait.ge @!p0 [sflag:s8], $0x0  }
0x24: {  	s3 =	sadd.s32 $0x88, s3;
	s6 =	simm.s32 @!p1 $0x1082;
	[sflag:s4] =	ssyncset.s32 $0xFFFFF086  }
0x25: {  	[simem:s6], [sflag:s4] =	dma.local [hbm:s3], $0xF7A  }
0x26: {  	[smem:$0x3F9E] =	sst s1;
	(tag) =	ssettag s2;
	_ =	strace s9  }
0x27: {  	s1 =	sld [smem:$0x3FAE]  }
0x28: {  	s2 =	sld [smem:$0x3FAF]  }
0x29: {  	s4 =	sld [smem:$0x3FB1]  }
0x2a: {  	p0 =	seq.s32 s5, $0x0;
	s5 =	sld [smem:$0x3FB2]  }
0x2b: {  	s6 =	sld [smem:$0x3FB3]  }
0x2c: {  	s7 =	sld [smem:$0x3FB4]  }
0x2d: {  	s3 =	simm.s32 $0x108;
	s8 =	sld [smem:$0x3FB5]  }
0x2e: {  	s3 =	simm.s32 @!p0 $0x1082;
	s9 =	sld [smem:$0x3FB6]  }
0x2f: {  	lr =	sadd.s32 s0, s3;
	s0 =	sld [smem:$0x3FAD]  }
0x30: {  	s3 =	sld [smem:$0x3FB0]  }
0x31: {  	[smem:$0x3FB9] =	sst s10  }
0x32: {  	s10 =	sld [smem:$0x3FB7];
	_ =	sdelay $0x3  }
0x33: {  	p0 =	seq.s32 s10, $0x1;
	s10 =	sld [smem:$0x3FB9];
	_ =	sdelay $0x3  }
0x34: {  	[smem:$0x3FB9] =	sst s10  }
0x35: {  	s10 =	sld [smem:$0x3FB8];
	_ =	sdelay $0x3  }
0x36: {  	p1 =	seq.s32 s10, $0x1;
	s10 =	sld [smem:$0x3FB9];
	_ =	sdelay $0x3  }
0x37: {  	[smem:$0x3FB9] =	sst s10  }
0x38: {  	s10 =	sld [smem:$0x3FBA]  }
0x39: {  	_ = 	snop;
	(pc) =	sbr.ind lr, $3  }
0x3a: {  	_ = 	snop  }
0x3b: {  	_ = 	snop  }
0x3c: {  	p2 =	seq.s32 s10, $0x1;
	s10 =	sld [smem:$0x3FB9]  }
0x3d: {  	_ =	shalt  }
0x3e: {  	_ =	shalt  }
0x3f: {  	_ =	shalt  }
0x40: {  	_ =	shalt  }
0x41: {  	_ =	shalt  }
0x42: {  	_ =	shalt  }
0x43: {  	_ =	shalt  }
0x44: {  	_ =	shalt  }
0x45: {  	_ =	shalt  }
0x46: {  	_ =	shalt  }
0x47: {  	_ =	shalt  }
0x48: {  	_ =	shalt  }
0x49: {  	_ =	shalt  }
0x4a: {  	_ =	shalt  }
0x4b: {  	_ =	shalt  }
0x4c: {  	_ =	shalt  }
0x4d: {  	_ =	shalt  }
0x4e: {  	_ =	shalt  }
0x4f: {  	_ =	shalt  }
0x50: {  	_ =	shalt  }
0x51: {  	_ =	shalt  }
0x52: {  	_ =	shalt  }
0x53: {  	_ =	shalt  }
0x54: {  	_ =	shalt  }
0x55: {  	_ =	shalt  }
0x56: {  	_ =	shalt  }
0x57: {  	_ =	shalt  }
0x58: {  	_ =	shalt  }
0x59: {  	_ =	shalt  }
0x5a: {  	_ =	shalt  }
0x5b: {  	_ =	shalt  }
0x5c: {  	_ =	shalt  }
0x5d: {  	_ =	shalt  }
0x5e: {  	_ =	shalt  }
0x5f: {  	_ =	shalt  }
0x60: {  	_ =	shalt  }
0x61: {  	_ =	shalt  }
0x62: {  	_ =	shalt  }
0x63: {  	_ =	shalt  }
0x64: {  	_ =	shalt  }
0x65: {  	_ =	shalt  }
0x66: {  	_ =	shalt  }
0x67: {  	_ =	shalt  }
0x68: {  	_ =	shalt  }
0x69: {  	_ =	shalt  }
0x6a: {  	_ =	shalt  }
0x6b: {  	_ =	shalt  }
0x6c: {  	_ =	shalt  }
0x6d: {  	_ =	shalt  }
0x6e: {  	_ =	shalt  }
0x6f: {  	_ =	shalt  }
0x70: {  	_ =	shalt  }
0x71: {  	_ =	shalt  }
0x72: {  	_ =	shalt  }
0x73: {  	_ =	shalt  }
0x74: {  	_ =	shalt  }
0x75: {  	_ =	shalt  }
0x76: {  	_ =	shalt  }
0x77: {  	_ =	shalt  }
0x78: {  	_ =	shalt  }
0x79: {  	_ =	shalt  }
0x7a: {  	_ =	shalt  }
0x7b: {  	_ =	shalt  }
0x7c: {  	_ =	shalt  }
0x7d: {  	_ =	shalt  }
0x7e: {  	_ =	shalt  }
0x7f: {  	_ =	shalt  }
0x80: {  	_ =	shalt  }
0x81: {  	_ =	shalt  }
0x82: {  	_ =	shalt  }
0x83: {  	_ =	shalt  }
0x84: {  	_ =	shalt  }
0x85: {  	_ =	shalt  }
0x86: {  	_ =	shalt  }
0x87: {  	_ =	shalt  }
.Lfunc_end0:
.L_simem_size_0:
called_computation_lowered:
.L_overlay_start_0:
0x88: {  	s2 =	sld [smem:$0x3FD9]  }
0x89: {  	s3 =	sld [smem:$0x3FFE];
	_ =	sdelay $0x1  }
0x8a: {  	s1 =	srdreg.scid  }
0x8b: {  	s0 =	sand.u32 $0x1, s1  }
0x8c: {  	s14 =	sshll.u32 s0, $0xA;
	s2 =	sadd.s32 s3, s2  }
0x8d: {  	s2 =	sadd.s32 s2, s14  }
0x8e: {  	[smem:$0x3FC5] =	sst s2  }
0x8f: {  	_ = 	snop  }
0x90: {  	s2 =	sld [smem:$0x3FD0];
	_ =	sdelay $0x2  }
0x91: {  	s15 =	simm.s32 $0xA;
	s4 =	simm.s32 $0x10  }
0x92: {  	[smem:s4], [sflag:s15] =	dma.local [hbm:s2], $0x1  }
0x93: {  	_ =	swait.eq [sflag:s15], $0x1  }
0x94: {  	[sflag:s15] =	ssyncset.done $0x0  }
0x95: {  	[sflag:s15] =	ssyncadd.s32 $0xFFFFFFFF  }
0x96: {  	s16 =	sld [smem:$0x11];
	(tm) =	ssettm $0x1  }
0x97: {  	s17 =	sld [smem:$0x3FFB];
	_ =	sdelay $0x3  }
0x98: {  	_ =	strace s17  }
0x99: {  	s3 =	sld [smem:$0x3FFC];
	_ =	sdelay $0x3  }
0x9a: {  	_ =	strace s3  }
0x9b: {  	s3 =	sld [smem:$0x3FFD];
	_ =	sdelay $0x3  }
0x9c: {  	_ =	strace s3  }
0x9d: {  	_ =	strace $0x8FFFFFFF  }
0x9e: {  	s18 =	sld [smem:$0x3FDB];
	_ =	sdelay $0x1  }
0x9f: {  	s19 =	simm.s32 $_scs_section_size  }
0xa0: {  	s5 =	simm.s32 $_size__tile_overlayer_lowered;
	s6 =	simm.s32 $_tile_overlayer_lowered  }
0xa1: {  	s22 =	simm.s32 $0x1BFF;
	s21 =	sshll.u32 s6, $0x1;
	s3 =	sadd.s32 s19, s18  }
0xa2: {  	s7 =	simm.s32 $0x0;
	s20 =	sshll.u32 s5, $0x1;
	s5 =	sadd.s32 s21, s3  }
0xa3: {  	[timem:s7], [sflag:s22] =	dma.local [hbm:s5], s20  }
0xa4: {  	_ =	swait.ge [sflag:s22], s20  }
0xa5: {  	s4 =	ssub.s32 $0x0, s20;
	[sflag:s22] =	ssyncset.done $0x0  }
0xa6: {  	[sflag:s22] =	ssyncadd.s32 s4;
	_ =	sdelay $0x1  }
0xa7: {  	s23 =	simm.s32 $0x1B8B  }
0xa8: {  	_ =	swait.ge [sflag:s23], $0x1  }
0xa9: {  	[sflag:s23] =	ssyncset.done $0x0  }
0xaa: {  	s25 =	simm.s32 $0x1B8E;
	s24 =	sld [smem:$0x3FFE];
	[sflag:s23] =	ssyncadd.s32 $0xFFFFFFFF  }
0xab: {  	s26 =	simm.s32 $execute0_lowered;
	[smem:$0x3FD2] =	sst s25  }
0xac: {  	s5 =	sshll.u32 s26, $0x1;
	_ =	strace $0x80000046;
	[dreg:$0x1] =	wrdreg $0xFFFFFFFF  }
0xad: {  	s28 =	simm.s32 $_size_execute0_lowered;
	s3 =	sadd.s32 s3, s5;
	[dreg:$0x0] =	wrdreg $0x0  }
0xae: {  	s5 =	sshll.u32 s28, $0x1;
	[dreg:$0x2] =	wrdreg s3  }
0xaf: {  	[dreg:$0x3] =	wrdreg s5  }
0xb0: {  	[dreg:$0x4] =	wrdreg $0xC0  }
0xb1: {  	_ =	task [dreg:s7], $0x5FFFF  }
0xb2: {  	[dreg:$0x1] =	wrdreg $0xFFFFFFFF  }
0xb3: {  	[dreg:$0x0] =	wrdreg $0x60  }
0xb4: {  	[dreg:$0x2] =	wrdreg s24  }
0xb5: {  	[dreg:$0x3] =	wrdreg s16  }
0xb6: {  	[dreg:$0x4] =	wrdreg $0x9  }
0xb7: {  	_ =	task.clear_ibuf [dreg:s7], $0x5FFFF;
	_ =	strace $0x90000046  }
0xb8: {  	s29 =	simm.s32 $0x9;
	_ =	strace $0x80000048  }
0xb9: {  	_ =	swait.ge [sflag:s29], $0x1  }
0xba: {  	[sflag:s29] =	ssyncadd.s32 $0xFFFFFFFF  }
0xbb: {  	_ =	strace $0x90000048  }
0xbc: {  	_ =	sfence  }
0xbd: {  	s30 =	sld [smem:$0x0];
	_ =	sdelay $0x2  }
0xbe: {  	s31 =	sshll.u32 s1, $0xD;
	s1 =	sshrl.u32 s1, $0x2  }
0xbf: {  	s3 =	sand.u32 $0x4000, s31;
	s1 =	sadd.s32 s1, s30  }
0xc0: {  	s0 =	sor.u32 s3, s0;
	s1 =	sshll.u32 s1, $0x11  }
0xc1: {  	s0 =	sor.u32 s1, s0  }
0xc2: {  	s0 =	sadd.s32 $0x8F2B, s0  }
0xc3: {  	[sflag:s0] =	ssyncadd.remote.s32 $0x1  }
0xc4: {  	_ =	sfence.sel $0xFFFF  }
0xc5: {  	[dreg:$0x0] =	wrdreg $0xFFFFFFFF;
	(pc) =	sbr.abs _section_cstart, $3  }
0xc6: {  	[dreg:$0x1] =	wrdreg $0xFFFFFFFF  }
0xc7: {  	_ =	task.clear_ibuf [dreg:s7], $0x2FFFF;
	_ =	strace $0x9FFFFFFF  }
0xc8: {  	(tm) =	ssettm $0x7FFFFFFF  }
0xc9: {  	_ =	shalt  }
tec
execute0_lowered:
.L_overlay_start_1:
0x0: {  	(tag) =	ssettag $0x1  }
0x1: {  	s3 =	rddreg [dreg:$0x0]  }
0x2: {  	s1 =	srdreg.scid;
	s0 =	stileid.u32  }
0x3: {  	s4 =	rddreg [dreg:$0x1];
	s2 =	simm.s32 $0x0;
	s8 =	simm.s32 $0x1  }
0x4: {  	s9 =	simm.s32 $0x1000;
	s10 =	simm.s32 $0x1100;
	s11 =	simm.s32 $0x1200  }
0x5: {  	s5 =	sand.u32 $0x1, s1;
	s6 =	sshll.u32 s0, $0x1;
	s1 =	rddreg [dreg:$0x2]  }
0x6: {  	vm0 =	vcmask $0x1F24;
	v0 =	vlaneseq.u32;
	s12 =	simm.s32 $0x0;
	[smem:$0x7FF] =	sst s2;
	s6 =	sor.u32 s5, s6  }
0x7: {  	v1 =	vimm.f32 $+Inf;
	v2 =	vimm.s32 $0x40000000;
	v4 =	vimm.s32 $0x0;
	s5 =	ssub.s32 $0x2, s5;
	_ =	strace $0x80000047;
	s7 =	sshll.u32 s6, $0xF  }
0x8: {  	vm1 =	vcmask $0x300;
	vm2 =	vcmask $0x704;
	vm3 =	vcmask $0x724;
	s31 =	sshrl.u32 s5, $0x1;
	s6 =	sshll.u32 s6, $0x7;
	s3 =	sadd.s32 s7, s3  }
0x9: {  	vm4 =	vcmask $0xB24;
	vm5 =	vcmask $0xF24;
	vm6 =	vcmask $0x1324;
	s5 =	ssub.s32 s5, s31;
	s4 =	sadd.s32 s4, s6;
	s6 =	simm.s32 $0x80  }
0xa: {  	vm7 =	vcmask $0x1724;
	vm8 =	vcmask $0x1B24;
	v3 =	vmul.u32 $0x10, v0;
	s7 =	simm.s32 $0x400;
	s3 =	sadd.s32 $0xC00, s3;
	s5 =	smax.u32 s5, $0x1  }
.LBB2_1:
0xb: {  	s13 =	simm.s32 $0x0  }
.LBB2_2:
0xc: {  	s14 =	sshll.u32 s13, $0x9  }
0xd: {  	s15 =	sand.u32 $0x7000, s14;
	s14 =	sshll.u32 s13, $0x4  }
0xe: {  	s16 =	sand.u32 $0x70, s14;
	s15 =	sadd.s32 s15, s3  }
0xf: {  	s31 =	simm.s32 $0x0;
	s15 =	sadd.s32 s16, s15  }
0x10: {  	[tilespmem:s31], [sflag:$0x1] =	stream.strided.gather [hbm4b:s15+s6], $0x1000, s7, s6, $0x38;
	[tilespmem:$0x1600] =	vst v63  }
0x11: {  	_ =	swait.ge [sflag:s8], $0x1000  }
0x12: {  	[sflag:s8] =	ssyncset.done $0x0  }
0x13: {  	s17 =	simm.s32 $0x0;
	[sflag:s8] =	ssyncadd.s32 $0xFFFFF000  }
0x14: {  	v7 =	vld [tilespmem:s17+$0x0]  }
0x15: {  	v8 =	vld [tilespmem:s17+$0x10]  }
0x16: {  	v9 =	vld [tilespmem:s17+$0x20]  }
0x17: {  	v5 =	vld [tilespmem:s17+$0x30]  }
0x18: {  	v10 =	vimm.f32 $+Inf;
	v6 =	vld [tilespmem:s17+$0x40]  }
0x19: {  	v10 =	vmin.f32 v10, v7;
	v7 =	vld [tilespmem:s17+$0x50]  }
0x1a: {  	v10 =	vmin.f32 v10, v8;
	v8 =	vld [tilespmem:s17+$0x60]  }
0x1b: {  	s16 =	simm.s32 $0x400;
	s15 =	simm.s32 $0x80;
	v10 =	vmin.f32 v10, v9;
	v9 =	vld [tilespmem:s17+$0x70]  }
.LBB2_3:
0x1c: {  	p0 =	sne.s32 s16, $0x3E00;
	v11 =	vld [tilespmem:s15+$0x0];
	v5 =	vmin.f32 v10, v5  }
0x1d: {  	v10 =	vld [tilespmem:s15+$0x10];
	v5 =	vmin.f32 v5, v6  }
0x1e: {  	v12 =	vld [tilespmem:s15+$0x20];
	v6 =	vmin.f32 v5, v7  }
.Ltmp0:
0x1f: {  	v5 =	vld [tilespmem:s15+$0x30];
	v7 =	vmin.f32 v6, v8;
	(pc) =	sbr.rel @p0 .LBB2_3-.Ltmp0, $4  }
0x20: {  	v6 =	vld [tilespmem:s15+$0x40];
	v7 =	vmin.f32 v7, v9  }
0x21: {  	v8 =	vmin.f32 v7, v11;
	v7 =	vld [tilespmem:s15+$0x50]  }
0x22: {  	v9 =	vmin.f32 v8, v10;
	v8 =	vld [tilespmem:s15+$0x60]  }
0x23: {  	v10 =	vmin.f32 v9, v12;
	v9 =	vld [tilespmem:s15+$0x70];
	s15 =	sshra.s32 s16, $0x2;
	s16 =	sadd.s32 $0x200, s16  }
0x24: {  	v11 =	vld [tilespmem:s15+$0x0]  }
0x25: {  	v12 =	vld [tilespmem:s15+$0x10]  }
0x26: {  	v13 =	vld [tilespmem:s15+$0x20];
	v5 =	vmin.f32 v10, v5  }
0x27: {  	v62 =	vld [tilespmem:s15+$0x30];
	v5 =	vmin.f32 v5, v6  }
0x28: {  	v63 =	vld [tilespmem:s15+$0x70];
	v5 =	vmin.f32 v5, v7  }
0x29: {  	v6 =	vld [tilespmem:s15+$0x40];
	v5 =	vmin.f32 v5, v8  }
0x2a: {  	v7 =	vld [tilespmem:s15+$0x50];
	v5 =	vmin.f32 v5, v9  }
0x2b: {  	v8 =	vld [tilespmem:s15+$0x60];
	[tilespmem:$0x1000] =	vst v1;
	v5 =	vmin.f32 v5, v11  }
0x2c: {  	[tilespmem:$0x1100] =	vst v2;
	v5 =	vmin.f32 v5, v12  }
0x2d: {  	[tilespmem:$0x1010] =	vst v1;
	v5 =	vmin.f32 v5, v13  }
0x2e: {  	[tilespmem:$0x1110] =	vst v2;
	v5 =	vmin.f32 v5, v62  }
0x2f: {  	[tilespmem:$0x1020] =	vst v1;
	v5 =	vmin.f32 v5, v6  }
0x30: {  	[tilespmem:$0x1120] =	vst v2;
	v5 =	vmin.f32 v5, v7  }
0x31: {  	[tilespmem:$0x1030] =	vst v1;
	v5 =	vmin.f32 v5, v8  }
0x32: {  	[tilespmem:$0x1130] =	vst v2;
	v5 =	vmin.f32 v5, v63  }
0x33: {  	[tilespmem:$0x1040] =	vst v1;
	(xrf1) =	vsort.ascd.msk.f32 $0xffff, v5, v5  }
0x34: {  	[tilespmem:$0x1140] =	vst v2  }
0x35: {  	[tilespmem:$0x1050] =	vst v1  }
0x36: {  	[tilespmem:$0x1150] =	vst v2  }
0x37: {  	[tilespmem:$0x1060] =	vst v1  }
0x38: {  	[tilespmem:$0x1160] =	vst v2  }
0x39: {  	[tilespmem:$0x1070] =	vst v1  }
0x3a: {  	[tilespmem:$0x1170] =	vst v2  }
0x3b: {  	[tilespmem:$0x1080] =	vst v1  }
0x3c: {  	[tilespmem:$0x1180] =	vst v2  }
0x3d: {  	[tilespmem:$0x1090] =	vst v1  }
0x3e: {  	[tilespmem:$0x1190] =	vst v2  }
0x3f: {  	[tilespmem:$0x10A0] =	vst v1  }
0x40: {  	[tilespmem:$0x11A0] =	vst v2  }
0x41: {  	[tilespmem:$0x10B0] =	vst v1;
	v5, _, _ =	vpop (xrf1)  }
0x42: {  	[tilespmem:$0x11B0] =	vst v2;
	v5 =	vsel vm0, $0x7F800000, v5  }
0x43: {  	[tilespmem:$0x10C0] =	vst v1;
	(xrf0) =	vmin.scan.msk.f32 $0xffff, v5  }
0x44: {  	[tilespmem:$0x11C0] =	vst v2  }
0x45: {  	[tilespmem:$0x10D0] =	vst v1  }
0x46: {  	[tilespmem:$0x11D0] =	vst v2  }
0x47: {  	[tilespmem:$0x10E0] =	vst v1  }
0x48: {  	[tilespmem:$0x11E0] =	vst v2  }
0x49: {  	[tilespmem:$0x10F0] =	vst v1;
	v5, _, _ =	vpop (xrf0)  }
0x4a: {  	s16 =	simm.s32 $0x20;
	[tilespmem:$0x11F0] =	vst v2;
	s15 =	simm.s32 $0x0;
	v6 =	vimm.s32 $0x0;
	v5 =	vbroadcast v5, $0xF  }
.LBB2_5:
0x4b: {  	v7 =	vld [tilespmem:s16+$0xFFFFFFE0];
	_ =	sdelay $0x4  }
0x4c: {  	vm10 =	vlt.s32 v6, $0x10;
	vm9 =	vle.f32 v7, v5  }
0x4d: {  	vm10 =	vmand vm10, vm9  }
0x4e: {  	v8 =	vadd.s32 v3, v6;
	_ =	sdelay $0x4  }
0x4f: {  	v9 =	vor.u32 s15, v0;
	[tilespmem:v8+s9+$0x0] =	vst.idx.msk vm10, v7  }
0x50: {  	[tilespmem:v8+s10+$0x0] =	vst.idx.msk vm10, v9  }
0x51: {  	v7 =	vld [tilespmem:s16+$0xFFFFFFF0];
	_ =	sdelay $0x2  }
0x52: {  	v8 =	vsel vm9, $0x1, v4  }
0x53: {  	v6 =	vadd.s32 v8, v6  }
0x54: {  	vm10 =	vlt.s32 v6, $0x10;
	vm9 =	vle.f32 v7, v5  }
0x55: {  	vm10 =	vmand vm9, vm10  }
0x56: {  	v8 =	vadd.s32 v3, v6;
	_ =	sdelay $0x3  }
0x57: {  	s17 =	sadd.s32 $0x10, s15  }
0x58: {  	v61 =	vor.u32 s17, v0;
	[tilespmem:v8+s9+$0x0] =	vst.idx.msk vm10, v7  }
0x59: {  	[tilespmem:v8+s10+$0x0] =	vst.idx.msk vm10, v61  }
0x5a: {  	v7 =	vld [tilespmem:s16+$0x0];
	_ =	sdelay $0x2  }
0x5b: {  	v8 =	vsel vm9, $0x1, v4  }
0x5c: {  	v6 =	vadd.s32 v8, v6  }
0x5d: {  	vm10 =	vlt.s32 v6, $0x10;
	vm9 =	vle.f32 v7, v5  }
0x5e: {  	vm10 =	vmand vm9, vm10  }
0x5f: {  	v8 =	vadd.s32 v3, v6;
	_ =	sdelay $0x3  }
0x60: {  	s30 =	sadd.s32 $0x20, s15  }
0x61: {  	v62 =	vor.u32 s30, v0;
	[tilespmem:v8+s9+$0x0] =	vst.idx.msk vm10, v7  }
0x62: {  	[tilespmem:v8+s10+$0x0] =	vst.idx.msk vm10, v62  }
0x63: {  	v7 =	vld [tilespmem:s16+$0x10];
	_ =	sdelay $0x2  }
0x64: {  	v8 =	vsel vm9, $0x1, v4  }
0x65: {  	v6 =	vadd.s32 v8, v6  }
0x66: {  	vm10 =	vlt.s32 v6, $0x10;
	vm9 =	vle.f32 v7, v5  }
0x67: {  	vm10 =	vmand vm9, vm10  }
0x68: {  	v8 =	vadd.s32 v3, v6  }
0x69: {  	p0 =	sne.s32 s15, $0xFC0  }
.Ltmp1:
0x6a: {  	_ = 	snop;
	(pc) =	sbr.rel @p0 .LBB2_5-.Ltmp1, $4  }
0x6b: {  	_ = 	snop  }
0x6c: {  	s31 =	sadd.s32 $0x30, s15  }
0x6d: {  	v63 =	vor.u32 s31, v0;
	[tilespmem:v8+s9+$0x0] =	vst.idx.msk vm10, v7;
	v7 =	vsel vm9, $0x1, v4  }
0x6e: {  	s15 =	sadd.s32 $0x40, s15;
	s16 =	sadd.s32 $0x40, s16;
	[tilespmem:v8+s10+$0x0] =	vst.idx.msk vm10, v63;
	v6 =	vadd.s32 v7, v6  }
0x6f: {  	v33 =	vld [tilespmem:$0x1000]  }
0x70: {  	v34 =	vld [tilespmem:$0x1010]  }
0x71: {  	v35 =	vld [tilespmem:$0x1020]  }
0x72: {  	v36 =	vld [tilespmem:$0x1030]  }
0x73: {  	v37 =	vld [tilespmem:$0x1040]  }
0x74: {  	v32 =	vld [tilespmem:$0x1050]  }
0x75: {  	v31 =	vld [tilespmem:$0x1060];
	v5 =	vmin.f32 v33, v34  }
0x76: {  	v30 =	vld [tilespmem:$0x1070];
	v5 =	vmin.f32 v5, v35  }
0x77: {  	v29 =	vld [tilespmem:$0x1080];
	v5 =	vmin.f32 v5, v36  }
0x78: {  	v28 =	vld [tilespmem:$0x1090];
	v5 =	vmin.f32 v5, v37  }
0x79: {  	v27 =	vld [tilespmem:$0x10A0];
	v5 =	vmin.f32 v5, v32  }
0x7a: {  	v26 =	vld [tilespmem:$0x10B0];
	v5 =	vmin.f32 v5, v31  }
0x7b: {  	v25 =	vld [tilespmem:$0x10C0];
	v5 =	vmin.f32 v5, v30  }
0x7c: {  	v24 =	vld [tilespmem:$0x10D0];
	v5 =	vmin.f32 v5, v29  }
0x7d: {  	v23 =	vld [tilespmem:$0x10E0];
	v5 =	vmin.f32 v5, v28  }
0x7e: {  	v22 =	vld [tilespmem:$0x10F0];
	v5 =	vmin.f32 v5, v27  }
0x7f: {  	v5 =	vmin.f32 v5, v26  }
0x80: {  	v5 =	vmin.f32 v5, v25  }
0x81: {  	v5 =	vmin.f32 v5, v24  }
0x82: {  	v5 =	vmin.f32 v5, v23  }
0x83: {  	v5 =	vmin.f32 v5, v22  }
0x84: {  	(xrf0) =	vmin.scan.msk.f32 $0xffff, v5;
	_ =	sdelay $0x2  }
0x85: {  	v21 =	vld [tilespmem:$0x1100];
	_ =	sdelay $0x2  }
0x86: {  	v6 =	vld [tilespmem:$0x1110];
	v5, _, _ =	vpop (xrf0)  }
0x87: {  	v38 =	vbroadcast v5, $0xF  }
0x88: {  	v7 =	vld [tilespmem:$0x1120];
	vm9 =	vlt.s32 v21, $0x40000000  }
0x89: {  	v18 =	vnsel vm9, $0x40000000, v21;
	vm10 =	veq.f32 v33, v38  }
0x8a: {  	v8 =	vld [tilespmem:$0x1130];
	v9 =	vnsel vm10, $0x40000000, v18  }
0x8b: {  	vm9 =	vlt.s32 v9, v6  }
0x8c: {  	v5 =	vld [tilespmem:$0x1140];
	vm10 =	veq.f32 v34, v38;
	v10 =	vsel vm9, v9, v6;
	vm9 =	veq.f32 v35, v38  }
0x8d: {  	v10 =	vsel vm10, v10, v9;
	v11 =	vnsel vm9, $0x40000000, v7  }
0x8e: {  	v9 =	vld [tilespmem:$0x1150];
	vm10 =	veq.f32 v36, v38;
	vm9 =	vlt.s32 v10, v11  }
0x8f: {  	v12 =	vnsel vm10, $0x40000000, v8;
	v11 =	vsel vm9, v10, v11  }
0x90: {  	vm10 =	veq.f32 v37, v38;
	v10 =	vld [tilespmem:$0x1160];
	vm9 =	vlt.s32 v11, v12  }
0x91: {  	v13 =	vnsel vm10, $0x40000000, v5;
	v12 =	vsel vm9, v11, v12  }
0x92: {  	vm10 =	veq.f32 v32, v38;
	v11 =	vld [tilespmem:$0x1170];
	vm9 =	vlt.s32 v12, v13  }
0x93: {  	v14 =	vnsel vm10, $0x40000000, v9;
	v13 =	vsel vm9, v12, v13  }
0x94: {  	vm10 =	veq.f32 v31, v38;
	v12 =	vld [tilespmem:$0x1180];
	vm9 =	vlt.s32 v13, v14  }
0x95: {  	v15 =	vnsel vm10, $0x40000000, v10;
	v14 =	vsel vm9, v13, v14  }
0x96: {  	vm10 =	veq.f32 v30, v38;
	v13 =	vld [tilespmem:$0x1190];
	vm9 =	vlt.s32 v14, v15  }
0x97: {  	v16 =	vnsel vm10, $0x40000000, v11;
	v15 =	vsel vm9, v14, v15  }
0x98: {  	vm10 =	veq.f32 v29, v38;
	v14 =	vld [tilespmem:$0x11A0];
	vm9 =	vlt.s32 v15, v16  }
0x99: {  	v17 =	vnsel vm10, $0x40000000, v12;
	v16 =	vsel vm9, v15, v16  }
0x9a: {  	vm10 =	veq.f32 v28, v38;
	v15 =	vld [tilespmem:$0x11B0];
	vm9 =	vlt.s32 v16, v17  }
0x9b: {  	v19 =	vnsel vm10, $0x40000000, v13;
	v17 =	vsel vm9, v16, v17  }
0x9c: {  	vm10 =	veq.f32 v27, v38;
	v16 =	vld [tilespmem:$0x11C0];
	vm9 =	vlt.s32 v17, v19  }
0x9d: {  	v20 =	vnsel vm10, $0x40000000, v14;
	v19 =	vsel vm9, v17, v19  }
0x9e: {  	vm10 =	veq.f32 v26, v38;
	v17 =	vld [tilespmem:$0x11D0];
	vm9 =	vlt.s32 v19, v20  }
0x9f: {  	v39 =	vnsel vm10, $0x40000000, v15;
	v20 =	vsel vm9, v19, v20  }
0xa0: {  	vm10 =	veq.f32 v25, v38;
	v19 =	vld [tilespmem:$0x11E0];
	vm9 =	vlt.s32 v20, v39  }
0xa1: {  	v40 =	vnsel vm10, $0x40000000, v16;
	v39 =	vsel vm9, v20, v39  }
0xa2: {  	vm10 =	veq.f32 v24, v38;
	v20 =	vld [tilespmem:$0x11F0];
	vm9 =	vlt.s32 v39, v40  }
0xa3: {  	v53 =	vnsel vm10, $0x40000000, v17;
	v39 =	vsel vm9, v39, v40  }
0xa4: {  	vm10 =	veq.f32 v23, v38;
	vm9 =	vlt.s32 v39, v53  }
0xa5: {  	v54 =	vnsel vm10, $0x40000000, v19;
	v39 =	vsel vm9, v39, v53  }
0xa6: {  	vm10 =	veq.f32 v22, v38;
	vm9 =	vlt.s32 v39, v54  }
0xa7: {  	v56 =	vnsel vm10, $0x40000000, v20;
	v55 =	vsel vm9, v39, v54  }
0xa8: {  	vm9 =	vlt.s32 v55, v56  }
0xa9: {  	v38 =	vsel vm9, v55, v56  }
0xaa: {  	v38 =	vxor.u32 $0x80000000, v38  }
0xab: {  	(xrf0) =	vmin.scan.msk.u32 $0xffff, v38;
	_ =	sdelay $0x5  }
0xac: {  	v38, _, _ =	vpop (xrf0)  }
0xad: {  	(v2sf) =	vpush v38, $0xF;
	_ =	sdelay $0xe  }
0xae: {  	s15 =	spop (v2sf)  }
0xaf: {  	s15 =	sxor.u32 $0x80000000, s15  }
0xb0: {  	vm9 =	veq.s32 v21, s15;
	vm10 =	veq.s32 v6, s15  }
0xb1: {  	v33 =	vsel vm9, $0x7F800000, v33;
	v34 =	vsel vm10, $0x7F800000, v34;
	vm9 =	veq.s32 v7, s15  }
0xb2: {  	v35 =	vsel vm9, $0x7F800000, v35;
	vm9 =	veq.s32 v8, s15;
	v57 =	vmin.f32 v33, v34  }
0xb3: {  	v36 =	vsel vm9, $0x7F800000, v36;
	vm9 =	veq.s32 v5, s15;
	v38 =	vmin.f32 v57, v35  }
0xb4: {  	v37 =	vsel vm9, $0x7F800000, v37;
	vm9 =	veq.s32 v9, s15;
	v38 =	vmin.f32 v38, v36  }
0xb5: {  	v32 =	vsel vm9, $0x7F800000, v32;
	vm9 =	veq.s32 v10, s15;
	v38 =	vmin.f32 v38, v37  }
0xb6: {  	v31 =	vsel vm9, $0x7F800000, v31;
	vm9 =	veq.s32 v11, s15;
	v38 =	vmin.f32 v38, v32  }
0xb7: {  	v30 =	vsel vm9, $0x7F800000, v30;
	vm9 =	veq.s32 v12, s15;
	v38 =	vmin.f32 v38, v31  }
0xb8: {  	v29 =	vsel vm9, $0x7F800000, v29;
	vm9 =	veq.s32 v13, s15;
	v38 =	vmin.f32 v38, v30  }
0xb9: {  	v28 =	vsel vm9, $0x7F800000, v28;
	vm9 =	veq.s32 v14, s15;
	v38 =	vmin.f32 v38, v29  }
0xba: {  	v27 =	vsel vm9, $0x7F800000, v27;
	vm9 =	veq.s32 v15, s15;
	v38 =	vmin.f32 v38, v28  }
0xbb: {  	v26 =	vsel vm9, $0x7F800000, v26;
	vm9 =	veq.s32 v16, s15;
	v38 =	vmin.f32 v38, v27  }
0xbc: {  	v25 =	vsel vm9, $0x7F800000, v25;
	vm9 =	veq.s32 v17, s15;
	v38 =	vmin.f32 v38, v26  }
0xbd: {  	v24 =	vsel vm9, $0x7F800000, v24;
	vm9 =	veq.s32 v19, s15;
	v38 =	vmin.f32 v38, v25  }
0xbe: {  	v23 =	vsel vm9, $0x7F800000, v23;
	vm9 =	veq.s32 v20, s15;
	v38 =	vmin.f32 v38, v24  }
0xbf: {  	v22 =	vsel vm9, $0x7F800000, v22;
	v38 =	vmin.f32 v38, v23  }
0xc0: {  	v38 =	vmin.f32 v38, v22  }
0xc1: {  	(xrf0) =	vmin.scan.msk.f32 $0xffff, v38;
	_ =	sdelay $0x5  }
0xc2: {  	v38, _, _ =	vpop (xrf0)  }
0xc3: {  	v38 =	vbroadcast v38, $0xF;
	_ =	sdelay $0x1  }
0xc4: {  	vm9 =	veq.f32 v33, v38  }
0xc5: {  	v58 =	vnsel vm9, $0x40000000, v18  }
0xc6: {  	vm9 =	vlt.s32 v58, v6  }
0xc7: {  	vm10 =	veq.f32 v34, v38;
	v59 =	vsel vm9, v58, v6;
	vm9 =	veq.f32 v35, v38  }
0xc8: {  	v39 =	vsel vm10, v59, v58;
	v60 =	vnsel vm9, $0x40000000, v7  }
0xc9: {  	vm10 =	veq.f32 v36, v38;
	vm9 =	vlt.s32 v39, v60  }
0xca: {  	v61 =	vnsel vm10, $0x40000000, v8;
	v39 =	vsel vm9, v39, v60  }
0xcb: {  	vm10 =	veq.f32 v37, v38;
	vm9 =	vlt.s32 v39, v61  }
0xcc: {  	v62 =	vnsel vm10, $0x40000000, v5;
	v39 =	vsel vm9, v39, v61  }
0xcd: {  	vm10 =	veq.f32 v32, v38;
	vm9 =	vlt.s32 v39, v62  }
0xce: {  	v63 =	vnsel vm10, $0x40000000, v9;
	v39 =	vsel vm9, v39, v62  }
0xcf: {  	vm10 =	veq.f32 v31, v38;
	vm9 =	vlt.s32 v39, v63  }
0xd0: {  	v44 =	vnsel vm10, $0x40000000, v10;
	v39 =	vsel vm9, v39, v63  }
0xd1: {  	vm10 =	veq.f32 v30, v38;
	vm9 =	vlt.s32 v39, v44  }
0xd2: {  	v45 =	vnsel vm10, $0x40000000, v11;
	v39 =	vsel vm9, v39, v44  }
0xd3: {  	vm10 =	veq.f32 v29, v38;
	vm9 =	vlt.s32 v39, v45  }
0xd4: {  	v46 =	vnsel vm10, $0x40000000, v12;
	v39 =	vsel vm9, v39, v45  }
0xd5: {  	vm10 =	veq.f32 v28, v38;
	vm9 =	vlt.s32 v39, v46  }
0xd6: {  	v47 =	vnsel vm10, $0x40000000, v13;
	v39 =	vsel vm9, v39, v46  }
0xd7: {  	vm10 =	veq.f32 v27, v38;
	vm9 =	vlt.s32 v39, v47  }
0xd8: {  	v48 =	vnsel vm10, $0x40000000, v14;
	v39 =	vsel vm9, v39, v47  }
0xd9: {  	vm10 =	veq.f32 v26, v38;
	vm9 =	vlt.s32 v39, v48  }
0xda: {  	v49 =	vnsel vm10, $0x40000000, v15;
	v39 =	vsel vm9, v39, v48  }
0xdb: {  	vm10 =	veq.f32 v25, v38;
	vm9 =	vlt.s32 v39, v49  }
0xdc: {  	v50 =	vnsel vm10, $0x40000000, v16;
	v39 =	vsel vm9, v39, v49  }
0xdd: {  	vm10 =	veq.f32 v24, v38;
	vm9 =	vlt.s32 v39, v50  }
0xde: {  	v51 =	vnsel vm10, $0x40000000, v17;
	v39 =	vsel vm9, v39, v50  }
0xdf: {  	vm10 =	veq.f32 v23, v38;
	vm9 =	vlt.s32 v39, v51  }
0xe0: {  	v52 =	vnsel vm10, $0x40000000, v19;
	v39 =	vsel vm9, v39, v51  }
0xe1: {  	vm10 =	veq.f32 v22, v38;
	vm9 =	vlt.s32 v39, v52  }
0xe2: {  	v54 =	vnsel vm10, $0x40000000, v20;
	v53 =	vsel vm9, v39, v52  }
0xe3: {  	vm9 =	vlt.s32 v53, v54  }
0xe4: {  	v38 =	vsel vm9, v53, v54  }
0xe5: {  	v38 =	vxor.u32 $0x80000000, v38  }
0xe6: {  	(xrf0) =	vmin.scan.msk.u32 $0xffff, v38;
	_ =	sdelay $0x5  }
0xe7: {  	v38, _, _ =	vpop (xrf0)  }
0xe8: {  	(v2sf) =	vpush v38, $0xF;
	_ =	sdelay $0xe  }
0xe9: {  	s16 =	spop (v2sf)  }
0xea: {  	s16 =	sxor.u32 $0x80000000, s16  }
0xeb: {  	vm9 =	veq.s32 v21, s16;
	vm10 =	veq.s32 v6, s16  }
0xec: {  	v33 =	vsel vm9, $0x7F800000, v33;
	v34 =	vsel vm10, $0x7F800000, v34;
	vm9 =	veq.s32 v7, s16  }
0xed: {  	v35 =	vsel vm9, $0x7F800000, v35;
	vm9 =	veq.s32 v8, s16;
	v55 =	vmin.f32 v33, v34  }
0xee: {  	v36 =	vsel vm9, $0x7F800000, v36;
	vm9 =	veq.s32 v5, s16;
	v38 =	vmin.f32 v55, v35  }
0xef: {  	v37 =	vsel vm9, $0x7F800000, v37;
	vm9 =	veq.s32 v9, s16;
	v38 =	vmin.f32 v38, v36  }
0xf0: {  	v32 =	vsel vm9, $0x7F800000, v32;
	vm9 =	veq.s32 v10, s16;
	v38 =	vmin.f32 v38, v37  }
0xf1: {  	v31 =	vsel vm9, $0x7F800000, v31;
	vm9 =	veq.s32 v11, s16;
	v38 =	vmin.f32 v38, v32  }
0xf2: {  	v30 =	vsel vm9, $0x7F800000, v30;
	vm9 =	veq.s32 v12, s16;
	v38 =	vmin.f32 v38, v31  }
0xf3: {  	v29 =	vsel vm9, $0x7F800000, v29;
	vm9 =	veq.s32 v13, s16;
	v38 =	vmin.f32 v38, v30  }
0xf4: {  	v28 =	vsel vm9, $0x7F800000, v28;
	vm9 =	veq.s32 v14, s16;
	v38 =	vmin.f32 v38, v29  }
0xf5: {  	v27 =	vsel vm9, $0x7F800000, v27;
	vm9 =	veq.s32 v15, s16;
	v38 =	vmin.f32 v38, v28  }
0xf6: {  	v26 =	vsel vm9, $0x7F800000, v26;
	vm9 =	veq.s32 v16, s16;
	v38 =	vmin.f32 v38, v27  }
0xf7: {  	v25 =	vsel vm9, $0x7F800000, v25;
	vm9 =	veq.s32 v17, s16;
	v38 =	vmin.f32 v38, v26  }
0xf8: {  	v24 =	vsel vm9, $0x7F800000, v24;
	vm9 =	veq.s32 v19, s16;
	v38 =	vmin.f32 v38, v25  }
0xf9: {  	v23 =	vsel vm9, $0x7F800000, v23;
	vm9 =	veq.s32 v20, s16;
	v38 =	vmin.f32 v38, v24  }
0xfa: {  	v22 =	vsel vm9, $0x7F800000, v22;
	v38 =	vmin.f32 v38, v23  }
0xfb: {  	v38 =	vmin.f32 v38, v22  }
0xfc: {  	(xrf0) =	vmin.scan.msk.f32 $0xffff, v38;
	_ =	sdelay $0x5  }
0xfd: {  	v38, _, _ =	vpop (xrf0)  }
0xfe: {  	v38 =	vbroadcast v38, $0xF;
	_ =	sdelay $0x1  }
0xff: {  	vm9 =	veq.f32 v33, v38  }
0x100: {  	v56 =	vnsel vm9, $0x40000000, v18  }
0x101: {  	vm9 =	vlt.s32 v56, v6  }
0x102: {  	vm10 =	veq.f32 v34, v38;
	v57 =	vsel vm9, v56, v6;
	vm9 =	veq.f32 v35, v38  }
0x103: {  	v39 =	vsel vm10, v57, v56;
	v58 =	vnsel vm9, $0x40000000, v7  }
0x104: {  	vm10 =	veq.f32 v36, v38;
	vm9 =	vlt.s32 v39, v58  }
0x105: {  	v59 =	vnsel vm10, $0x40000000, v8;
	v39 =	vsel vm9, v39, v58  }
0x106: {  	vm10 =	veq.f32 v37, v38;
	vm9 =	vlt.s32 v39, v59  }
0x107: {  	v60 =	vnsel vm10, $0x40000000, v5;
	v39 =	vsel vm9, v39, v59  }
0x108: {  	vm10 =	veq.f32 v32, v38;
	vm9 =	vlt.s32 v39, v60  }
0x109: {  	v61 =	vnsel vm10, $0x40000000, v9;
	v39 =	vsel vm9, v39, v60  }
0x10a: {  	vm10 =	veq.f32 v31, v38;
	vm9 =	vlt.s32 v39, v61  }
0x10b: {  	v62 =	vnsel vm10, $0x40000000, v10;
	v39 =	vsel vm9, v39, v61  }
0x10c: {  	vm10 =	veq.f32 v30, v38;
	vm9 =	vlt.s32 v39, v62  }
0x10d: {  	v63 =	vnsel vm10, $0x40000000, v11;
	v39 =	vsel vm9, v39, v62  }
0x10e: {  	vm10 =	veq.f32 v29, v38;
	vm9 =	vlt.s32 v39, v63  }
0x10f: {  	v44 =	vnsel vm10, $0x40000000, v12;
	v39 =	vsel vm9, v39, v63  }
0x110: {  	vm10 =	veq.f32 v28, v38;
	vm9 =	vlt.s32 v39, v44  }
0x111: {  	v45 =	vnsel vm10, $0x40000000, v13;
	v39 =	vsel vm9, v39, v44  }
0x112: {  	vm10 =	veq.f32 v27, v38;
	vm9 =	vlt.s32 v39, v45  }
0x113: {  	v46 =	vnsel vm10, $0x40000000, v14;
	v39 =	vsel vm9, v39, v45  }
0x114: {  	vm10 =	veq.f32 v26, v38;
	vm9 =	vlt.s32 v39, v46  }
0x115: {  	v47 =	vnsel vm10, $0x40000000, v15;
	v39 =	vsel vm9, v39, v46  }
0x116: {  	vm10 =	veq.f32 v25, v38;
	vm9 =	vlt.s32 v39, v47  }
0x117: {  	v48 =	vnsel vm10, $0x40000000, v16;
	v39 =	vsel vm9, v39, v47  }
0x118: {  	vm10 =	veq.f32 v24, v38;
	vm9 =	vlt.s32 v39, v48  }
0x119: {  	v49 =	vnsel vm10, $0x40000000, v17;
	v39 =	vsel vm9, v39, v48  }
0x11a: {  	vm10 =	veq.f32 v23, v38;
	vm9 =	vlt.s32 v39, v49  }
0x11b: {  	v50 =	vnsel vm10, $0x40000000, v19;
	v39 =	vsel vm9, v39, v49  }
0x11c: {  	vm10 =	veq.f32 v22, v38;
	vm9 =	vlt.s32 v39, v50  }
0x11d: {  	v52 =	vnsel vm10, $0x40000000, v20;
	v51 =	vsel vm9, v39, v50  }
0x11e: {  	vm9 =	vlt.s32 v51, v52  }
0x11f: {  	v38 =	vsel vm9, v51, v52  }
0x120: {  	v38 =	vxor.u32 $0x80000000, v38  }
0x121: {  	(xrf0) =	vmin.scan.msk.u32 $0xffff, v38;
	_ =	sdelay $0x5  }
0x122: {  	v38, _, _ =	vpop (xrf0)  }
0x123: {  	(v2sf) =	vpush v38, $0xF;
	_ =	sdelay $0xe  }
0x124: {  	s17 =	spop (v2sf)  }
0x125: {  	s17 =	sxor.u32 $0x80000000, s17  }
0x126: {  	vm9 =	veq.s32 v21, s17;
	vm10 =	veq.s32 v6, s17  }
0x127: {  	v33 =	vsel vm9, $0x7F800000, v33;
	v34 =	vsel vm10, $0x7F800000, v34;
	vm9 =	veq.s32 v7, s17  }
0x128: {  	v35 =	vsel vm9, $0x7F800000, v35;
	vm9 =	veq.s32 v8, s17;
	v53 =	vmin.f32 v33, v34  }
0x129: {  	v36 =	vsel vm9, $0x7F800000, v36;
	vm9 =	veq.s32 v5, s17;
	v38 =	vmin.f32 v53, v35  }
0x12a: {  	v37 =	vsel vm9, $0x7F800000, v37;
	vm9 =	veq.s32 v9, s17;
	v38 =	vmin.f32 v38, v36  }
0x12b: {  	v32 =	vsel vm9, $0x7F800000, v32;
	vm9 =	veq.s32 v10, s17;
	v38 =	vmin.f32 v38, v37  }
0x12c: {  	v31 =	vsel vm9, $0x7F800000, v31;
	vm9 =	veq.s32 v11, s17;
	v38 =	vmin.f32 v38, v32  }
0x12d: {  	v30 =	vsel vm9, $0x7F800000, v30;
	vm9 =	veq.s32 v12, s17;
	v38 =	vmin.f32 v38, v31  }
0x12e: {  	v29 =	vsel vm9, $0x7F800000, v29;
	vm9 =	veq.s32 v13, s17;
	v38 =	vmin.f32 v38, v30  }
0x12f: {  	v28 =	vsel vm9, $0x7F800000, v28;
	vm9 =	veq.s32 v14, s17;
	v38 =	vmin.f32 v38, v29  }
0x130: {  	v27 =	vsel vm9, $0x7F800000, v27;
	vm9 =	veq.s32 v15, s17;
	v38 =	vmin.f32 v38, v28  }
0x131: {  	v26 =	vsel vm9, $0x7F800000, v26;
	vm9 =	veq.s32 v16, s17;
	v38 =	vmin.f32 v38, v27  }
0x132: {  	v25 =	vsel vm9, $0x7F800000, v25;
	vm9 =	veq.s32 v17, s17;
	v38 =	vmin.f32 v38, v26  }
0x133: {  	v24 =	vsel vm9, $0x7F800000, v24;
	vm9 =	veq.s32 v19, s17;
	v38 =	vmin.f32 v38, v25  }
0x134: {  	v23 =	vsel vm9, $0x7F800000, v23;
	vm9 =	veq.s32 v20, s17;
	v38 =	vmin.f32 v38, v24  }
0x135: {  	v22 =	vsel vm9, $0x7F800000, v22;
	v38 =	vmin.f32 v38, v23  }
0x136: {  	v38 =	vmin.f32 v38, v22  }
0x137: {  	(xrf0) =	vmin.scan.msk.f32 $0xffff, v38;
	_ =	sdelay $0x5  }
0x138: {  	v38, _, _ =	vpop (xrf0)  }
0x139: {  	v38 =	vbroadcast v38, $0xF;
	_ =	sdelay $0x1  }
0x13a: {  	vm9 =	veq.f32 v33, v38  }
0x13b: {  	v54 =	vnsel vm9, $0x40000000, v18  }
0x13c: {  	vm9 =	vlt.s32 v54, v6  }
0x13d: {  	vm10 =	veq.f32 v34, v38;
	v55 =	vsel vm9, v54, v6;
	vm9 =	veq.f32 v35, v38  }
0x13e: {  	v39 =	vsel vm10, v55, v54;
	v56 =	vnsel vm9, $0x40000000, v7  }
0x13f: {  	vm10 =	veq.f32 v36, v38;
	vm9 =	vlt.s32 v39, v56  }
0x140: {  	v57 =	vnsel vm10, $0x40000000, v8;
	v39 =	vsel vm9, v39, v56  }
0x141: {  	vm10 =	veq.f32 v37, v38;
	vm9 =	vlt.s32 v39, v57  }
0x142: {  	v58 =	vnsel vm10, $0x40000000, v5;
	v39 =	vsel vm9, v39, v57  }
0x143: {  	vm10 =	veq.f32 v32, v38;
	vm9 =	vlt.s32 v39, v58  }
0x144: {  	v59 =	vnsel vm10, $0x40000000, v9;
	v39 =	vsel vm9, v39, v58  }
0x145: {  	vm10 =	veq.f32 v31, v38;
	vm9 =	vlt.s32 v39, v59  }
0x146: {  	v60 =	vnsel vm10, $0x40000000, v10;
	v39 =	vsel vm9, v39, v59  }
0x147: {  	vm10 =	veq.f32 v30, v38;
	vm9 =	vlt.s32 v39, v60  }
0x148: {  	v61 =	vnsel vm10, $0x40000000, v11;
	v39 =	vsel vm9, v39, v60  }
0x149: {  	vm10 =	veq.f32 v29, v38;
	vm9 =	vlt.s32 v39, v61  }
0x14a: {  	v62 =	vnsel vm10, $0x40000000, v12;
	v39 =	vsel vm9, v39, v61  }
0x14b: {  	vm10 =	veq.f32 v28, v38;
	vm9 =	vlt.s32 v39, v62  }
0x14c: {  	v63 =	vnsel vm10, $0x40000000, v13;
	v39 =	vsel vm9, v39, v62  }
0x14d: {  	vm10 =	veq.f32 v27, v38;
	vm9 =	vlt.s32 v39, v63  }
0x14e: {  	v44 =	vnsel vm10, $0x40000000, v14;
	v39 =	vsel vm9, v39, v63  }
0x14f: {  	vm10 =	veq.f32 v26, v38;
	vm9 =	vlt.s32 v39, v44  }
0x150: {  	v45 =	vnsel vm10, $0x40000000, v15;
	v39 =	vsel vm9, v39, v44  }
0x151: {  	vm10 =	veq.f32 v25, v38;
	vm9 =	vlt.s32 v39, v45  }
0x152: {  	v46 =	vnsel vm10, $0x40000000, v16;
	v39 =	vsel vm9, v39, v45  }
0x153: {  	vm10 =	veq.f32 v24, v38;
	vm9 =	vlt.s32 v39, v46  }
0x154: {  	v47 =	vnsel vm10, $0x40000000, v17;
	v39 =	vsel vm9, v39, v46  }
0x155: {  	vm10 =	veq.f32 v23, v38;
	vm9 =	vlt.s32 v39, v47  }
0x156: {  	v48 =	vnsel vm10, $0x40000000, v19;
	v39 =	vsel vm9, v39, v47  }
0x157: {  	vm10 =	veq.f32 v22, v38;
	vm9 =	vlt.s32 v39, v48  }
0x158: {  	v50 =	vnsel vm10, $0x40000000, v20;
	v49 =	vsel vm9, v39, v48  }
0x159: {  	vm9 =	vlt.s32 v49, v50  }
0x15a: {  	v38 =	vsel vm9, v49, v50  }
0x15b: {  	v38 =	vxor.u32 $0x80000000, v38  }
0x15c: {  	(xrf0) =	vmin.scan.msk.u32 $0xffff, v38;
	_ =	sdelay $0x5  }
0x15d: {  	v38, _, _ =	vpop (xrf0)  }
0x15e: {  	(v2sf) =	vpush v38, $0xF;
	_ =	sdelay $0xe  }
0x15f: {  	s18 =	spop (v2sf)  }
0x160: {  	s18 =	sxor.u32 $0x80000000, s18  }
0x161: {  	vm9 =	veq.s32 v21, s18;
	vm10 =	veq.s32 v6, s18  }
0x162: {  	v33 =	vsel vm9, $0x7F800000, v33;
	v34 =	vsel vm10, $0x7F800000, v34;
	vm9 =	veq.s32 v7, s18  }
0x163: {  	v35 =	vsel vm9, $0x7F800000, v35;
	vm9 =	veq.s32 v8, s18;
	v51 =	vmin.f32 v33, v34  }
0x164: {  	v36 =	vsel vm9, $0x7F800000, v36;
	vm9 =	veq.s32 v5, s18;
	v38 =	vmin.f32 v51, v35  }
0x165: {  	v37 =	vsel vm9, $0x7F800000, v37;
	vm9 =	veq.s32 v9, s18;
	v38 =	vmin.f32 v38, v36  }
0x166: {  	v32 =	vsel vm9, $0x7F800000, v32;
	vm9 =	veq.s32 v10, s18;
	v38 =	vmin.f32 v38, v37  }
0x167: {  	v31 =	vsel vm9, $0x7F800000, v31;
	vm9 =	veq.s32 v11, s18;
	v38 =	vmin.f32 v38, v32  }
0x168: {  	v30 =	vsel vm9, $0x7F800000, v30;
	vm9 =	veq.s32 v12, s18;
	v38 =	vmin.f32 v38, v31  }
0x169: {  	v29 =	vsel vm9, $0x7F800000, v29;
	vm9 =	veq.s32 v13, s18;
	v38 =	vmin.f32 v38, v30  }
0x16a: {  	v28 =	vsel vm9, $0x7F800000, v28;
	vm9 =	veq.s32 v14, s18;
	v38 =	vmin.f32 v38, v29  }
0x16b: {  	v27 =	vsel vm9, $0x7F800000, v27;
	vm9 =	veq.s32 v15, s18;
	v38 =	vmin.f32 v38, v28  }
0x16c: {  	v26 =	vsel vm9, $0x7F800000, v26;
	vm9 =	veq.s32 v16, s18;
	v38 =	vmin.f32 v38, v27  }
0x16d: {  	v25 =	vsel vm9, $0x7F800000, v25;
	vm9 =	veq.s32 v17, s18;
	v38 =	vmin.f32 v38, v26  }
0x16e: {  	v24 =	vsel vm9, $0x7F800000, v24;
	vm9 =	veq.s32 v19, s18;
	v38 =	vmin.f32 v38, v25  }
0x16f: {  	v23 =	vsel vm9, $0x7F800000, v23;
	vm9 =	veq.s32 v20, s18;
	v38 =	vmin.f32 v38, v24  }
0x170: {  	v22 =	vsel vm9, $0x7F800000, v22;
	v38 =	vmin.f32 v38, v23  }
0x171: {  	v38 =	vmin.f32 v38, v22  }
0x172: {  	(xrf0) =	vmin.scan.msk.f32 $0xffff, v38;
	_ =	sdelay $0x5  }
0x173: {  	v38, _, _ =	vpop (xrf0)  }
0x174: {  	v38 =	vbroadcast v38, $0xF;
	_ =	sdelay $0x1  }
0x175: {  	vm9 =	veq.f32 v33, v38  }
0x176: {  	v52 =	vnsel vm9, $0x40000000, v18  }
0x177: {  	vm9 =	vlt.s32 v52, v6  }
0x178: {  	vm10 =	veq.f32 v34, v38;
	v53 =	vsel vm9, v52, v6;
	vm9 =	veq.f32 v35, v38  }
0x179: {  	v39 =	vsel vm10, v53, v52;
	v54 =	vnsel vm9, $0x40000000, v7  }
0x17a: {  	vm10 =	veq.f32 v36, v38;
	vm9 =	vlt.s32 v39, v54  }
0x17b: {  	v55 =	vnsel vm10, $0x40000000, v8;
	v39 =	vsel vm9, v39, v54  }
0x17c: {  	vm10 =	veq.f32 v37, v38;
	vm9 =	vlt.s32 v39, v55  }
0x17d: {  	v56 =	vnsel vm10, $0x40000000, v5;
	v39 =	vsel vm9, v39, v55  }
0x17e: {  	vm10 =	veq.f32 v32, v38;
	vm9 =	vlt.s32 v39, v56  }
0x17f: {  	v57 =	vnsel vm10, $0x40000000, v9;
	v39 =	vsel vm9, v39, v56  }
0x180: {  	vm10 =	veq.f32 v31, v38;
	vm9 =	vlt.s32 v39, v57  }
0x181: {  	v58 =	vnsel vm10, $0x40000000, v10;
	v39 =	vsel vm9, v39, v57  }
0x182: {  	vm10 =	veq.f32 v30, v38;
	vm9 =	vlt.s32 v39, v58  }
0x183: {  	v59 =	vnsel vm10, $0x40000000, v11;
	v39 =	vsel vm9, v39, v58  }
0x184: {  	vm10 =	veq.f32 v29, v38;
	vm9 =	vlt.s32 v39, v59  }
0x185: {  	v60 =	vnsel vm10, $0x40000000, v12;
	v39 =	vsel vm9, v39, v59  }
0x186: {  	vm10 =	veq.f32 v28, v38;
	vm9 =	vlt.s32 v39, v60  }
0x187: {  	v61 =	vnsel vm10, $0x40000000, v13;
	v39 =	vsel vm9, v39, v60  }
0x188: {  	vm10 =	veq.f32 v27, v38;
	vm9 =	vlt.s32 v39, v61  }
0x189: {  	v62 =	vnsel vm10, $0x40000000, v14;
	v39 =	vsel vm9, v39, v61  }
0x18a: {  	vm10 =	veq.f32 v26, v38;
	vm9 =	vlt.s32 v39, v62  }
0x18b: {  	v63 =	vnsel vm10, $0x40000000, v15;
	v39 =	vsel vm9, v39, v62  }
0x18c: {  	vm10 =	veq.f32 v25, v38;
	vm9 =	vlt.s32 v39, v63  }
0x18d: {  	v44 =	vnsel vm10, $0x40000000, v16;
	v39 =	vsel vm9, v39, v63  }
0x18e: {  	vm10 =	veq.f32 v24, v38;
	vm9 =	vlt.s32 v39, v44  }
0x18f: {  	v45 =	vnsel vm10, $0x40000000, v17;
	v39 =	vsel vm9, v39, v44  }
0x190: {  	vm10 =	veq.f32 v23, v38;
	vm9 =	vlt.s32 v39, v45  }
0x191: {  	v46 =	vnsel vm10, $0x40000000, v19;
	v39 =	vsel vm9, v39, v45  }
0x192: {  	vm10 =	veq.f32 v22, v38;
	vm9 =	vlt.s32 v39, v46  }
0x193: {  	v48 =	vnsel vm10, $0x40000000, v20;
	v47 =	vsel vm9, v39, v46  }
0x194: {  	vm9 =	vlt.s32 v47, v48  }
0x195: {  	v38 =	vsel vm9, v47, v48  }
0x196: {  	v38 =	vxor.u32 $0x80000000, v38  }
0x197: {  	(xrf0) =	vmin.scan.msk.u32 $0xffff, v38;
	_ =	sdelay $0x5  }
0x198: {  	v38, _, _ =	vpop (xrf0)  }
0x199: {  	(v2sf) =	vpush v38, $0xF;
	_ =	sdelay $0xe  }
0x19a: {  	s19 =	spop (v2sf)  }
0x19b: {  	s19 =	sxor.u32 $0x80000000, s19  }
0x19c: {  	vm9 =	veq.s32 v21, s19;
	vm10 =	veq.s32 v6, s19  }
0x19d: {  	v33 =	vsel vm9, $0x7F800000, v33;
	v34 =	vsel vm10, $0x7F800000, v34;
	vm9 =	veq.s32 v7, s19  }
0x19e: {  	v35 =	vsel vm9, $0x7F800000, v35;
	vm9 =	veq.s32 v8, s19;
	v49 =	vmin.f32 v33, v34  }
0x19f: {  	v36 =	vsel vm9, $0x7F800000, v36;
	vm9 =	veq.s32 v5, s19;
	v38 =	vmin.f32 v49, v35  }
0x1a0: {  	v37 =	vsel vm9, $0x7F800000, v37;
	vm9 =	veq.s32 v9, s19;
	v38 =	vmin.f32 v38, v36  }
0x1a1: {  	v32 =	vsel vm9, $0x7F800000, v32;
	vm9 =	veq.s32 v10, s19;
	v38 =	vmin.f32 v38, v37  }
0x1a2: {  	v31 =	vsel vm9, $0x7F800000, v31;
	vm9 =	veq.s32 v11, s19;
	v38 =	vmin.f32 v38, v32  }
0x1a3: {  	v30 =	vsel vm9, $0x7F800000, v30;
	vm9 =	veq.s32 v12, s19;
	v38 =	vmin.f32 v38, v31  }
0x1a4: {  	v29 =	vsel vm9, $0x7F800000, v29;
	vm9 =	veq.s32 v13, s19;
	v38 =	vmin.f32 v38, v30  }
0x1a5: {  	v28 =	vsel vm9, $0x7F800000, v28;
	vm9 =	veq.s32 v14, s19;
	v38 =	vmin.f32 v38, v29  }
0x1a6: {  	v27 =	vsel vm9, $0x7F800000, v27;
	vm9 =	veq.s32 v15, s19;
	v38 =	vmin.f32 v38, v28  }
0x1a7: {  	v26 =	vsel vm9, $0x7F800000, v26;
	vm9 =	veq.s32 v16, s19;
	v38 =	vmin.f32 v38, v27  }
0x1a8: {  	v25 =	vsel vm9, $0x7F800000, v25;
	vm9 =	veq.s32 v17, s19;
	v38 =	vmin.f32 v38, v26  }
0x1a9: {  	v24 =	vsel vm9, $0x7F800000, v24;
	vm9 =	veq.s32 v19, s19;
	v38 =	vmin.f32 v38, v25  }
0x1aa: {  	v23 =	vsel vm9, $0x7F800000, v23;
	vm9 =	veq.s32 v20, s19;
	v38 =	vmin.f32 v38, v24  }
0x1ab: {  	v22 =	vsel vm9, $0x7F800000, v22;
	v38 =	vmin.f32 v38, v23  }
0x1ac: {  	v38 =	vmin.f32 v38, v22  }
0x1ad: {  	(xrf0) =	vmin.scan.msk.f32 $0xffff, v38;
	_ =	sdelay $0x5  }
0x1ae: {  	v38, _, _ =	vpop (xrf0)  }
0x1af: {  	v38 =	vbroadcast v38, $0xF;
	_ =	sdelay $0x1  }
0x1b0: {  	vm9 =	veq.f32 v33, v38  }
0x1b1: {  	v50 =	vnsel vm9, $0x40000000, v18  }
0x1b2: {  	vm9 =	vlt.s32 v50, v6  }
0x1b3: {  	vm10 =	veq.f32 v34, v38;
	v51 =	vsel vm9, v50, v6;
	vm9 =	veq.f32 v35, v38  }
0x1b4: {  	v39 =	vsel vm10, v51, v50;
	v52 =	vnsel vm9, $0x40000000, v7  }
0x1b5: {  	vm10 =	veq.f32 v36, v38;
	vm9 =	vlt.s32 v39, v52  }
0x1b6: {  	v53 =	vnsel vm10, $0x40000000, v8;
	v39 =	vsel vm9, v39, v52  }
0x1b7: {  	vm10 =	veq.f32 v37, v38;
	vm9 =	vlt.s32 v39, v53  }
0x1b8: {  	v54 =	vnsel vm10, $0x40000000, v5;
	v39 =	vsel vm9, v39, v53  }
0x1b9: {  	vm10 =	veq.f32 v32, v38;
	vm9 =	vlt.s32 v39, v54  }
0x1ba: {  	v55 =	vnsel vm10, $0x40000000, v9;
	v39 =	vsel vm9, v39, v54  }
0x1bb: {  	vm10 =	veq.f32 v31, v38;
	vm9 =	vlt.s32 v39, v55  }
0x1bc: {  	v56 =	vnsel vm10, $0x40000000, v10;
	v39 =	vsel vm9, v39, v55  }
0x1bd: {  	vm10 =	veq.f32 v30, v38;
	vm9 =	vlt.s32 v39, v56  }
0x1be: {  	v57 =	vnsel vm10, $0x40000000, v11;
	v39 =	vsel vm9, v39, v56  }
0x1bf: {  	vm10 =	veq.f32 v29, v38;
	vm9 =	vlt.s32 v39, v57  }
0x1c0: {  	v58 =	vnsel vm10, $0x40000000, v12;
	v39 =	vsel vm9, v39, v57  }
0x1c1: {  	vm10 =	veq.f32 v28, v38;
	vm9 =	vlt.s32 v39, v58  }
0x1c2: {  	v59 =	vnsel vm10, $0x40000000, v13;
	v39 =	vsel vm9, v39, v58  }
0x1c3: {  	vm10 =	veq.f32 v27, v38;
	vm9 =	vlt.s32 v39, v59  }
0x1c4: {  	v60 =	vnsel vm10, $0x40000000, v14;
	v39 =	vsel vm9, v39, v59  }
0x1c5: {  	vm10 =	veq.f32 v26, v38;
	vm9 =	vlt.s32 v39, v60  }
0x1c6: {  	v61 =	vnsel vm10, $0x40000000, v15;
	v39 =	vsel vm9, v39, v60  }
0x1c7: {  	vm10 =	veq.f32 v25, v38;
	vm9 =	vlt.s32 v39, v61  }
0x1c8: {  	v62 =	vnsel vm10, $0x40000000, v16;
	v39 =	vsel vm9, v39, v61  }
0x1c9: {  	vm10 =	veq.f32 v24, v38;
	vm9 =	vlt.s32 v39, v62  }
0x1ca: {  	v63 =	vnsel vm10, $0x40000000, v17;
	v39 =	vsel vm9, v39, v62  }
0x1cb: {  	vm10 =	veq.f32 v23, v38;
	vm9 =	vlt.s32 v39, v63  }
0x1cc: {  	v44 =	vnsel vm10, $0x40000000, v19;
	v39 =	vsel vm9, v39, v63  }
0x1cd: {  	vm10 =	veq.f32 v22, v38;
	vm9 =	vlt.s32 v39, v44  }
0x1ce: {  	v46 =	vnsel vm10, $0x40000000, v20;
	v45 =	vsel vm9, v39, v44  }
0x1cf: {  	vm9 =	vlt.s32 v45, v46  }
0x1d0: {  	v38 =	vsel vm9, v45, v46  }
0x1d1: {  	v38 =	vxor.u32 $0x80000000, v38  }
0x1d2: {  	(xrf0) =	vmin.scan.msk.u32 $0xffff, v38;
	_ =	sdelay $0x5  }
0x1d3: {  	v38, _, _ =	vpop (xrf0)  }
0x1d4: {  	(v2sf) =	vpush v38, $0xF;
	_ =	sdelay $0xe  }
0x1d5: {  	s20 =	spop (v2sf)  }
0x1d6: {  	s20 =	sxor.u32 $0x80000000, s20  }
0x1d7: {  	vm9 =	veq.s32 v21, s20;
	vm10 =	veq.s32 v6, s20  }
0x1d8: {  	v33 =	vsel vm9, $0x7F800000, v33;
	v34 =	vsel vm10, $0x7F800000, v34;
	vm9 =	veq.s32 v7, s20  }
0x1d9: {  	v35 =	vsel vm9, $0x7F800000, v35;
	vm9 =	veq.s32 v8, s20;
	v47 =	vmin.f32 v33, v34  }
0x1da: {  	v36 =	vsel vm9, $0x7F800000, v36;
	vm9 =	veq.s32 v5, s20;
	v38 =	vmin.f32 v47, v35  }
0x1db: {  	v37 =	vsel vm9, $0x7F800000, v37;
	vm9 =	veq.s32 v9, s20;
	v38 =	vmin.f32 v38, v36  }
0x1dc: {  	v32 =	vsel vm9, $0x7F800000, v32;
	vm9 =	veq.s32 v10, s20;
	v38 =	vmin.f32 v38, v37  }
0x1dd: {  	v31 =	vsel vm9, $0x7F800000, v31;
	vm9 =	veq.s32 v11, s20;
	v38 =	vmin.f32 v38, v32  }
0x1de: {  	v30 =	vsel vm9, $0x7F800000, v30;
	vm9 =	veq.s32 v12, s20;
	v38 =	vmin.f32 v38, v31  }
0x1df: {  	v29 =	vsel vm9, $0x7F800000, v29;
	vm9 =	veq.s32 v13, s20;
	v38 =	vmin.f32 v38, v30  }
0x1e0: {  	v28 =	vsel vm9, $0x7F800000, v28;
	vm9 =	veq.s32 v14, s20;
	v38 =	vmin.f32 v38, v29  }
0x1e1: {  	v27 =	vsel vm9, $0x7F800000, v27;
	vm9 =	veq.s32 v15, s20;
	v38 =	vmin.f32 v38, v28  }
0x1e2: {  	v26 =	vsel vm9, $0x7F800000, v26;
	vm9 =	veq.s32 v16, s20;
	v38 =	vmin.f32 v38, v27  }
0x1e3: {  	v25 =	vsel vm9, $0x7F800000, v25;
	vm9 =	veq.s32 v17, s20;
	v38 =	vmin.f32 v38, v26  }
0x1e4: {  	v24 =	vsel vm9, $0x7F800000, v24;
	vm9 =	veq.s32 v19, s20;
	v38 =	vmin.f32 v38, v25  }
0x1e5: {  	v23 =	vsel vm9, $0x7F800000, v23;
	vm9 =	veq.s32 v20, s20;
	v38 =	vmin.f32 v38, v24  }
0x1e6: {  	v22 =	vsel vm9, $0x7F800000, v22;
	v38 =	vmin.f32 v38, v23  }
0x1e7: {  	v38 =	vmin.f32 v38, v22  }
0x1e8: {  	(xrf0) =	vmin.scan.msk.f32 $0xffff, v38;
	_ =	sdelay $0x5  }
0x1e9: {  	v38, _, _ =	vpop (xrf0)  }
0x1ea: {  	v38 =	vbroadcast v38, $0xF;
	_ =	sdelay $0x1  }
0x1eb: {  	vm9 =	veq.f32 v33, v38  }
0x1ec: {  	v48 =	vnsel vm9, $0x40000000, v18  }
0x1ed: {  	vm9 =	vlt.s32 v48, v6  }
0x1ee: {  	vm10 =	veq.f32 v34, v38;
	v49 =	vsel vm9, v48, v6;
	vm9 =	veq.f32 v35, v38  }
0x1ef: {  	v39 =	vsel vm10, v49, v48;
	v50 =	vnsel vm9, $0x40000000, v7  }
0x1f0: {  	vm10 =	veq.f32 v36, v38;
	vm9 =	vlt.s32 v39, v50  }
0x1f1: {  	v51 =	vnsel vm10, $0x40000000, v8;
	v39 =	vsel vm9, v39, v50  }
0x1f2: {  	vm10 =	veq.f32 v37, v38;
	vm9 =	vlt.s32 v39, v51  }
0x1f3: {  	v52 =	vnsel vm10, $0x40000000, v5;
	v39 =	vsel vm9, v39, v51  }
0x1f4: {  	vm10 =	veq.f32 v32, v38;
	vm9 =	vlt.s32 v39, v52  }
0x1f5: {  	v53 =	vnsel vm10, $0x40000000, v9;
	v39 =	vsel vm9, v39, v52  }
0x1f6: {  	vm10 =	veq.f32 v31, v38;
	vm9 =	vlt.s32 v39, v53  }
0x1f7: {  	v54 =	vnsel vm10, $0x40000000, v10;
	v39 =	vsel vm9, v39, v53  }
0x1f8: {  	vm10 =	veq.f32 v30, v38;
	vm9 =	vlt.s32 v39, v54  }
0x1f9: {  	v55 =	vnsel vm10, $0x40000000, v11;
	v39 =	vsel vm9, v39, v54  }
0x1fa: {  	vm10 =	veq.f32 v29, v38;
	vm9 =	vlt.s32 v39, v55  }
0x1fb: {  	v56 =	vnsel vm10, $0x40000000, v12;
	v39 =	vsel vm9, v39, v55  }
0x1fc: {  	vm10 =	veq.f32 v28, v38;
	vm9 =	vlt.s32 v39, v56  }
0x1fd: {  	v57 =	vnsel vm10, $0x40000000, v13;
	v39 =	vsel vm9, v39, v56  }
0x1fe: {  	vm10 =	veq.f32 v27, v38;
	vm9 =	vlt.s32 v39, v57  }
0x1ff: {  	v58 =	vnsel vm10, $0x40000000, v14;
	v39 =	vsel vm9, v39, v57  }
0x200: {  	vm10 =	veq.f32 v26, v38;
	vm9 =	vlt.s32 v39, v58  }
0x201: {  	v59 =	vnsel vm10, $0x40000000, v15;
	v39 =	vsel vm9, v39, v58  }
0x202: {  	vm10 =	veq.f32 v25, v38;
	vm9 =	vlt.s32 v39, v59  }
0x203: {  	v60 =	vnsel vm10, $0x40000000, v16;
	v39 =	vsel vm9, v39, v59  }
0x204: {  	vm10 =	veq.f32 v24, v38;
	vm9 =	vlt.s32 v39, v60  }
0x205: {  	v61 =	vnsel vm10, $0x40000000, v17;
	v39 =	vsel vm9, v39, v60  }
0x206: {  	vm10 =	veq.f32 v23, v38;
	vm9 =	vlt.s32 v39, v61  }
0x207: {  	v62 =	vnsel vm10, $0x40000000, v19;
	v39 =	vsel vm9, v39, v61  }
0x208: {  	vm10 =	veq.f32 v22, v38;
	vm9 =	vlt.s32 v39, v62  }
0x209: {  	v42 =	vnsel vm10, $0x40000000, v20;
	v63 =	vsel vm9, v39, v62  }
0x20a: {  	vm9 =	vlt.s32 v63, v42  }
0x20b: {  	v38 =	vsel vm9, v63, v42  }
0x20c: {  	v38 =	vxor.u32 $0x80000000, v38  }
0x20d: {  	(xrf0) =	vmin.scan.msk.u32 $0xffff, v38;
	_ =	sdelay $0x5  }
0x20e: {  	v38, _, _ =	vpop (xrf0)  }
0x20f: {  	(v2sf) =	vpush v38, $0xF;
	_ =	sdelay $0xe  }
0x210: {  	s21 =	spop (v2sf)  }
0x211: {  	s21 =	sxor.u32 $0x80000000, s21  }
0x212: {  	vm9 =	veq.s32 v21, s21;
	vm10 =	veq.s32 v6, s21  }
0x213: {  	v33 =	vsel vm9, $0x7F800000, v33;
	v34 =	vsel vm10, $0x7F800000, v34;
	vm9 =	veq.s32 v7, s21  }
0x214: {  	v35 =	vsel vm9, $0x7F800000, v35;
	vm9 =	veq.s32 v8, s21;
	v43 =	vmin.f32 v33, v34  }
0x215: {  	v36 =	vsel vm9, $0x7F800000, v36;
	vm9 =	veq.s32 v5, s21;
	v38 =	vmin.f32 v43, v35  }
0x216: {  	v37 =	vsel vm9, $0x7F800000, v37;
	vm9 =	veq.s32 v9, s21;
	v38 =	vmin.f32 v38, v36  }
0x217: {  	v32 =	vsel vm9, $0x7F800000, v32;
	vm9 =	veq.s32 v10, s21;
	v38 =	vmin.f32 v38, v37  }
0x218: {  	v31 =	vsel vm9, $0x7F800000, v31;
	vm9 =	veq.s32 v11, s21;
	v38 =	vmin.f32 v38, v32  }
0x219: {  	v30 =	vsel vm9, $0x7F800000, v30;
	vm9 =	veq.s32 v12, s21;
	v38 =	vmin.f32 v38, v31  }
0x21a: {  	v29 =	vsel vm9, $0x7F800000, v29;
	vm9 =	veq.s32 v13, s21;
	v38 =	vmin.f32 v38, v30  }
0x21b: {  	v28 =	vsel vm9, $0x7F800000, v28;
	vm9 =	veq.s32 v14, s21;
	v38 =	vmin.f32 v38, v29  }
0x21c: {  	v27 =	vsel vm9, $0x7F800000, v27;
	vm9 =	veq.s32 v15, s21;
	v38 =	vmin.f32 v38, v28  }
0x21d: {  	v26 =	vsel vm9, $0x7F800000, v26;
	vm9 =	veq.s32 v16, s21;
	v38 =	vmin.f32 v38, v27  }
0x21e: {  	v25 =	vsel vm9, $0x7F800000, v25;
	vm9 =	veq.s32 v17, s21;
	v38 =	vmin.f32 v38, v26  }
0x21f: {  	v24 =	vsel vm9, $0x7F800000, v24;
	vm9 =	veq.s32 v19, s21;
	v38 =	vmin.f32 v38, v25  }
0x220: {  	v23 =	vsel vm9, $0x7F800000, v23;
	vm9 =	veq.s32 v20, s21;
	v38 =	vmin.f32 v38, v24  }
0x221: {  	v22 =	vsel vm9, $0x7F800000, v22;
	v38 =	vmin.f32 v38, v23  }
0x222: {  	v38 =	vmin.f32 v38, v22  }
0x223: {  	(xrf0) =	vmin.scan.msk.f32 $0xffff, v38;
	_ =	sdelay $0x5  }
0x224: {  	v38, _, _ =	vpop (xrf0)  }
0x225: {  	v38 =	vbroadcast v38, $0xF;
	_ =	sdelay $0x1  }
0x226: {  	vm9 =	veq.f32 v33, v38  }
0x227: {  	v44 =	vnsel vm9, $0x40000000, v18  }
0x228: {  	vm9 =	vlt.s32 v44, v6  }
0x229: {  	vm10 =	veq.f32 v34, v38;
	v45 =	vsel vm9, v44, v6;
	vm9 =	veq.f32 v35, v38  }
0x22a: {  	v39 =	vsel vm10, v45, v44;
	v46 =	vnsel vm9, $0x40000000, v7  }
0x22b: {  	vm10 =	veq.f32 v36, v38;
	vm9 =	vlt.s32 v39, v46  }
0x22c: {  	v47 =	vnsel vm10, $0x40000000, v8;
	v39 =	vsel vm9, v39, v46  }
0x22d: {  	vm10 =	veq.f32 v37, v38;
	vm9 =	vlt.s32 v39, v47  }
0x22e: {  	v48 =	vnsel vm10, $0x40000000, v5;
	v39 =	vsel vm9, v39, v47  }
0x22f: {  	vm10 =	veq.f32 v32, v38;
	vm9 =	vlt.s32 v39, v48  }
0x230: {  	v49 =	vnsel vm10, $0x40000000, v9;
	v39 =	vsel vm9, v39, v48  }
0x231: {  	vm10 =	veq.f32 v31, v38;
	vm9 =	vlt.s32 v39, v49  }
0x232: {  	v50 =	vnsel vm10, $0x40000000, v10;
	v39 =	vsel vm9, v39, v49  }
0x233: {  	vm10 =	veq.f32 v30, v38;
	vm9 =	vlt.s32 v39, v50  }
0x234: {  	v51 =	vnsel vm10, $0x40000000, v11;
	v39 =	vsel vm9, v39, v50  }
0x235: {  	vm10 =	veq.f32 v29, v38;
	vm9 =	vlt.s32 v39, v51  }
0x236: {  	v52 =	vnsel vm10, $0x40000000, v12;
	v39 =	vsel vm9, v39, v51  }
0x237: {  	vm10 =	veq.f32 v28, v38;
	vm9 =	vlt.s32 v39, v52  }
0x238: {  	v53 =	vnsel vm10, $0x40000000, v13;
	v39 =	vsel vm9, v39, v52  }
0x239: {  	vm10 =	veq.f32 v27, v38;
	vm9 =	vlt.s32 v39, v53  }
0x23a: {  	v54 =	vnsel vm10, $0x40000000, v14;
	v39 =	vsel vm9, v39, v53  }
0x23b: {  	vm10 =	veq.f32 v26, v38;
	vm9 =	vlt.s32 v39, v54  }
0x23c: {  	v55 =	vnsel vm10, $0x40000000, v15;
	v39 =	vsel vm9, v39, v54  }
0x23d: {  	vm10 =	veq.f32 v25, v38;
	vm9 =	vlt.s32 v39, v55  }
0x23e: {  	v56 =	vnsel vm10, $0x40000000, v16;
	v39 =	vsel vm9, v39, v55  }
0x23f: {  	vm10 =	veq.f32 v24, v38;
	vm9 =	vlt.s32 v39, v56  }
0x240: {  	v57 =	vnsel vm10, $0x40000000, v17;
	v39 =	vsel vm9, v39, v56  }
0x241: {  	vm10 =	veq.f32 v23, v38;
	vm9 =	vlt.s32 v39, v57  }
0x242: {  	v58 =	vnsel vm10, $0x40000000, v19;
	v39 =	vsel vm9, v39, v57  }
0x243: {  	vm10 =	veq.f32 v22, v38;
	vm9 =	vlt.s32 v39, v58  }
0x244: {  	v60 =	vnsel vm10, $0x40000000, v20;
	v59 =	vsel vm9, v39, v58  }
0x245: {  	vm9 =	vlt.s32 v59, v60  }
0x246: {  	v38 =	vsel vm9, v59, v60  }
0x247: {  	v38 =	vxor.u32 $0x80000000, v38  }
0x248: {  	(xrf0) =	vmin.scan.msk.u32 $0xffff, v38;
	_ =	sdelay $0x5  }
0x249: {  	v38, _, _ =	vpop (xrf0)  }
0x24a: {  	(v2sf) =	vpush v38, $0xF;
	_ =	sdelay $0xe  }
0x24b: {  	s22 =	spop (v2sf)  }
0x24c: {  	s22 =	sxor.u32 $0x80000000, s22  }
0x24d: {  	vm9 =	veq.s32 v21, s22;
	vm10 =	veq.s32 v6, s22  }
0x24e: {  	v21 =	vsel vm9, $0x7F800000, v33;
	v61 =	vsel vm10, $0x7F800000, v34;
	vm9 =	veq.s32 v7, s22  }
0x24f: {  	v62 =	vsel vm9, $0x7F800000, v35;
	vm9 =	veq.s32 v8, s22;
	v63 =	vmin.f32 v21, v61  }
0x250: {  	v36 =	vsel vm9, $0x7F800000, v36;
	vm9 =	veq.s32 v5, s22;
	v35 =	vmin.f32 v63, v62  }
0x251: {  	v37 =	vsel vm9, $0x7F800000, v37;
	vm9 =	veq.s32 v9, s22;
	v35 =	vmin.f32 v35, v36  }
0x252: {  	v32 =	vsel vm9, $0x7F800000, v32;
	vm9 =	veq.s32 v10, s22;
	v35 =	vmin.f32 v35, v37  }
0x253: {  	v31 =	vsel vm9, $0x7F800000, v31;
	vm9 =	veq.s32 v11, s22;
	v35 =	vmin.f32 v35, v32  }
0x254: {  	v30 =	vsel vm9, $0x7F800000, v30;
	vm9 =	veq.s32 v12, s22;
	v35 =	vmin.f32 v35, v31  }
0x255: {  	v29 =	vsel vm9, $0x7F800000, v29;
	vm9 =	veq.s32 v13, s22;
	v35 =	vmin.f32 v35, v30  }
0x256: {  	v28 =	vsel vm9, $0x7F800000, v28;
	vm9 =	veq.s32 v14, s22;
	v35 =	vmin.f32 v35, v29  }
0x257: {  	v27 =	vsel vm9, $0x7F800000, v27;
	vm9 =	veq.s32 v15, s22;
	v35 =	vmin.f32 v35, v28  }
0x258: {  	v26 =	vsel vm9, $0x7F800000, v26;
	vm9 =	veq.s32 v16, s22;
	v35 =	vmin.f32 v35, v27  }
0x259: {  	v25 =	vsel vm9, $0x7F800000, v25;
	vm9 =	veq.s32 v17, s22;
	v35 =	vmin.f32 v35, v26  }
0x25a: {  	v24 =	vsel vm9, $0x7F800000, v24;
	vm9 =	veq.s32 v19, s22;
	v35 =	vmin.f32 v35, v25  }
0x25b: {  	v23 =	vsel vm9, $0x7F800000, v23;
	vm9 =	veq.s32 v20, s22;
	v35 =	vmin.f32 v35, v24  }
0x25c: {  	v22 =	vsel vm9, $0x7F800000, v22;
	v35 =	vmin.f32 v35, v23  }
0x25d: {  	v35 =	vmin.f32 v35, v22  }
0x25e: {  	(xrf0) =	vmin.scan.msk.f32 $0xffff, v35;
	_ =	sdelay $0x5  }
0x25f: {  	v35, _, _ =	vpop (xrf0)  }
0x260: {  	v35 =	vbroadcast v35, $0xF;
	_ =	sdelay $0x1  }
0x261: {  	vm9 =	veq.f32 v21, v35  }
0x262: {  	v18 =	vnsel vm9, $0x40000000, v18  }
0x263: {  	vm9 =	vlt.s32 v18, v6  }
0x264: {  	vm10 =	veq.f32 v61, v35;
	v6 =	vsel vm9, v18, v6;
	vm9 =	veq.f32 v62, v35  }
0x265: {  	v6 =	vsel vm10, v6, v18;
	v7 =	vnsel vm9, $0x40000000, v7  }
0x266: {  	vm10 =	veq.f32 v36, v35;
	vm9 =	vlt.s32 v6, v7  }
0x267: {  	v6 =	vsel vm9, v6, v7;
	v7 =	vnsel vm10, $0x40000000, v8  }
0x268: {  	vm10 =	veq.f32 v37, v35;
	vm9 =	vlt.s32 v6, v7  }
0x269: {  	v5 =	vnsel vm10, $0x40000000, v5;
	v6 =	vsel vm9, v6, v7  }
0x26a: {  	vm10 =	veq.f32 v32, v35;
	vm9 =	vlt.s32 v6, v5  }
0x26b: {  	v5 =	vsel vm9, v6, v5;
	v6 =	vnsel vm10, $0x40000000, v9  }
0x26c: {  	vm10 =	veq.f32 v31, v35;
	vm9 =	vlt.s32 v5, v6  }
0x26d: {  	v5 =	vsel vm9, v5, v6;
	v6 =	vnsel vm10, $0x40000000, v10  }
0x26e: {  	vm10 =	veq.f32 v30, v35;
	vm9 =	vlt.s32 v5, v6  }
0x26f: {  	v5 =	vsel vm9, v5, v6;
	v6 =	vnsel vm10, $0x40000000, v11  }
0x270: {  	vm10 =	veq.f32 v29, v35;
	vm9 =	vlt.s32 v5, v6  }
0x271: {  	v5 =	vsel vm9, v5, v6;
	v6 =	vnsel vm10, $0x40000000, v12  }
0x272: {  	vm10 =	veq.f32 v28, v35;
	vm9 =	vlt.s32 v5, v6  }
0x273: {  	v5 =	vsel vm9, v5, v6;
	v6 =	vnsel vm10, $0x40000000, v13  }
0x274: {  	vm10 =	veq.f32 v27, v35;
	vm9 =	vlt.s32 v5, v6  }
0x275: {  	v5 =	vsel vm9, v5, v6;
	v6 =	vnsel vm10, $0x40000000, v14  }
0x276: {  	vm10 =	veq.f32 v26, v35;
	vm9 =	vlt.s32 v5, v6  }
0x277: {  	v5 =	vsel vm9, v5, v6;
	v6 =	vnsel vm10, $0x40000000, v15  }
0x278: {  	vm10 =	veq.f32 v25, v35;
	vm9 =	vlt.s32 v5, v6  }
0x279: {  	v5 =	vsel vm9, v5, v6;
	v6 =	vnsel vm10, $0x40000000, v16  }
0x27a: {  	vm10 =	veq.f32 v24, v35;
	vm9 =	vlt.s32 v5, v6  }
0x27b: {  	v5 =	vsel vm9, v5, v6;
	v6 =	vnsel vm10, $0x40000000, v17  }
0x27c: {  	vm10 =	veq.f32 v23, v35;
	vm9 =	vlt.s32 v5, v6  }
0x27d: {  	v5 =	vsel vm9, v5, v6;
	v6 =	vnsel vm10, $0x40000000, v19  }
0x27e: {  	vm10 =	veq.f32 v22, v35;
	vm9 =	vlt.s32 v5, v6  }
0x27f: {  	v5 =	vsel vm9, v5, v6;
	v6 =	vnsel vm10, $0x40000000, v20  }
0x280: {  	vm9 =	vlt.s32 v5, v6  }
0x281: {  	v5 =	vsel vm9, v5, v6  }
0x282: {  	v5 =	vxor.u32 $0x80000000, v5  }
0x283: {  	(xrf0) =	vmin.scan.msk.u32 $0xffff, v5;
	_ =	sdelay $0x5  }
0x284: {  	v5, _, _ =	vpop (xrf0)  }
0x285: {  	(v2sf) =	vpush v5, $0xF;
	_ =	sdelay $0x7  }
0x286: {  	v5 =	vmov s15  }
0x287: {  	v5 =	vnsel vm1, $0x0, v5  }
0x288: {  	v5 =	vsel vm2, s16, v5  }
0x289: {  	v5 =	vnsel vm3, s17, v5  }
0x28a: {  	s13 =	sadd.s32 $0x1, s13;
	v5 =	vnsel vm4, s18, v5  }
0x28b: {  	p0 =	sne.s32 s13, $0x40;
	v5 =	vnsel vm5, s19, v5  }
.Ltmp2:
0x28c: {  	v5 =	vnsel vm6, s20, v5;
	(pc) =	sbr.rel @p0 .LBB2_2-.Ltmp2, $4  }
0x28d: {  	v5 =	vnsel vm7, s21, v5;
	s31 =	spop (v2sf)  }
0x28e: {  	vm9 =	veq.s32 v0, $0x8;
	v5 =	vnsel vm8, s22, v5;
	s15 =	sxor.u32 $0x80000000, s31  }
0x28f: {  	s14 =	sand.u32 $0x3FFFFFF0, s14;
	v5 =	vsel vm9, s15, v5  }
0x290: {  	[tilespmem:s14+$0x1200] =	vst v5  }
0x291: {  	s12 =	sadd.s32 $0x1, s12  }
0x292: {  	p0 =	sne.s32 s12, s5  }
.Ltmp3:
0x293: {  	_ = 	snop;
	(pc) =	sbr.rel @p0 .LBB2_1-.Ltmp3, $4  }
0x294: {  	[hbm4b:s4+s2] =	stream.linear.scatter [tilespmem:s11], [sflag:$0x1], $0x400, $0x38;
	[tilespmem:$0x1600] =	vst v63  }
0x295: {  	_ =	swait.ge [sflag:s8], $0x400  }
0x296: {  	[sflag:s8] =	ssyncset.done $0x0  }
0x297: {  	[sflag:s8] =	ssyncadd.s32 $0xFFFFFC00  }
0x298: {  	_ =	sfence.sel $0x180000  }
0x299: {  	[bflag:$0x0] =	sbarrier.arrive $0xFFFF  }
0x29a: {  	p0 =	sne.s32 s0, $0x0;
	_ =	strace $0x90000047  }
0x29b: {  	s0 =	sadd.s32 @!p0 $0x100000, s1;
	[bflag:$0x2] =	sbarrier.arrive $0xFFFF  }
0x29c: {  	[sflag:s0] =	ssyncadd.tile.s32 @!p0 $0x1;
	_ =	shalt  }
.Lfunc_end2:
_tile_overlayer_lowered:
.L_overlay_start_2:
0x29d: {  	(tag) =	ssettag $0x2  }
0x29e: {  	s0 =	rddreg [dreg:$0x0];
	s2 =	stileid.u32  }
0x29f: {  	s1 =	rddreg [dreg:$0x1];
	p0 =	sne.s32 s2, $0x0  }
0x2a0: {  	s3 =	rddreg [dreg:$0x2];
	[bflag:$0x3] =	sbarrier.arrive $0xFFFF;
	s2 =	simm.s32 @!p0 $0x1C01  }
0x2a1: {  	[timem:s3], [sflag:s2] =	dma.local @!p0 [hbm:s0], s1  }
0x2a2: {  	s0 =	simm.s32 @!p0 $0x1  }
0x2a3: {  	_ =	swait.ge @!p0 [sflag:s0], s1  }
0x2a4: {  	s1 =	ssub.s32 @!p0 $0x0, s1;
	[sflag:s0] =	ssyncset.done @!p0 $0x0  }
0x2a5: {  	[sflag:s0] =	ssyncadd.s32 @!p0 s1  }
0x2a6: {  	[bflag:$0x3] =	sbarrier.arrive $0xFFFF  }
0x2a7: {  	_ =	shalt  }

</sc_bundles>
